<compile_context>
chip_gen: v7x
topology: tpu7x:2x2x1
jax: 0.10.2.dev20260603
libtpu: 0.0.44.dev20260713+nightly
codegen_flags: <defaults>
</compile_context>

<pallas_src>
import functools

import jax
import jax.numpy as jnp
from jax import lax
from jax.experimental import pallas as pl
from jax.experimental.pallas import tpu as pltpu
from jax.experimental.pallas import tpu_sc as plsc

_NC = 2
_NS = 16
_U = 5
_CW = 16


def _sc_agg(tab, src1, dst1, with_cnt, c):
    n, d = tab.shape
    dt = tab.dtype
    e = src1.shape[0]
    nw = _NC * _NS
    nchunks = e // c // nw
    ngrp = nchunks // _U
    assert nchunks * c * nw == e and ngrp * _U == nchunks
    full_dst = not with_cnt
    stripe = 640
    last_stripe = n - stripe * (_NS - 1)
    assert last_stripe > 0 and last_stripe % 8 == 0
    f32 = jnp.float32

    out_type = [jax.ShapeDtypeStruct((n, d), dt) for _ in range(_NC)]
    scratch = [
        pltpu.VMEM((nchunks, c), jnp.int32),
        pltpu.VMEM((nchunks if full_dst else _U, c), jnp.int32),
        pltpu.VMEM((c, d), dt),
        pltpu.VMEM((c, d), dt),
        pltpu.VMEM_SHARED((n, d), dt),
        pltpu.SemaphoreType.DMA,
        pltpu.SemaphoreType.DMA,
        pltpu.SemaphoreType.DMA,
        pltpu.SemaphoreType.DMA,
    ]
    if with_cnt:
        out_type += [jax.ShapeDtypeStruct((n, _CW), f32) for _ in range(_NC)]
        scratch += [
            pltpu.VMEM((c, _CW), f32),
            pltpu.VMEM_SHARED((n, _CW), f32),
        ]

    mesh = plsc.VectorSubcoreMesh(core_axis_name="c", subcore_axis_name="s")
    cparams = pltpu.CompilerParams(use_tc_tiling_on_sc=False)

    @functools.partial(pl.kernel, mesh=mesh, out_type=out_type,
                       scratch_types=scratch, compiler_params=cparams)
    def k(tab_h, src_h, dst_h, zd_h, zc_h, *rest):
        if with_cnt:
            (o0, o1, oc0, oc1, srcb, dstb, rows0, rows1, acc,
             gsem0, gsem1, ssem0, ssem1, ones_v, accc) = rest
        else:
            (o0, o1, srcb, dstb, rows0, rows1, acc,
             gsem0, gsem1, ssem0, ssem1) = rest
            ones_v = accc = None
        rows = (rows0, rows1)
        gsems = (gsem0, gsem1)
        ssems = (ssem0, ssem1)
        cid = lax.axis_index("c")
        sid = lax.axis_index("s")
        wid = cid * _NS + sid
        r0 = sid * stripe

        def _each_stripe(fn):
            @pl.when(sid < _NS - 1)
            def _():
                fn(pl.ds(r0, stripe))

            @pl.when(sid == _NS - 1)
            def _():
                fn(pl.ds((_NS - 1) * stripe, last_stripe))

        def _init(rsl):
            pltpu.sync_copy(zd_h.at[rsl], acc.at[rsl])
            if with_cnt:
                pltpu.sync_copy(zc_h.at[rsl], accc.at[rsl])

        _each_stripe(_init)
        base = wid * nchunks
        pltpu.sync_copy(src_h.at[pl.ds(base, nchunks)], srcb)
        if full_dst:
            pltpu.sync_copy(dst_h.at[pl.ds(base, nchunks)], dstb)
        if with_cnt:
            for i in range(c):
                ones_v[i] = jnp.ones((_CW,), f32)
        plsc.subcore_barrier()

        def _drain(b):
            pltpu.make_async_copy(zd_h.at[pl.ds(0, c)], rows[b],
                                  ssems[b]).wait()
            if with_cnt:
                pltpu.make_async_copy(zc_h.at[pl.ds(0, c)], ones_v,
                                      ssems[b]).wait()

        def _scatter(u, dsl):
            b = u % 2
            pltpu.async_copy(rows[b], acc.at[dsl], ssems[b], add=True)
            if with_cnt:
                pltpu.async_copy(ones_v, accc.at[dsl], ssems[b], add=True)

        def do_group(g, first):
            j0 = g * _U
            if not first:
                _drain(0)
                _drain(1)
            if not full_dst:
                pltpu.sync_copy(dst_h.at[pl.ds(base + j0, _U)], dstb)
            handles = [None] * _U
            for u in range(_U):
                b = u % 2
                if u >= 2:
                    _drain(b)
                handles[u] = pltpu.async_copy(
                    tab_h.at[srcb.at[j0 + u]], rows[b], gsems[b])
                if u > 0:
                    handles[u - 1].wait()
                    _scatter(u - 1,
                             dstb.at[(j0 + u - 1) if full_dst else (u - 1)])
            handles[_U - 1].wait()
            _scatter(_U - 1, dstb.at[(j0 + _U - 1) if full_dst else (_U - 1)])

        do_group(0, True)

        def grp(g, carry):
            do_group(g, False)
            return carry

        lax.fori_loop(1, ngrp, grp, 0)
        _drain(0)
        _drain(1)
        plsc.subcore_barrier()

        def _writeout(rsl):
            @pl.when(cid == 0)
            def _():
                pltpu.sync_copy(acc.at[rsl], o0.at[rsl])
                if with_cnt:
                    pltpu.sync_copy(accc.at[rsl], oc0.at[rsl])

            @pl.when(cid == 1)
            def _():
                pltpu.sync_copy(acc.at[rsl], o1.at[rsl])
                if with_cnt:
                    pltpu.sync_copy(accc.at[rsl], oc1.at[rsl])

        _each_stripe(_writeout)

    zd = jnp.zeros((n, d), dt)
    zc = jnp.zeros((n, _CW), f32)
    return k(tab, src1.reshape(-1, c), dst1.reshape(-1, c), zd, zc)


def _dense1_body(a0, a1, c0, c1, xr, wl1, bl1, wr1, g1r, be1r, wl2, wr2,
                 oh2, ohr, ocnt):
    cnt = jnp.maximum((c0[...] + c1[...])[:, 0:1], 1.0)
    mean1 = (a0[...].astype(jnp.float32) + a1[...].astype(jnp.float32)) / cnt
    h = (jnp.dot(mean1, wl1[...], preferred_element_type=jnp.float32)
         + bl1[...]
         + jnp.dot(xr[...], wr1[...], preferred_element_type=jnp.float32))
    mu = jnp.mean(h, axis=0, keepdims=True)
    var = jnp.mean((h - mu) ** 2, axis=0, keepdims=True)
    h = (h - mu) / jnp.sqrt(var + 1e-5) * g1r[...] + be1r[...]
    h = jnp.maximum(h, 0.0)
    oh2[...] = jnp.dot(h, wl2[...],
                       preferred_element_type=jnp.float32).astype(jnp.bfloat16)
    ohr[...] = jnp.dot(h, wr2[...], preferred_element_type=jnp.float32)
    ocnt[...] = cnt


def _dense2_body(q0, q1, cnt_r, hr, bl2, g2r, be2r, wc, bc, out):
    h = ((q0[...].astype(jnp.float32) + q1[...].astype(jnp.float32))
         / cnt_r[...] + bl2[...] + hr[...])
    mu = jnp.mean(h, axis=0, keepdims=True)
    var = jnp.mean((h - mu) ** 2, axis=0, keepdims=True)
    h = (h - mu) / jnp.sqrt(var + 1e-5) * g2r[...] + be2r[...]
    h = jnp.maximum(h, 0.0)
    out[...] = jnp.dot(h, wc[...], preferred_element_type=jnp.float32) + bc[...]


def kernel(x, edge_index, W_l1, b_l1, W_r1, g1, be1, W_l2, b_l2, W_r2,
           g2, be2, Wc, bc):
    n, d = x.shape
    e = edge_index.shape[1]
    h2 = W_l2.shape[0]
    f32 = jnp.float32

    src1 = edge_index[0]
    dst1 = edge_index[1]

    a0, a1, c0, c1 = _sc_agg(x.astype(jnp.bfloat16), src1, dst1,
                             with_cnt=True, c=80)

    dense1 = pl.pallas_call(
        _dense1_body,
        out_shape=[
            jax.ShapeDtypeStruct((n, h2), jnp.bfloat16),
            jax.ShapeDtypeStruct((n, h2), f32),
            jax.ShapeDtypeStruct((n, 1), f32),
        ],
    )
    h2pre, hr, cnt = dense1(
        a0, a1, c0, c1, x, W_l1.T, b_l1.reshape(1, -1), W_r1.T,
        g1.reshape(1, -1), be1.reshape(1, -1), W_l2.T, W_r2.T)

    q0, q1 = _sc_agg(h2pre, src1, dst1, with_cnt=False, c=80)

    wc_pad = jnp.zeros((h2, 8), f32).at[:, :2].set(Wc.T)
    bc_pad = jnp.zeros((1, 8), f32).at[0, :2].set(bc)
    dense2 = pl.pallas_call(
        _dense2_body,
        out_shape=jax.ShapeDtypeStruct((n, 8), f32),
    )
    logits8 = dense2(q0, q1, cnt, hr, b_l2.reshape(1, -1),
                     g2.reshape(1, -1), be2.reshape(1, -1), wc_pad, bc_pad)
    return logits8[:, :2]

# --- scband reference (transcript-rebuilt; emitter-appended) ---
"""Pipeline reference for scband-smurfing-hunter-85796266705369 (READ-ONLY COPY).

The authoritative reference and input builder live on the scoring server;
editing this copy changes nothing except your own understanding.
"""

import jax, jax.numpy as jnp
import numpy as np

N = 10000
E = 320000
D = 128
H = 128

def _sage(x, edge_index, W_l, b_l, W_r):
    # PyG SAGEConv(aggr='mean'): out = lin_l(mean_j x_j) + lin_r(x_i)
    src = edge_index[0]
    dst = edge_index[1]
    msgs = jnp.take(x, src, axis=0)
    agg = jax.ops.segment_sum(msgs, dst, num_segments=x.shape[0])
    cnt = jax.ops.segment_sum(jnp.ones((msgs.shape[0],), x.dtype), dst, num_segments=x.shape[0])
    mean = agg / jnp.clip(cnt, 1.0)[:, None]
    return mean @ W_l.T + b_l + x @ W_r.T

def _bn(x, gamma, beta, eps=1e-5):
    mu = jnp.mean(x, axis=0)
    var = jnp.var(x, axis=0)
    return (x - mu) / jnp.sqrt(var + eps) * gamma + beta

def setup_inputs(seed: int = 0) -> dict:
    key = jax.random.key(seed)
    ks = jax.random.split(key, 16)
    inp = {}
    inp["x"] = jax.random.normal(ks[0], (N, D), dtype=jnp.float32)
    inp["edge_index"] = jax.random.randint(ks[1], (2, E), 0, N, dtype=jnp.int32)
    # SAGEConv layer 1: D -> H
    inp["W_l1"] = jax.random.normal(ks[2], (H, D), dtype=jnp.float32) * 0.05
    inp["b_l1"] = jnp.zeros((H,), dtype=jnp.float32)
    inp["W_r1"] = jax.random.normal(ks[3], (H, D), dtype=jnp.float32) * 0.05
    inp["g1"] = jnp.ones((H,), dtype=jnp.float32)
    inp["be1"] = jnp.zeros((H,), dtype=jnp.float32)
    # SAGEConv layer 2: H -> H//2
    inp["W_l2"] = jax.random.normal(ks[4], (H // 2, H), dtype=jnp.float32) * 0.05
    inp["b_l2"] = jnp.zeros((H // 2,), dtype=jnp.float32)
    inp["W_r2"] = jax.random.normal(ks[5], (H // 2, H), dtype=jnp.float32) * 0.05
    inp["g2"] = jnp.ones((H // 2,), dtype=jnp.float32)
    inp["be2"] = jnp.zeros((H // 2,), dtype=jnp.float32)
    # classifier: H//2 -> 2
    inp["Wc"] = jax.random.normal(ks[6], (2, H // 2), dtype=jnp.float32) * 0.05
    inp["bc"] = jnp.zeros((2,), dtype=jnp.float32)
    return inp

def reference(x, edge_index, W_l1, b_l1, W_r1, g1, be1, W_l2, b_l2, W_r2, g2, be2, Wc, bc):
    h = _sage(x, edge_index, W_l1, b_l1, W_r1)
    h = jax.nn.relu(_bn(h, g1, be1))
    h = _sage(h, edge_index, W_l2, b_l2, W_r2)
    h = jax.nn.relu(_bn(h, g2, be2))
    logits = h @ Wc.T + bc
    return logits

if __name__ == "__main__":
    import jax
    _d = setup_inputs()
    print(jax.jit(kernel)(*tuple(_d.values())))

</pallas_src>

<mosaic_0001>
#map = affine_map<(d0, d1) -> (0, 0)>
module attributes {stable_mosaic.version = 14 : i64} {
  func.func @k(%arg0: i32, %arg1: i32, %arg2: memref<10000x64xbf16, #tpu.memory_space<hbm>>, %arg3: memref<4000x80xi32, #tpu.memory_space<hbm>>, %arg4: memref<4000x80xi32, #tpu.memory_space<hbm>>, %arg5: memref<10000x64xbf16, #tpu.memory_space<hbm>>, %arg6: memref<10000x16xf32, #tpu.memory_space<hbm>>, %arg7: memref<10000x64xbf16, #tpu.memory_space<hbm>>, %arg8: memref<10000x64xbf16, #tpu.memory_space<hbm>>, %arg9: memref<125x80xi32, #tpu.memory_space<vmem>>, %arg10: memref<125x80xi32, #tpu.memory_space<vmem>>, %arg11: memref<80x64xbf16, #tpu.memory_space<vmem>>, %arg12: memref<80x64xbf16, #tpu.memory_space<vmem>>, %arg13: memref<10000x64xbf16, #tpu.memory_space<vmem_shared>>, %arg14: memref<!tpu.dma_semaphore, #tpu.memory_space<semaphore_mem>>, %arg15: memref<!tpu.dma_semaphore, #tpu.memory_space<semaphore_mem>>, %arg16: memref<!tpu.dma_semaphore, #tpu.memory_space<semaphore_mem>>, %arg17: memref<!tpu.dma_semaphore, #tpu.memory_space<semaphore_mem>>) attributes {dimension_semantics = [#tpu.dimension_semantics<core_parallel>, #tpu.dimension_semantics<subcore_parallel>], iteration_bounds = array<i64: 2, 16>, scalar_prefetch = 0 : i64, scratch_operands = 9 : i64, tpu.core_type = #tpu.core_type<sc_vector_subcore>, window_params = [{transform_indices = #map}, {transform_indices = #map}, {transform_indices = #map}, {transform_indices = #map}, {transform_indices = #map}, {transform_indices = #map}, {transform_indices = #map}]} {
    %mul3A = arith.constant 16 : i32
    %mul3A_0 = arith.muli %arg0, %mul3A : i32
    %add3A = arith.addi %mul3A_0, %arg1 : i32
    %mul3A_1 = arith.constant 640 : i32
    %mul3A_2 = arith.muli %arg1, %mul3A_1 : i32
    %lt3A = arith.constant 15 : i32
    %lt3A_3 = arith.cmpi slt, %arg1, %lt3A : i32
    %convert_element_type3A = arith.extui %lt3A_3 : i1 to i32
    %cond3A = arith.constant 0 : i32
    %cond3A_4 = arith.cmpi ne, %convert_element_type3A, %cond3A : i32
    scf.if %cond3A_4 {
      "tpu.region"() ({
        %run_scoped3A = tpu.sem_alloc : memref<!tpu.dma_semaphore, #tpu.memory_space<semaphore_mem>>
        %dma_start3A_160 = arith.constant 0 : i32
        %dma_start3A_161 = tpu.memref_slice %arg13[%mul3A_2, %dma_start3A_160] : memref<10000x64xbf16, #tpu.memory_space<vmem_shared>> -> memref<640x64xbf16, #tpu.memory_space<vmem_shared>>
        %dma_start3A_162 = arith.constant 0 : i32
        %dma_start3A_163 = tpu.memref_slice %arg5[%mul3A_2, %dma_start3A_162] : memref<10000x64xbf16, #tpu.memory_space<hbm>> -> memref<640x64xbf16, #tpu.memory_space<hbm>>
        tpu.enqueue_dma source(%dma_start3A_163 : memref<640x64xbf16, #tpu.memory_space<hbm>>) target(%dma_start3A_161 : memref<640x64xbf16, #tpu.memory_space<vmem_shared>>) target_semaphore(%run_scoped3A : memref<!tpu.dma_semaphore, #tpu.memory_space<semaphore_mem>>)
        %dma_wait3A_164 = arith.constant 0 : i32
        %dma_wait3A_165 = tpu.memref_slice %arg13[%mul3A_2, %dma_wait3A_164] : memref<10000x64xbf16, #tpu.memory_space<vmem_shared>> -> memref<640x64xbf16, #tpu.memory_space<vmem_shared>>
        %dma_wait3A_166 = arith.constant 0 : i32
        %dma_wait3A_167 = tpu.memref_slice %arg5[%mul3A_2, %dma_wait3A_166] : memref<10000x64xbf16, #tpu.memory_space<hbm>> -> memref<640x64xbf16, #tpu.memory_space<hbm>>
        tpu.wait_dma2 semaphore(%run_scoped3A : memref<!tpu.dma_semaphore, #tpu.memory_space<semaphore_mem>>) src(%dma_wait3A_167 : memref<640x64xbf16, #tpu.memory_space<hbm>>) dst(%dma_wait3A_165 : memref<640x64xbf16, #tpu.memory_space<vmem_shared>>)
        tpu.yield
      }) : () -> ()
    } else {
    }
    %eq3A = arith.constant 15 : i32
    %eq3A_5 = arith.cmpi eq, %arg1, %eq3A : i32
    %convert_element_type3A_6 = arith.extui %eq3A_5 : i1 to i32
    %cond3A_7 = arith.constant 0 : i32
    %cond3A_8 = arith.cmpi ne, %convert_element_type3A_6, %cond3A_7 : i32
    scf.if %cond3A_8 {
      "tpu.region"() ({
        %run_scoped3A = tpu.sem_alloc : memref<!tpu.dma_semaphore, #tpu.memory_space<semaphore_mem>>
        %dma_start3A_160 = arith.constant 9600 : i32
        %dma_start3A_161 = arith.constant 0 : i32
        %dma_start3A_162 = tpu.memref_slice %arg13[%dma_start3A_160, %dma_start3A_161] : memref<10000x64xbf16, #tpu.memory_space<vmem_shared>> -> memref<400x64xbf16, #tpu.memory_space<vmem_shared>>
        %dma_start3A_163 = arith.constant 9600 : i32
        %dma_start3A_164 = arith.constant 0 : i32
        %dma_start3A_165 = tpu.memref_slice %arg5[%dma_start3A_163, %dma_start3A_164] : memref<10000x64xbf16, #tpu.memory_space<hbm>> -> memref<400x64xbf16, #tpu.memory_space<hbm>>
        tpu.enqueue_dma source(%dma_start3A_165 : memref<400x64xbf16, #tpu.memory_space<hbm>>) target(%dma_start3A_162 : memref<400x64xbf16, #tpu.memory_space<vmem_shared>>) target_semaphore(%run_scoped3A : memref<!tpu.dma_semaphore, #tpu.memory_space<semaphore_mem>>)
        %dma_wait3A_166 = arith.constant 9600 : i32
        %dma_wait3A_167 = arith.constant 0 : i32
        %dma_wait3A_168 = tpu.memref_slice %arg13[%dma_wait3A_166, %dma_wait3A_167] : memref<10000x64xbf16, #tpu.memory_space<vmem_shared>> -> memref<400x64xbf16, #tpu.memory_space<vmem_shared>>
        %dma_wait3A_169 = arith.constant 9600 : i32
        %dma_wait3A_170 = arith.constant 0 : i32
        %dma_wait3A_171 = tpu.memref_slice %arg5[%dma_wait3A_169, %dma_wait3A_170] : memref<10000x64xbf16, #tpu.memory_space<hbm>> -> memref<400x64xbf16, #tpu.memory_space<hbm>>
        tpu.wait_dma2 semaphore(%run_scoped3A : memref<!tpu.dma_semaphore, #tpu.memory_space<semaphore_mem>>) src(%dma_wait3A_171 : memref<400x64xbf16, #tpu.memory_space<hbm>>) dst(%dma_wait3A_168 : memref<400x64xbf16, #tpu.memory_space<vmem_shared>>)
        tpu.yield
      }) : () -> ()
    } else {
    }
    %mul3A_9 = arith.constant 125 : i32
    %mul3A_10 = arith.muli %add3A, %mul3A_9 : i32
    "tpu.region"() ({
      %run_scoped3A = tpu.sem_alloc : memref<!tpu.dma_semaphore, #tpu.memory_space<semaphore_mem>>
      %dma_start3A_160 = arith.constant 0 : i32
      %dma_start3A_161 = tpu.memref_slice %arg3[%mul3A_10, %dma_start3A_160] : memref<4000x80xi32, #tpu.memory_space<hbm>> -> memref<125x80xi32, #tpu.memory_space<hbm>>
      %dma_start3A_162 = arith.constant 0 : i32
      %dma_start3A_163 = tpu.memref_slice %arg3[%mul3A_10, %dma_start3A_162] : memref<4000x80xi32, #tpu.memory_space<hbm>> -> memref<125x80xi32, #tpu.memory_space<hbm>>
      tpu.enqueue_dma source(%dma_start3A_163 : memref<125x80xi32, #tpu.memory_space<hbm>>) target(%arg9 : memref<125x80xi32, #tpu.memory_space<vmem>>) target_semaphore(%run_scoped3A : memref<!tpu.dma_semaphore, #tpu.memory_space<semaphore_mem>>)
      %dma_wait3A_164 = arith.constant 0 : i32
      %dma_wait3A_165 = tpu.memref_slice %arg3[%mul3A_10, %dma_wait3A_164] : memref<4000x80xi32, #tpu.memory_space<hbm>> -> memref<125x80xi32, #tpu.memory_space<hbm>>
      %dma_wait3A_166 = arith.constant 0 : i32
      %dma_wait3A_167 = tpu.memref_slice %arg3[%mul3A_10, %dma_wait3A_166] : memref<4000x80xi32, #tpu.memory_space<hbm>> -> memref<125x80xi32, #tpu.memory_space<hbm>>
      tpu.wait_dma2 semaphore(%run_scoped3A : memref<!tpu.dma_semaphore, #tpu.memory_space<semaphore_mem>>) src(%dma_wait3A_167 : memref<125x80xi32, #tpu.memory_space<hbm>>) dst(%arg9 : memref<125x80xi32, #tpu.memory_space<vmem>>)
      tpu.yield
    }) : () -> ()
    "tpu.region"() ({
      %run_scoped3A = tpu.sem_alloc : memref<!tpu.dma_semaphore, #tpu.memory_space<semaphore_mem>>
      %dma_start3A_160 = arith.constant 0 : i32
      %dma_start3A_161 = tpu.memref_slice %arg4[%mul3A_10, %dma_start3A_160] : memref<4000x80xi32, #tpu.memory_space<hbm>> -> memref<125x80xi32, #tpu.memory_space<hbm>>
      %dma_start3A_162 = arith.constant 0 : i32
      %dma_start3A_163 = tpu.memref_slice %arg4[%mul3A_10, %dma_start3A_162] : memref<4000x80xi32, #tpu.memory_space<hbm>> -> memref<125x80xi32, #tpu.memory_space<hbm>>
      tpu.enqueue_dma source(%dma_start3A_163 : memref<125x80xi32, #tpu.memory_space<hbm>>) target(%arg10 : memref<125x80xi32, #tpu.memory_space<vmem>>) target_semaphore(%run_scoped3A : memref<!tpu.dma_semaphore, #tpu.memory_space<semaphore_mem>>)
      %dma_wait3A_164 = arith.constant 0 : i32
      %dma_wait3A_165 = tpu.memref_slice %arg4[%mul3A_10, %dma_wait3A_164] : memref<4000x80xi32, #tpu.memory_space<hbm>> -> memref<125x80xi32, #tpu.memory_space<hbm>>
      %dma_wait3A_166 = arith.constant 0 : i32
      %dma_wait3A_167 = tpu.memref_slice %arg4[%mul3A_10, %dma_wait3A_166] : memref<4000x80xi32, #tpu.memory_space<hbm>> -> memref<125x80xi32, #tpu.memory_space<hbm>>
      tpu.wait_dma2 semaphore(%run_scoped3A : memref<!tpu.dma_semaphore, #tpu.memory_space<semaphore_mem>>) src(%dma_wait3A_167 : memref<125x80xi32, #tpu.memory_space<hbm>>) dst(%arg10 : memref<125x80xi32, #tpu.memory_space<vmem>>)
      tpu.yield
    }) : () -> ()
    %barrier3A = arith.constant 0 : index
    tpu.barrier barrier_id(%barrier3A)
    %dma_start3A = arith.constant 0 : i32
    %dma_start3A_11 = arith.constant 0 : i32
    %dma_start3A_12 = tpu.memref_slice %arg9[%dma_start3A, %dma_start3A_11] : memref<125x80xi32, #tpu.memory_space<vmem>> -> memref<1x80xi32, #tpu.memory_space<vmem>>
    %dma_start3A_13 = tpu.memref_squeeze %dma_start3A_12 : memref<1x80xi32, #tpu.memory_space<vmem>> -> memref<80xi32, #tpu.memory_space<vmem>>
    %dma_start3A_14 = arith.constant 0 : i32
    %dma_start3A_15 = arith.constant 0 : i32
    %dma_start3A_16 = tpu.memref_slice %arg2[%dma_start3A_14, %dma_start3A_15] : memref<10000x64xbf16, #tpu.memory_space<hbm>> -> memref<10000x64xbf16, #tpu.memory_space<hbm>>
    tpu.enqueue_indirect_dma source(%dma_start3A_16 : memref<10000x64xbf16, #tpu.memory_space<hbm>>) target(%arg11 : memref<80x64xbf16, #tpu.memory_space<vmem>>) offsets(%dma_start3A_13 : memref<80xi32, #tpu.memory_space<vmem>>) semaphore(%arg14 : memref<!tpu.dma_semaphore, #tpu.memory_space<semaphore_mem>>)
    %dma_start3A_17 = arith.constant 1 : i32
    %dma_start3A_18 = arith.constant 0 : i32
    %dma_start3A_19 = tpu.memref_slice %arg9[%dma_start3A_17, %dma_start3A_18] : memref<125x80xi32, #tpu.memory_space<vmem>> -> memref<1x80xi32, #tpu.memory_space<vmem>>
    %dma_start3A_20 = tpu.memref_squeeze %dma_start3A_19 : memref<1x80xi32, #tpu.memory_space<vmem>> -> memref<80xi32, #tpu.memory_space<vmem>>
    %dma_start3A_21 = arith.constant 0 : i32
    %dma_start3A_22 = arith.constant 0 : i32
    %dma_start3A_23 = tpu.memref_slice %arg2[%dma_start3A_21, %dma_start3A_22] : memref<10000x64xbf16, #tpu.memory_space<hbm>> -> memref<10000x64xbf16, #tpu.memory_space<hbm>>
    tpu.enqueue_indirect_dma source(%dma_start3A_23 : memref<10000x64xbf16, #tpu.memory_space<hbm>>) target(%arg12 : memref<80x64xbf16, #tpu.memory_space<vmem>>) offsets(%dma_start3A_20 : memref<80xi32, #tpu.memory_space<vmem>>) semaphore(%arg15 : memref<!tpu.dma_semaphore, #tpu.memory_space<semaphore_mem>>)
    %dma_wait3A = arith.constant 0 : i32
    %dma_wait3A_24 = arith.constant 0 : i32
    %dma_wait3A_25 = tpu.memref_slice %arg9[%dma_wait3A, %dma_wait3A_24] : memref<125x80xi32, #tpu.memory_space<vmem>> -> memref<1x80xi32, #tpu.memory_space<vmem>>
    %dma_wait3A_26 = tpu.memref_squeeze %dma_wait3A_25 : memref<1x80xi32, #tpu.memory_space<vmem>> -> memref<80xi32, #tpu.memory_space<vmem>>
    %dma_wait3A_27 = arith.constant 0 : i32
    %dma_wait3A_28 = arith.constant 0 : i32
    %dma_wait3A_29 = tpu.memref_slice %arg2[%dma_wait3A_27, %dma_wait3A_28] : memref<10000x64xbf16, #tpu.memory_space<hbm>> -> memref<10000x64xbf16, #tpu.memory_space<hbm>>
    tpu.wait_indirect_dma semaphore(%arg14 : memref<!tpu.dma_semaphore, #tpu.memory_space<semaphore_mem>>) src(%dma_wait3A_29 : memref<10000x64xbf16, #tpu.memory_space<hbm>>) dst(%arg11 : memref<80x64xbf16, #tpu.memory_space<vmem>>)
    %dma_start3A_30 = arith.constant 0 : i32
    %dma_start3A_31 = arith.constant 0 : i32
    %dma_start3A_32 = tpu.memref_slice %arg10[%dma_start3A_30, %dma_start3A_31] : memref<125x80xi32, #tpu.memory_space<vmem>> -> memref<1x80xi32, #tpu.memory_space<vmem>>
    %dma_start3A_33 = tpu.memref_squeeze %dma_start3A_32 : memref<1x80xi32, #tpu.memory_space<vmem>> -> memref<80xi32, #tpu.memory_space<vmem>>
    %dma_start3A_34 = arith.constant 0 : i32
    %dma_start3A_35 = arith.constant 0 : i32
    %dma_start3A_36 = tpu.memref_slice %arg13[%dma_start3A_34, %dma_start3A_35] : memref<10000x64xbf16, #tpu.memory_space<vmem_shared>> -> memref<10000x64xbf16, #tpu.memory_space<vmem_shared>>
    tpu.enqueue_indirect_dma source(%arg11 : memref<80x64xbf16, #tpu.memory_space<vmem>>) target(%dma_start3A_36 : memref<10000x64xbf16, #tpu.memory_space<vmem_shared>>) offsets(%dma_start3A_33 : memref<80xi32, #tpu.memory_space<vmem>>) semaphore(%arg16 : memref<!tpu.dma_semaphore, #tpu.memory_space<semaphore_mem>>) {add = true}
    %dma_wait3A_37 = arith.constant 0 : i32
    %dma_wait3A_38 = arith.constant 0 : i32
    %dma_wait3A_39 = tpu.memref_slice %arg5[%dma_wait3A_37, %dma_wait3A_38] : memref<10000x64xbf16, #tpu.memory_space<hbm>> -> memref<80x64xbf16, #tpu.memory_space<hbm>>
    %dma_wait3A_40 = arith.constant 0 : i32
    %dma_wait3A_41 = arith.constant 0 : i32
    %dma_wait3A_42 = tpu.memref_slice %arg5[%dma_wait3A_40, %dma_wait3A_41] : memref<10000x64xbf16, #tpu.memory_space<hbm>> -> memref<80x64xbf16, #tpu.memory_space<hbm>>
    tpu.wait_dma2 semaphore(%arg16 : memref<!tpu.dma_semaphore, #tpu.memory_space<semaphore_mem>>) src(%dma_wait3A_42 : memref<80x64xbf16, #tpu.memory_space<hbm>>) dst(%arg11 : memref<80x64xbf16, #tpu.memory_space<vmem>>)
    %dma_start3A_43 = arith.constant 2 : i32
    %dma_start3A_44 = arith.constant 0 : i32
    %dma_start3A_45 = tpu.memref_slice %arg9[%dma_start3A_43, %dma_start3A_44] : memref<125x80xi32, #tpu.memory_space<vmem>> -> memref<1x80xi32, #tpu.memory_space<vmem>>
    %dma_start3A_46 = tpu.memref_squeeze %dma_start3A_45 : memref<1x80xi32, #tpu.memory_space<vmem>> -> memref<80xi32, #tpu.memory_space<vmem>>
    %dma_start3A_47 = arith.constant 0 : i32
    %dma_start3A_48 = arith.constant 0 : i32
    %dma_start3A_49 = tpu.memref_slice %arg2[%dma_start3A_47, %dma_start3A_48] : memref<10000x64xbf16, #tpu.memory_space<hbm>> -> memref<10000x64xbf16, #tpu.memory_space<hbm>>
    tpu.enqueue_indirect_dma source(%dma_start3A_49 : memref<10000x64xbf16, #tpu.memory_space<hbm>>) target(%arg11 : memref<80x64xbf16, #tpu.memory_space<vmem>>) offsets(%dma_start3A_46 : memref<80xi32, #tpu.memory_space<vmem>>) semaphore(%arg14 : memref<!tpu.dma_semaphore, #tpu.memory_space<semaphore_mem>>)
    %dma_wait3A_50 = arith.constant 1 : i32
    %dma_wait3A_51 = arith.constant 0 : i32
    %dma_wait3A_52 = tpu.memref_slice %arg9[%dma_wait3A_50, %dma_wait3A_51] : memref<125x80xi32, #tpu.memory_space<vmem>> -> memref<1x80xi32, #tpu.memory_space<vmem>>
    %dma_wait3A_53 = tpu.memref_squeeze %dma_wait3A_52 : memref<1x80xi32, #tpu.memory_space<vmem>> -> memref<80xi32, #tpu.memory_space<vmem>>
    %dma_wait3A_54 = arith.constant 0 : i32
    %dma_wait3A_55 = arith.constant 0 : i32
    %dma_wait3A_56 = tpu.memref_slice %arg2[%dma_wait3A_54, %dma_wait3A_55] : memref<10000x64xbf16, #tpu.memory_space<hbm>> -> memref<10000x64xbf16, #tpu.memory_space<hbm>>
    tpu.wait_indirect_dma semaphore(%arg15 : memref<!tpu.dma_semaphore, #tpu.memory_space<semaphore_mem>>) src(%dma_wait3A_56 : memref<10000x64xbf16, #tpu.memory_space<hbm>>) dst(%arg12 : memref<80x64xbf16, #tpu.memory_space<vmem>>)
    %dma_start3A_57 = arith.constant 1 : i32
    %dma_start3A_58 = arith.constant 0 : i32
    %dma_start3A_59 = tpu.memref_slice %arg10[%dma_start3A_57, %dma_start3A_58] : memref<125x80xi32, #tpu.memory_space<vmem>> -> memref<1x80xi32, #tpu.memory_space<vmem>>
    %dma_start3A_60 = tpu.memref_squeeze %dma_start3A_59 : memref<1x80xi32, #tpu.memory_space<vmem>> -> memref<80xi32, #tpu.memory_space<vmem>>
    %dma_start3A_61 = arith.constant 0 : i32
    %dma_start3A_62 = arith.constant 0 : i32
    %dma_start3A_63 = tpu.memref_slice %arg13[%dma_start3A_61, %dma_start3A_62] : memref<10000x64xbf16, #tpu.memory_space<vmem_shared>> -> memref<10000x64xbf16, #tpu.memory_space<vmem_shared>>
    tpu.enqueue_indirect_dma source(%arg12 : memref<80x64xbf16, #tpu.memory_space<vmem>>) target(%dma_start3A_63 : memref<10000x64xbf16, #tpu.memory_space<vmem_shared>>) offsets(%dma_start3A_60 : memref<80xi32, #tpu.memory_space<vmem>>) semaphore(%arg17 : memref<!tpu.dma_semaphore, #tpu.memory_space<semaphore_mem>>) {add = true}
    %dma_wait3A_64 = arith.constant 0 : i32
    %dma_wait3A_65 = arith.constant 0 : i32
    %dma_wait3A_66 = tpu.memref_slice %arg5[%dma_wait3A_64, %dma_wait3A_65] : memref<10000x64xbf16, #tpu.memory_space<hbm>> -> memref<80x64xbf16, #tpu.memory_space<hbm>>
    %dma_wait3A_67 = arith.constant 0 : i32
    %dma_wait3A_68 = arith.constant 0 : i32
    %dma_wait3A_69 = tpu.memref_slice %arg5[%dma_wait3A_67, %dma_wait3A_68] : memref<10000x64xbf16, #tpu.memory_space<hbm>> -> memref<80x64xbf16, #tpu.memory_space<hbm>>
    tpu.wait_dma2 semaphore(%arg17 : memref<!tpu.dma_semaphore, #tpu.memory_space<semaphore_mem>>) src(%dma_wait3A_69 : memref<80x64xbf16, #tpu.memory_space<hbm>>) dst(%arg12 : memref<80x64xbf16, #tpu.memory_space<vmem>>)
    %dma_start3A_70 = arith.constant 3 : i32
    %dma_start3A_71 = arith.constant 0 : i32
    %dma_start3A_72 = tpu.memref_slice %arg9[%dma_start3A_70, %dma_start3A_71] : memref<125x80xi32, #tpu.memory_space<vmem>> -> memref<1x80xi32, #tpu.memory_space<vmem>>
    %dma_start3A_73 = tpu.memref_squeeze %dma_start3A_72 : memref<1x80xi32, #tpu.memory_space<vmem>> -> memref<80xi32, #tpu.memory_space<vmem>>
    %dma_start3A_74 = arith.constant 0 : i32
    %dma_start3A_75 = arith.constant 0 : i32
    %dma_start3A_76 = tpu.memref_slice %arg2[%dma_start3A_74, %dma_start3A_75] : memref<10000x64xbf16, #tpu.memory_space<hbm>> -> memref<10000x64xbf16, #tpu.memory_space<hbm>>
    tpu.enqueue_indirect_dma source(%dma_start3A_76 : memref<10000x64xbf16, #tpu.memory_space<hbm>>) target(%arg12 : memref<80x64xbf16, #tpu.memory_space<vmem>>) offsets(%dma_start3A_73 : memref<80xi32, #tpu.memory_space<vmem>>) semaphore(%arg15 : memref<!tpu.dma_semaphore, #tpu.memory_space<semaphore_mem>>)
    %dma_wait3A_77 = arith.constant 2 : i32
    %dma_wait3A_78 = arith.constant 0 : i32
    %dma_wait3A_79 = tpu.memref_slice %arg9[%dma_wait3A_77, %dma_wait3A_78] : memref<125x80xi32, #tpu.memory_space<vmem>> -> memref<1x80xi32, #tpu.memory_space<vmem>>
    %dma_wait3A_80 = tpu.memref_squeeze %dma_wait3A_79 : memref<1x80xi32, #tpu.memory_space<vmem>> -> memref<80xi32, #tpu.memory_space<vmem>>
    %dma_wait3A_81 = arith.constant 0 : i32
    %dma_wait3A_82 = arith.constant 0 : i32
    %dma_wait3A_83 = tpu.memref_slice %arg2[%dma_wait3A_81, %dma_wait3A_82] : memref<10000x64xbf16, #tpu.memory_space<hbm>> -> memref<10000x64xbf16, #tpu.memory_space<hbm>>
    tpu.wait_indirect_dma semaphore(%arg14 : memref<!tpu.dma_semaphore, #tpu.memory_space<semaphore_mem>>) src(%dma_wait3A_83 : memref<10000x64xbf16, #tpu.memory_space<hbm>>) dst(%arg11 : memref<80x64xbf16, #tpu.memory_space<vmem>>)
    %dma_start3A_84 = arith.constant 2 : i32
    %dma_start3A_85 = arith.constant 0 : i32
    %dma_start3A_86 = tpu.memref_slice %arg10[%dma_start3A_84, %dma_start3A_85] : memref<125x80xi32, #tpu.memory_space<vmem>> -> memref<1x80xi32, #tpu.memory_space<vmem>>
    %dma_start3A_87 = tpu.memref_squeeze %dma_start3A_86 : memref<1x80xi32, #tpu.memory_space<vmem>> -> memref<80xi32, #tpu.memory_space<vmem>>
    %dma_start3A_88 = arith.constant 0 : i32
    %dma_start3A_89 = arith.constant 0 : i32
    %dma_start3A_90 = tpu.memref_slice %arg13[%dma_start3A_88, %dma_start3A_89] : memref<10000x64xbf16, #tpu.memory_space<vmem_shared>> -> memref<10000x64xbf16, #tpu.memory_space<vmem_shared>>
    tpu.enqueue_indirect_dma source(%arg11 : memref<80x64xbf16, #tpu.memory_space<vmem>>) target(%dma_start3A_90 : memref<10000x64xbf16, #tpu.memory_space<vmem_shared>>) offsets(%dma_start3A_87 : memref<80xi32, #tpu.memory_space<vmem>>) semaphore(%arg16 : memref<!tpu.dma_semaphore, #tpu.memory_space<semaphore_mem>>) {add = true}
    %dma_wait3A_91 = arith.constant 0 : i32
    %dma_wait3A_92 = arith.constant 0 : i32
    %dma_wait3A_93 = tpu.memref_slice %arg5[%dma_wait3A_91, %dma_wait3A_92] : memref<10000x64xbf16, #tpu.memory_space<hbm>> -> memref<80x64xbf16, #tpu.memory_space<hbm>>
    %dma_wait3A_94 = arith.constant 0 : i32
    %dma_wait3A_95 = arith.constant 0 : i32
    %dma_wait3A_96 = tpu.memref_slice %arg5[%dma_wait3A_94, %dma_wait3A_95] : memref<10000x64xbf16, #tpu.memory_space<hbm>> -> memref<80x64xbf16, #tpu.memory_space<hbm>>
    tpu.wait_dma2 semaphore(%arg16 : memref<!tpu.dma_semaphore, #tpu.memory_space<semaphore_mem>>) src(%dma_wait3A_96 : memref<80x64xbf16, #tpu.memory_space<hbm>>) dst(%arg11 : memref<80x64xbf16, #tpu.memory_space<vmem>>)
    %dma_start3A_97 = arith.constant 4 : i32
    %dma_start3A_98 = arith.constant 0 : i32
    %dma_start3A_99 = tpu.memref_slice %arg9[%dma_start3A_97, %dma_start3A_98] : memref<125x80xi32, #tpu.memory_space<vmem>> -> memref<1x80xi32, #tpu.memory_space<vmem>>
    %dma_start3A_100 = tpu.memref_squeeze %dma_start3A_99 : memref<1x80xi32, #tpu.memory_space<vmem>> -> memref<80xi32, #tpu.memory_space<vmem>>
    %dma_start3A_101 = arith.constant 0 : i32
    %dma_start3A_102 = arith.constant 0 : i32
    %dma_start3A_103 = tpu.memref_slice %arg2[%dma_start3A_101, %dma_start3A_102] : memref<10000x64xbf16, #tpu.memory_space<hbm>> -> memref<10000x64xbf16, #tpu.memory_space<hbm>>
    tpu.enqueue_indirect_dma source(%dma_start3A_103 : memref<10000x64xbf16, #tpu.memory_space<hbm>>) target(%arg11 : memref<80x64xbf16, #tpu.memory_space<vmem>>) offsets(%dma_start3A_100 : memref<80xi32, #tpu.memory_space<vmem>>) semaphore(%arg14 : memref<!tpu.dma_semaphore, #tpu.memory_space<semaphore_mem>>)
    %dma_wait3A_104 = arith.constant 3 : i32
    %dma_wait3A_105 = arith.constant 0 : i32
    %dma_wait3A_106 = tpu.memref_slice %arg9[%dma_wait3A_104, %dma_wait3A_105] : memref<125x80xi32, #tpu.memory_space<vmem>> -> memref<1x80xi32, #tpu.memory_space<vmem>>
    %dma_wait3A_107 = tpu.memref_squeeze %dma_wait3A_106 : memref<1x80xi32, #tpu.memory_space<vmem>> -> memref<80xi32, #tpu.memory_space<vmem>>
    %dma_wait3A_108 = arith.constant 0 : i32
    %dma_wait3A_109 = arith.constant 0 : i32
    %dma_wait3A_110 = tpu.memref_slice %arg2[%dma_wait3A_108, %dma_wait3A_109] : memref<10000x64xbf16, #tpu.memory_space<hbm>> -> memref<10000x64xbf16, #tpu.memory_space<hbm>>
    tpu.wait_indirect_dma semaphore(%arg15 : memref<!tpu.dma_semaphore, #tpu.memory_space<semaphore_mem>>) src(%dma_wait3A_110 : memref<10000x64xbf16, #tpu.memory_space<hbm>>) dst(%arg12 : memref<80x64xbf16, #tpu.memory_space<vmem>>)
    %dma_start3A_111 = arith.constant 3 : i32
    %dma_start3A_112 = arith.constant 0 : i32
    %dma_start3A_113 = tpu.memref_slice %arg10[%dma_start3A_111, %dma_start3A_112] : memref<125x80xi32, #tpu.memory_space<vmem>> -> memref<1x80xi32, #tpu.memory_space<vmem>>
    %dma_start3A_114 = tpu.memref_squeeze %dma_start3A_113 : memref<1x80xi32, #tpu.memory_space<vmem>> -> memref<80xi32, #tpu.memory_space<vmem>>
    %dma_start3A_115 = arith.constant 0 : i32
    %dma_start3A_116 = arith.constant 0 : i32
    %dma_start3A_117 = tpu.memref_slice %arg13[%dma_start3A_115, %dma_start3A_116] : memref<10000x64xbf16, #tpu.memory_space<vmem_shared>> -> memref<10000x64xbf16, #tpu.memory_space<vmem_shared>>
    tpu.enqueue_indirect_dma source(%arg12 : memref<80x64xbf16, #tpu.memory_space<vmem>>) target(%dma_start3A_117 : memref<10000x64xbf16, #tpu.memory_space<vmem_shared>>) offsets(%dma_start3A_114 : memref<80xi32, #tpu.memory_space<vmem>>) semaphore(%arg17 : memref<!tpu.dma_semaphore, #tpu.memory_space<semaphore_mem>>) {add = true}
    %dma_wait3A_118 = arith.constant 4 : i32
    %dma_wait3A_119 = arith.constant 0 : i32
    %dma_wait3A_120 = tpu.memref_slice %arg9[%dma_wait3A_118, %dma_wait3A_119] : memref<125x80xi32, #tpu.memory_space<vmem>> -> memref<1x80xi32, #tpu.memory_space<vmem>>
    %dma_wait3A_121 = tpu.memref_squeeze %dma_wait3A_120 : memref<1x80xi32, #tpu.memory_space<vmem>> -> memref<80xi32, #tpu.memory_space<vmem>>
    %dma_wait3A_122 = arith.constant 0 : i32
    %dma_wait3A_123 = arith.constant 0 : i32
    %dma_wait3A_124 = tpu.memref_slice %arg2[%dma_wait3A_122, %dma_wait3A_123] : memref<10000x64xbf16, #tpu.memory_space<hbm>> -> memref<10000x64xbf16, #tpu.memory_space<hbm>>
    tpu.wait_indirect_dma semaphore(%arg14 : memref<!tpu.dma_semaphore, #tpu.memory_space<semaphore_mem>>) src(%dma_wait3A_124 : memref<10000x64xbf16, #tpu.memory_space<hbm>>) dst(%arg11 : memref<80x64xbf16, #tpu.memory_space<vmem>>)
    %dma_start3A_125 = arith.constant 4 : i32
    %dma_start3A_126 = arith.constant 0 : i32
    %dma_start3A_127 = tpu.memref_slice %arg10[%dma_start3A_125, %dma_start3A_126] : memref<125x80xi32, #tpu.memory_space<vmem>> -> memref<1x80xi32, #tpu.memory_space<vmem>>
    %dma_start3A_128 = tpu.memref_squeeze %dma_start3A_127 : memref<1x80xi32, #tpu.memory_space<vmem>> -> memref<80xi32, #tpu.memory_space<vmem>>
    %dma_start3A_129 = arith.constant 0 : i32
    %dma_start3A_130 = arith.constant 0 : i32
    %dma_start3A_131 = tpu.memref_slice %arg13[%dma_start3A_129, %dma_start3A_130] : memref<10000x64xbf16, #tpu.memory_space<vmem_shared>> -> memref<10000x64xbf16, #tpu.memory_space<vmem_shared>>
    tpu.enqueue_indirect_dma source(%arg11 : memref<80x64xbf16, #tpu.memory_space<vmem>>) target(%dma_start3A_131 : memref<10000x64xbf16, #tpu.memory_space<vmem_shared>>) offsets(%dma_start3A_128 : memref<80xi32, #tpu.memory_space<vmem>>) semaphore(%arg16 : memref<!tpu.dma_semaphore, #tpu.memory_space<semaphore_mem>>) {add = true}
    %scan3A = arith.constant 0 : i32
    %scan3A_132 = arith.constant 1 : i32
    %scan3A_133 = arith.constant 24 : i32
    %scan3A_134 = arith.addi %scan3A_132, %scan3A_133 : i32
    %scan3A_135 = arith.constant 1 : i32
    scf.for %scan3A_160 = %scan3A_132 to %scan3A_134 step %scan3A_135  : i32 {
      %mul3A_161 = arith.constant 5 : i32
      %mul3A_162 = arith.muli %scan3A_160, %mul3A_161 : i32
      %dma_wait3A_163 = arith.constant 0 : i32
      %dma_wait3A_164 = arith.constant 0 : i32
      %dma_wait3A_165 = tpu.memref_slice %arg5[%dma_wait3A_163, %dma_wait3A_164] : memref<10000x64xbf16, #tpu.memory_space<hbm>> -> memref<80x64xbf16, #tpu.memory_space<hbm>>
      %dma_wait3A_166 = arith.constant 0 : i32
      %dma_wait3A_167 = arith.constant 0 : i32
      %dma_wait3A_168 = tpu.memref_slice %arg5[%dma_wait3A_166, %dma_wait3A_167] : memref<10000x64xbf16, #tpu.memory_space<hbm>> -> memref<80x64xbf16, #tpu.memory_space<hbm>>
      tpu.wait_dma2 semaphore(%arg16 : memref<!tpu.dma_semaphore, #tpu.memory_space<semaphore_mem>>) src(%dma_wait3A_168 : memref<80x64xbf16, #tpu.memory_space<hbm>>) dst(%arg11 : memref<80x64xbf16, #tpu.memory_space<vmem>>)
      %dma_wait3A_169 = arith.constant 0 : i32
      %dma_wait3A_170 = arith.constant 0 : i32
      %dma_wait3A_171 = tpu.memref_slice %arg5[%dma_wait3A_169, %dma_wait3A_170] : memref<10000x64xbf16, #tpu.memory_space<hbm>> -> memref<80x64xbf16, #tpu.memory_space<hbm>>
      %dma_wait3A_172 = arith.constant 0 : i32
      %dma_wait3A_173 = arith.constant 0 : i32
      %dma_wait3A_174 = tpu.memref_slice %arg5[%dma_wait3A_172, %dma_wait3A_173] : memref<10000x64xbf16, #tpu.memory_space<hbm>> -> memref<80x64xbf16, #tpu.memory_space<hbm>>
      tpu.wait_dma2 semaphore(%arg17 : memref<!tpu.dma_semaphore, #tpu.memory_space<semaphore_mem>>) src(%dma_wait3A_174 : memref<80x64xbf16, #tpu.memory_space<hbm>>) dst(%arg12 : memref<80x64xbf16, #tpu.memory_space<vmem>>)
      %add3A_175 = arith.constant 0 : i32
      %add3A_176 = arith.addi %mul3A_162, %add3A_175 : i32
      %dma_start3A_177 = arith.constant 0 : i32
      %dma_start3A_178 = tpu.memref_slice %arg9[%add3A_176, %dma_start3A_177] : memref<125x80xi32, #tpu.memory_space<vmem>> -> memref<1x80xi32, #tpu.memory_space<vmem>>
      %dma_start3A_179 = tpu.memref_squeeze %dma_start3A_178 : memref<1x80xi32, #tpu.memory_space<vmem>> -> memref<80xi32, #tpu.memory_space<vmem>>
      %dma_start3A_180 = arith.constant 0 : i32
      %dma_start3A_181 = arith.constant 0 : i32
      %dma_start3A_182 = tpu.memref_slice %arg2[%dma_start3A_180, %dma_start3A_181] : memref<10000x64xbf16, #tpu.memory_space<hbm>> -> memref<10000x64xbf16, #tpu.memory_space<hbm>>
      tpu.enqueue_indirect_dma source(%dma_start3A_182 : memref<10000x64xbf16, #tpu.memory_space<hbm>>) target(%arg11 : memref<80x64xbf16, #tpu.memory_space<vmem>>) offsets(%dma_start3A_179 : memref<80xi32, #tpu.memory_space<vmem>>) semaphore(%arg14 : memref<!tpu.dma_semaphore, #tpu.memory_space<semaphore_mem>>)
      %add3A_183 = arith.constant 1 : i32
      %add3A_184 = arith.addi %mul3A_162, %add3A_183 : i32
      %dma_start3A_185 = arith.constant 0 : i32
      %dma_start3A_186 = tpu.memref_slice %arg9[%add3A_184, %dma_start3A_185] : memref<125x80xi32, #tpu.memory_space<vmem>> -> memref<1x80xi32, #tpu.memory_space<vmem>>
      %dma_start3A_187 = tpu.memref_squeeze %dma_start3A_186 : memref<1x80xi32, #tpu.memory_space<vmem>> -> memref<80xi32, #tpu.memory_space<vmem>>
      %dma_start3A_188 = arith.constant 0 : i32
      %dma_start3A_189 = arith.constant 0 : i32
      %dma_start3A_190 = tpu.memref_slice %arg2[%dma_start3A_188, %dma_start3A_189] : memref<10000x64xbf16, #tpu.memory_space<hbm>> -> memref<10000x64xbf16, #tpu.memory_space<hbm>>
      tpu.enqueue_indirect_dma source(%dma_start3A_190 : memref<10000x64xbf16, #tpu.memory_space<hbm>>) target(%arg12 : memref<80x64xbf16, #tpu.memory_space<vmem>>) offsets(%dma_start3A_187 : memref<80xi32, #tpu.memory_space<vmem>>) semaphore(%arg15 : memref<!tpu.dma_semaphore, #tpu.memory_space<semaphore_mem>>)
      %dma_wait3A_191 = arith.constant 0 : i32
      %dma_wait3A_192 = tpu.memref_slice %arg9[%add3A_176, %dma_wait3A_191] : memref<125x80xi32, #tpu.memory_space<vmem>> -> memref<1x80xi32, #tpu.memory_space<vmem>>
      %dma_wait3A_193 = tpu.memref_squeeze %dma_wait3A_192 : memref<1x80xi32, #tpu.memory_space<vmem>> -> memref<80xi32, #tpu.memory_space<vmem>>
      %dma_wait3A_194 = arith.constant 0 : i32
      %dma_wait3A_195 = arith.constant 0 : i32
      %dma_wait3A_196 = tpu.memref_slice %arg2[%dma_wait3A_194, %dma_wait3A_195] : memref<10000x64xbf16, #tpu.memory_space<hbm>> -> memref<10000x64xbf16, #tpu.memory_space<hbm>>
      tpu.wait_indirect_dma semaphore(%arg14 : memref<!tpu.dma_semaphore, #tpu.memory_space<semaphore_mem>>) src(%dma_wait3A_196 : memref<10000x64xbf16, #tpu.memory_space<hbm>>) dst(%arg11 : memref<80x64xbf16, #tpu.memory_space<vmem>>)
      %add3A_197 = arith.constant 1 : i32
      %add3A_198 = arith.addi %mul3A_162, %add3A_197 : i32
      %sub3A = arith.constant 1 : i32
      %sub3A_199 = arith.subi %add3A_198, %sub3A : i32
      %dma_start3A_200 = arith.constant 0 : i32
      %dma_start3A_201 = tpu.memref_slice %arg10[%sub3A_199, %dma_start3A_200] : memref<125x80xi32, #tpu.memory_space<vmem>> -> memref<1x80xi32, #tpu.memory_space<vmem>>
      %dma_start3A_202 = tpu.memref_squeeze %dma_start3A_201 : memref<1x80xi32, #tpu.memory_space<vmem>> -> memref<80xi32, #tpu.memory_space<vmem>>
      %dma_start3A_203 = arith.constant 0 : i32
      %dma_start3A_204 = arith.constant 0 : i32
      %dma_start3A_205 = tpu.memref_slice %arg13[%dma_start3A_203, %dma_start3A_204] : memref<10000x64xbf16, #tpu.memory_space<vmem_shared>> -> memref<10000x64xbf16, #tpu.memory_space<vmem_shared>>
      tpu.enqueue_indirect_dma source(%arg11 : memref<80x64xbf16, #tpu.memory_space<vmem>>) target(%dma_start3A_205 : memref<10000x64xbf16, #tpu.memory_space<vmem_shared>>) offsets(%dma_start3A_202 : memref<80xi32, #tpu.memory_space<vmem>>) semaphore(%arg16 : memref<!tpu.dma_semaphore, #tpu.memory_space<semaphore_mem>>) {add = true}
      %dma_wait3A_206 = arith.constant 0 : i32
      %dma_wait3A_207 = arith.constant 0 : i32
      %dma_wait3A_208 = tpu.memref_slice %arg5[%dma_wait3A_206, %dma_wait3A_207] : memref<10000x64xbf16, #tpu.memory_space<hbm>> -> memref<80x64xbf16, #tpu.memory_space<hbm>>
      %dma_wait3A_209 = arith.constant 0 : i32
      %dma_wait3A_210 = arith.constant 0 : i32
      %dma_wait3A_211 = tpu.memref_slice %arg5[%dma_wait3A_209, %dma_wait3A_210] : memref<10000x64xbf16, #tpu.memory_space<hbm>> -> memref<80x64xbf16, #tpu.memory_space<hbm>>
      tpu.wait_dma2 semaphore(%arg16 : memref<!tpu.dma_semaphore, #tpu.memory_space<semaphore_mem>>) src(%dma_wait3A_211 : memref<80x64xbf16, #tpu.memory_space<hbm>>) dst(%arg11 : memref<80x64xbf16, #tpu.memory_space<vmem>>)
      %add3A_212 = arith.constant 2 : i32
      %add3A_213 = arith.addi %mul3A_162, %add3A_212 : i32
      %dma_start3A_214 = arith.constant 0 : i32
      %dma_start3A_215 = tpu.memref_slice %arg9[%add3A_213, %dma_start3A_214] : memref<125x80xi32, #tpu.memory_space<vmem>> -> memref<1x80xi32, #tpu.memory_space<vmem>>
      %dma_start3A_216 = tpu.memref_squeeze %dma_start3A_215 : memref<1x80xi32, #tpu.memory_space<vmem>> -> memref<80xi32, #tpu.memory_space<vmem>>
      %dma_start3A_217 = arith.constant 0 : i32
      %dma_start3A_218 = arith.constant 0 : i32
      %dma_start3A_219 = tpu.memref_slice %arg2[%dma_start3A_217, %dma_start3A_218] : memref<10000x64xbf16, #tpu.memory_space<hbm>> -> memref<10000x64xbf16, #tpu.memory_space<hbm>>
      tpu.enqueue_indirect_dma source(%dma_start3A_219 : memref<10000x64xbf16, #tpu.memory_space<hbm>>) target(%arg11 : memref<80x64xbf16, #tpu.memory_space<vmem>>) offsets(%dma_start3A_216 : memref<80xi32, #tpu.memory_space<vmem>>) semaphore(%arg14 : memref<!tpu.dma_semaphore, #tpu.memory_space<semaphore_mem>>)
      %dma_wait3A_220 = arith.constant 0 : i32
      %dma_wait3A_221 = tpu.memref_slice %arg9[%add3A_184, %dma_wait3A_220] : memref<125x80xi32, #tpu.memory_space<vmem>> -> memref<1x80xi32, #tpu.memory_space<vmem>>
      %dma_wait3A_222 = tpu.memref_squeeze %dma_wait3A_221 : memref<1x80xi32, #tpu.memory_space<vmem>> -> memref<80xi32, #tpu.memory_space<vmem>>
      %dma_wait3A_223 = arith.constant 0 : i32
      %dma_wait3A_224 = arith.constant 0 : i32
      %dma_wait3A_225 = tpu.memref_slice %arg2[%dma_wait3A_223, %dma_wait3A_224] : memref<10000x64xbf16, #tpu.memory_space<hbm>> -> memref<10000x64xbf16, #tpu.memory_space<hbm>>
      tpu.wait_indirect_dma semaphore(%arg15 : memref<!tpu.dma_semaphore, #tpu.memory_space<semaphore_mem>>) src(%dma_wait3A_225 : memref<10000x64xbf16, #tpu.memory_space<hbm>>) dst(%arg12 : memref<80x64xbf16, #tpu.memory_space<vmem>>)
      %add3A_226 = arith.constant 2 : i32
      %add3A_227 = arith.addi %mul3A_162, %add3A_226 : i32
      %sub3A_228 = arith.constant 1 : i32
      %sub3A_229 = arith.subi %add3A_227, %sub3A_228 : i32
      %dma_start3A_230 = arith.constant 0 : i32
      %dma_start3A_231 = tpu.memref_slice %arg10[%sub3A_229, %dma_start3A_230] : memref<125x80xi32, #tpu.memory_space<vmem>> -> memref<1x80xi32, #tpu.memory_space<vmem>>
      %dma_start3A_232 = tpu.memref_squeeze %dma_start3A_231 : memref<1x80xi32, #tpu.memory_space<vmem>> -> memref<80xi32, #tpu.memory_space<vmem>>
      %dma_start3A_233 = arith.constant 0 : i32
      %dma_start3A_234 = arith.constant 0 : i32
      %dma_start3A_235 = tpu.memref_slice %arg13[%dma_start3A_233, %dma_start3A_234] : memref<10000x64xbf16, #tpu.memory_space<vmem_shared>> -> memref<10000x64xbf16, #tpu.memory_space<vmem_shared>>
      tpu.enqueue_indirect_dma source(%arg12 : memref<80x64xbf16, #tpu.memory_space<vmem>>) target(%dma_start3A_235 : memref<10000x64xbf16, #tpu.memory_space<vmem_shared>>) offsets(%dma_start3A_232 : memref<80xi32, #tpu.memory_space<vmem>>) semaphore(%arg17 : memref<!tpu.dma_semaphore, #tpu.memory_space<semaphore_mem>>) {add = true}
      %dma_wait3A_236 = arith.constant 0 : i32
      %dma_wait3A_237 = arith.constant 0 : i32
      %dma_wait3A_238 = tpu.memref_slice %arg5[%dma_wait3A_236, %dma_wait3A_237] : memref<10000x64xbf16, #tpu.memory_space<hbm>> -> memref<80x64xbf16, #tpu.memory_space<hbm>>
      %dma_wait3A_239 = arith.constant 0 : i32
      %dma_wait3A_240 = arith.constant 0 : i32
      %dma_wait3A_241 = tpu.memref_slice %arg5[%dma_wait3A_239, %dma_wait3A_240] : memref<10000x64xbf16, #tpu.memory_space<hbm>> -> memref<80x64xbf16, #tpu.memory_space<hbm>>
      tpu.wait_dma2 semaphore(%arg17 : memref<!tpu.dma_semaphore, #tpu.memory_space<semaphore_mem>>) src(%dma_wait3A_241 : memref<80x64xbf16, #tpu.memory_space<hbm>>) dst(%arg12 : memref<80x64xbf16, #tpu.memory_space<vmem>>)
      %add3A_242 = arith.constant 3 : i32
      %add3A_243 = arith.addi %mul3A_162, %add3A_242 : i32
      %dma_start3A_244 = arith.constant 0 : i32
      %dma_start3A_245 = tpu.memref_slice %arg9[%add3A_243, %dma_start3A_244] : memref<125x80xi32, #tpu.memory_space<vmem>> -> memref<1x80xi32, #tpu.memory_space<vmem>>
      %dma_start3A_246 = tpu.memref_squeeze %dma_start3A_245 : memref<1x80xi32, #tpu.memory_space<vmem>> -> memref<80xi32, #tpu.memory_space<vmem>>
      %dma_start3A_247 = arith.constant 0 : i32
      %dma_start3A_248 = arith.constant 0 : i32
      %dma_start3A_249 = tpu.memref_slice %arg2[%dma_start3A_247, %dma_start3A_248] : memref<10000x64xbf16, #tpu.memory_space<hbm>> -> memref<10000x64xbf16, #tpu.memory_space<hbm>>
      tpu.enqueue_indirect_dma source(%dma_start3A_249 : memref<10000x64xbf16, #tpu.memory_space<hbm>>) target(%arg12 : memref<80x64xbf16, #tpu.memory_space<vmem>>) offsets(%dma_start3A_246 : memref<80xi32, #tpu.memory_space<vmem>>) semaphore(%arg15 : memref<!tpu.dma_semaphore, #tpu.memory_space<semaphore_mem>>)
      %dma_wait3A_250 = arith.constant 0 : i32
      %dma_wait3A_251 = tpu.memref_slice %arg9[%add3A_213, %dma_wait3A_250] : memref<125x80xi32, #tpu.memory_space<vmem>> -> memref<1x80xi32, #tpu.memory_space<vmem>>
      %dma_wait3A_252 = tpu.memref_squeeze %dma_wait3A_251 : memref<1x80xi32, #tpu.memory_space<vmem>> -> memref<80xi32, #tpu.memory_space<vmem>>
      %dma_wait3A_253 = arith.constant 0 : i32
      %dma_wait3A_254 = arith.constant 0 : i32
      %dma_wait3A_255 = tpu.memref_slice %arg2[%dma_wait3A_253, %dma_wait3A_254] : memref<10000x64xbf16, #tpu.memory_space<hbm>> -> memref<10000x64xbf16, #tpu.memory_space<hbm>>
      tpu.wait_indirect_dma semaphore(%arg14 : memref<!tpu.dma_semaphore, #tpu.memory_space<semaphore_mem>>) src(%dma_wait3A_255 : memref<10000x64xbf16, #tpu.memory_space<hbm>>) dst(%arg11 : memref<80x64xbf16, #tpu.memory_space<vmem>>)
      %add3A_256 = arith.constant 3 : i32
      %add3A_257 = arith.addi %mul3A_162, %add3A_256 : i32
      %sub3A_258 = arith.constant 1 : i32
      %sub3A_259 = arith.subi %add3A_257, %sub3A_258 : i32
      %dma_start3A_260 = arith.constant 0 : i32
      %dma_start3A_261 = tpu.memref_slice %arg10[%sub3A_259, %dma_start3A_260] : memref<125x80xi32, #tpu.memory_space<vmem>> -> memref<1x80xi32, #tpu.memory_space<vmem>>
      %dma_start3A_262 = tpu.memref_squeeze %dma_start3A_261 : memref<1x80xi32, #tpu.memory_space<vmem>> -> memref<80xi32, #tpu.memory_space<vmem>>
      %dma_start3A_263 = arith.constant 0 : i32
      %dma_start3A_264 = arith.constant 0 : i32
      %dma_start3A_265 = tpu.memref_slice %arg13[%dma_start3A_263, %dma_start3A_264] : memref<10000x64xbf16, #tpu.memory_space<vmem_shared>> -> memref<10000x64xbf16, #tpu.memory_space<vmem_shared>>
      tpu.enqueue_indirect_dma source(%arg11 : memref<80x64xbf16, #tpu.memory_space<vmem>>) target(%dma_start3A_265 : memref<10000x64xbf16, #tpu.memory_space<vmem_shared>>) offsets(%dma_start3A_262 : memref<80xi32, #tpu.memory_space<vmem>>) semaphore(%arg16 : memref<!tpu.dma_semaphore, #tpu.memory_space<semaphore_mem>>) {add = true}
      %dma_wait3A_266 = arith.constant 0 : i32
      %dma_wait3A_267 = arith.constant 0 : i32
      %dma_wait3A_268 = tpu.memref_slice %arg5[%dma_wait3A_266, %dma_wait3A_267] : memref<10000x64xbf16, #tpu.memory_space<hbm>> -> memref<80x64xbf16, #tpu.memory_space<hbm>>
      %dma_wait3A_269 = arith.constant 0 : i32
      %dma_wait3A_270 = arith.constant 0 : i32
      %dma_wait3A_271 = tpu.memref_slice %arg5[%dma_wait3A_269, %dma_wait3A_270] : memref<10000x64xbf16, #tpu.memory_space<hbm>> -> memref<80x64xbf16, #tpu.memory_space<hbm>>
      tpu.wait_dma2 semaphore(%arg16 : memref<!tpu.dma_semaphore, #tpu.memory_space<semaphore_mem>>) src(%dma_wait3A_271 : memref<80x64xbf16, #tpu.memory_space<hbm>>) dst(%arg11 : memref<80x64xbf16, #tpu.memory_space<vmem>>)
      %add3A_272 = arith.constant 4 : i32
      %add3A_273 = arith.addi %mul3A_162, %add3A_272 : i32
      %dma_start3A_274 = arith.constant 0 : i32
      %dma_start3A_275 = tpu.memref_slice %arg9[%add3A_273, %dma_start3A_274] : memref<125x80xi32, #tpu.memory_space<vmem>> -> memref<1x80xi32, #tpu.memory_space<vmem>>
      %dma_start3A_276 = tpu.memref_squeeze %dma_start3A_275 : memref<1x80xi32, #tpu.memory_space<vmem>> -> memref<80xi32, #tpu.memory_space<vmem>>
      %dma_start3A_277 = arith.constant 0 : i32
      %dma_start3A_278 = arith.constant 0 : i32
      %dma_start3A_279 = tpu.memref_slice %arg2[%dma_start3A_277, %dma_start3A_278] : memref<10000x64xbf16, #tpu.memory_space<hbm>> -> memref<10000x64xbf16, #tpu.memory_space<hbm>>
      tpu.enqueue_indirect_dma source(%dma_start3A_279 : memref<10000x64xbf16, #tpu.memory_space<hbm>>) target(%arg11 : memref<80x64xbf16, #tpu.memory_space<vmem>>) offsets(%dma_start3A_276 : memref<80xi32, #tpu.memory_space<vmem>>) semaphore(%arg14 : memref<!tpu.dma_semaphore, #tpu.memory_space<semaphore_mem>>)
      %dma_wait3A_280 = arith.constant 0 : i32
      %dma_wait3A_281 = tpu.memref_slice %arg9[%add3A_243, %dma_wait3A_280] : memref<125x80xi32, #tpu.memory_space<vmem>> -> memref<1x80xi32, #tpu.memory_space<vmem>>
      %dma_wait3A_282 = tpu.memref_squeeze %dma_wait3A_281 : memref<1x80xi32, #tpu.memory_space<vmem>> -> memref<80xi32, #tpu.memory_space<vmem>>
      %dma_wait3A_283 = arith.constant 0 : i32
      %dma_wait3A_284 = arith.constant 0 : i32
      %dma_wait3A_285 = tpu.memref_slice %arg2[%dma_wait3A_283, %dma_wait3A_284] : memref<10000x64xbf16, #tpu.memory_space<hbm>> -> memref<10000x64xbf16, #tpu.memory_space<hbm>>
      tpu.wait_indirect_dma semaphore(%arg15 : memref<!tpu.dma_semaphore, #tpu.memory_space<semaphore_mem>>) src(%dma_wait3A_285 : memref<10000x64xbf16, #tpu.memory_space<hbm>>) dst(%arg12 : memref<80x64xbf16, #tpu.memory_space<vmem>>)
      %add3A_286 = arith.constant 4 : i32
      %add3A_287 = arith.addi %mul3A_162, %add3A_286 : i32
      %sub3A_288 = arith.constant 1 : i32
      %sub3A_289 = arith.subi %add3A_287, %sub3A_288 : i32
      %dma_start3A_290 = arith.constant 0 : i32
      %dma_start3A_291 = tpu.memref_slice %arg10[%sub3A_289, %dma_start3A_290] : memref<125x80xi32, #tpu.memory_space<vmem>> -> memref<1x80xi32, #tpu.memory_space<vmem>>
      %dma_start3A_292 = tpu.memref_squeeze %dma_start3A_291 : memref<1x80xi32, #tpu.memory_space<vmem>> -> memref<80xi32, #tpu.memory_space<vmem>>
      %dma_start3A_293 = arith.constant 0 : i32
      %dma_start3A_294 = arith.constant 0 : i32
      %dma_start3A_295 = tpu.memref_slice %arg13[%dma_start3A_293, %dma_start3A_294] : memref<10000x64xbf16, #tpu.memory_space<vmem_shared>> -> memref<10000x64xbf16, #tpu.memory_space<vmem_shared>>
      tpu.enqueue_indirect_dma source(%arg12 : memref<80x64xbf16, #tpu.memory_space<vmem>>) target(%dma_start3A_295 : memref<10000x64xbf16, #tpu.memory_space<vmem_shared>>) offsets(%dma_start3A_292 : memref<80xi32, #tpu.memory_space<vmem>>) semaphore(%arg17 : memref<!tpu.dma_semaphore, #tpu.memory_space<semaphore_mem>>) {add = true}
      %dma_wait3A_296 = arith.constant 0 : i32
      %dma_wait3A_297 = tpu.memref_slice %arg9[%add3A_273, %dma_wait3A_296] : memref<125x80xi32, #tpu.memory_space<vmem>> -> memref<1x80xi32, #tpu.memory_space<vmem>>
      %dma_wait3A_298 = tpu.memref_squeeze %dma_wait3A_297 : memref<1x80xi32, #tpu.memory_space<vmem>> -> memref<80xi32, #tpu.memory_space<vmem>>
      %dma_wait3A_299 = arith.constant 0 : i32
      %dma_wait3A_300 = arith.constant 0 : i32
      %dma_wait3A_301 = tpu.memref_slice %arg2[%dma_wait3A_299, %dma_wait3A_300] : memref<10000x64xbf16, #tpu.memory_space<hbm>> -> memref<10000x64xbf16, #tpu.memory_space<hbm>>
      tpu.wait_indirect_dma semaphore(%arg14 : memref<!tpu.dma_semaphore, #tpu.memory_space<semaphore_mem>>) src(%dma_wait3A_301 : memref<10000x64xbf16, #tpu.memory_space<hbm>>) dst(%arg11 : memref<80x64xbf16, #tpu.memory_space<vmem>>)
      %add3A_302 = arith.constant 5 : i32
      %add3A_303 = arith.addi %mul3A_162, %add3A_302 : i32
      %sub3A_304 = arith.constant 1 : i32
      %sub3A_305 = arith.subi %add3A_303, %sub3A_304 : i32
      %dma_start3A_306 = arith.constant 0 : i32
      %dma_start3A_307 = tpu.memref_slice %arg10[%sub3A_305, %dma_start3A_306] : memref<125x80xi32, #tpu.memory_space<vmem>> -> memref<1x80xi32, #tpu.memory_space<vmem>>
      %dma_start3A_308 = tpu.memref_squeeze %dma_start3A_307 : memref<1x80xi32, #tpu.memory_space<vmem>> -> memref<80xi32, #tpu.memory_space<vmem>>
      %dma_start3A_309 = arith.constant 0 : i32
      %dma_start3A_310 = arith.constant 0 : i32
      %dma_start3A_311 = tpu.memref_slice %arg13[%dma_start3A_309, %dma_start3A_310] : memref<10000x64xbf16, #tpu.memory_space<vmem_shared>> -> memref<10000x64xbf16, #tpu.memory_space<vmem_shared>>
      tpu.enqueue_indirect_dma source(%arg11 : memref<80x64xbf16, #tpu.memory_space<vmem>>) target(%dma_start3A_311 : memref<10000x64xbf16, #tpu.memory_space<vmem_shared>>) offsets(%dma_start3A_308 : memref<80xi32, #tpu.memory_space<vmem>>) semaphore(%arg16 : memref<!tpu.dma_semaphore, #tpu.memory_space<semaphore_mem>>) {add = true}
    }
    %scan3A_136 = arith.constant 24 : i32
    %dma_wait3A_137 = arith.constant 0 : i32
    %dma_wait3A_138 = arith.constant 0 : i32
    %dma_wait3A_139 = tpu.memref_slice %arg5[%dma_wait3A_137, %dma_wait3A_138] : memref<10000x64xbf16, #tpu.memory_space<hbm>> -> memref<80x64xbf16, #tpu.memory_space<hbm>>
    %dma_wait3A_140 = arith.constant 0 : i32
    %dma_wait3A_141 = arith.constant 0 : i32
    %dma_wait3A_142 = tpu.memref_slice %arg5[%dma_wait3A_140, %dma_wait3A_141] : memref<10000x64xbf16, #tpu.memory_space<hbm>> -> memref<80x64xbf16, #tpu.memory_space<hbm>>
    tpu.wait_dma2 semaphore(%arg16 : memref<!tpu.dma_semaphore, #tpu.memory_space<semaphore_mem>>) src(%dma_wait3A_142 : memref<80x64xbf16, #tpu.memory_space<hbm>>) dst(%arg11 : memref<80x64xbf16, #tpu.memory_space<vmem>>)
    %dma_wait3A_143 = arith.constant 0 : i32
    %dma_wait3A_144 = arith.constant 0 : i32
    %dma_wait3A_145 = tpu.memref_slice %arg5[%dma_wait3A_143, %dma_wait3A_144] : memref<10000x64xbf16, #tpu.memory_space<hbm>> -> memref<80x64xbf16, #tpu.memory_space<hbm>>
    %dma_wait3A_146 = arith.constant 0 : i32
    %dma_wait3A_147 = arith.constant 0 : i32
    %dma_wait3A_148 = tpu.memref_slice %arg5[%dma_wait3A_146, %dma_wait3A_147] : memref<10000x64xbf16, #tpu.memory_space<hbm>> -> memref<80x64xbf16, #tpu.memory_space<hbm>>
    tpu.wait_dma2 semaphore(%arg17 : memref<!tpu.dma_semaphore, #tpu.memory_space<semaphore_mem>>) src(%dma_wait3A_148 : memref<80x64xbf16, #tpu.memory_space<hbm>>) dst(%arg12 : memref<80x64xbf16, #tpu.memory_space<vmem>>)
    %barrier3A_149 = arith.constant 0 : index
    tpu.barrier barrier_id(%barrier3A_149)
    %lt3A_150 = arith.constant 15 : i32
    %lt3A_151 = arith.cmpi slt, %arg1, %lt3A_150 : i32
    %convert_element_type3A_152 = arith.extui %lt3A_151 : i1 to i32
    %cond3A_153 = arith.constant 0 : i32
    %cond3A_154 = arith.cmpi ne, %convert_element_type3A_152, %cond3A_153 : i32
    scf.if %cond3A_154 {
      %eq3A_160 = arith.constant 0 : i32
      %eq3A_161 = arith.cmpi eq, %arg0, %eq3A_160 : i32
      %convert_element_type3A_162 = arith.extui %eq3A_161 : i1 to i32
      %cond3A_163 = arith.constant 0 : i32
      %cond3A_164 = arith.cmpi ne, %convert_element_type3A_162, %cond3A_163 : i32
      scf.if %cond3A_164 {
        "tpu.region"() ({
          %run_scoped3A = tpu.sem_alloc : memref<!tpu.dma_semaphore, #tpu.memory_space<semaphore_mem>>
          %dma_start3A_170 = arith.constant 0 : i32
          %dma_start3A_171 = tpu.memref_slice %arg7[%mul3A_2, %dma_start3A_170] : memref<10000x64xbf16, #tpu.memory_space<hbm>> -> memref<640x64xbf16, #tpu.memory_space<hbm>>
          %dma_start3A_172 = arith.constant 0 : i32
          %dma_start3A_173 = tpu.memref_slice %arg13[%mul3A_2, %dma_start3A_172] : memref<10000x64xbf16, #tpu.memory_space<vmem_shared>> -> memref<640x64xbf16, #tpu.memory_space<vmem_shared>>
          tpu.enqueue_dma source(%dma_start3A_173 : memref<640x64xbf16, #tpu.memory_space<vmem_shared>>) target(%dma_start3A_171 : memref<640x64xbf16, #tpu.memory_space<hbm>>) target_semaphore(%run_scoped3A : memref<!tpu.dma_semaphore, #tpu.memory_space<semaphore_mem>>)
          %dma_wait3A_174 = arith.constant 0 : i32
          %dma_wait3A_175 = tpu.memref_slice %arg7[%mul3A_2, %dma_wait3A_174] : memref<10000x64xbf16, #tpu.memory_space<hbm>> -> memref<640x64xbf16, #tpu.memory_space<hbm>>
          %dma_wait3A_176 = arith.constant 0 : i32
          %dma_wait3A_177 = tpu.memref_slice %arg13[%mul3A_2, %dma_wait3A_176] : memref<10000x64xbf16, #tpu.memory_space<vmem_shared>> -> memref<640x64xbf16, #tpu.memory_space<vmem_shared>>
          tpu.wait_dma2 semaphore(%run_scoped3A : memref<!tpu.dma_semaphore, #tpu.memory_space<semaphore_mem>>) src(%dma_wait3A_177 : memref<640x64xbf16, #tpu.memory_space<vmem_shared>>) dst(%dma_wait3A_175 : memref<640x64xbf16, #tpu.memory_space<hbm>>)
          tpu.yield
        }) : () -> ()
      } else {
      }
      %eq3A_165 = arith.constant 1 : i32
      %eq3A_166 = arith.cmpi eq, %arg0, %eq3A_165 : i32
      %convert_element_type3A_167 = arith.extui %eq3A_166 : i1 to i32
      %cond3A_168 = arith.constant 0 : i32
      %cond3A_169 = arith.cmpi ne, %convert_element_type3A_167, %cond3A_168 : i32
      scf.if %cond3A_169 {
        "tpu.region"() ({
          %run_scoped3A = tpu.sem_alloc : memref<!tpu.dma_semaphore, #tpu.memory_space<semaphore_mem>>
          %dma_start3A_170 = arith.constant 0 : i32
          %dma_start3A_171 = tpu.memref_slice %arg8[%mul3A_2, %dma_start3A_170] : memref<10000x64xbf16, #tpu.memory_space<hbm>> -> memref<640x64xbf16, #tpu.memory_space<hbm>>
          %dma_start3A_172 = arith.constant 0 : i32
          %dma_start3A_173 = tpu.memref_slice %arg13[%mul3A_2, %dma_start3A_172] : memref<10000x64xbf16, #tpu.memory_space<vmem_shared>> -> memref<640x64xbf16, #tpu.memory_space<vmem_shared>>
          tpu.enqueue_dma source(%dma_start3A_173 : memref<640x64xbf16, #tpu.memory_space<vmem_shared>>) target(%dma_start3A_171 : memref<640x64xbf16, #tpu.memory_space<hbm>>) target_semaphore(%run_scoped3A : memref<!tpu.dma_semaphore, #tpu.memory_space<semaphore_mem>>)
          %dma_wait3A_174 = arith.constant 0 : i32
          %dma_wait3A_175 = tpu.memref_slice %arg8[%mul3A_2, %dma_wait3A_174] : memref<10000x64xbf16, #tpu.memory_space<hbm>> -> memref<640x64xbf16, #tpu.memory_space<hbm>>
          %dma_wait3A_176 = arith.constant 0 : i32
          %dma_wait3A_177 = tpu.memref_slice %arg13[%mul3A_2, %dma_wait3A_176] : memref<10000x64xbf16, #tpu.memory_space<vmem_shared>> -> memref<640x64xbf16, #tpu.memory_space<vmem_shared>>
          tpu.wait_dma2 semaphore(%run_scoped3A : memref<!tpu.dma_semaphore, #tpu.memory_space<semaphore_mem>>) src(%dma_wait3A_177 : memref<640x64xbf16, #tpu.memory_space<vmem_shared>>) dst(%dma_wait3A_175 : memref<640x64xbf16, #tpu.memory_space<hbm>>)
          tpu.yield
        }) : () -> ()
      } else {
      }
    } else {
    }
    %eq3A_155 = arith.constant 15 : i32
    %eq3A_156 = arith.cmpi eq, %arg1, %eq3A_155 : i32
    %convert_element_type3A_157 = arith.extui %eq3A_156 : i1 to i32
    %cond3A_158 = arith.constant 0 : i32
    %cond3A_159 = arith.cmpi ne, %convert_element_type3A_157, %cond3A_158 : i32
    scf.if %cond3A_159 {
      %eq3A_160 = arith.constant 0 : i32
      %eq3A_161 = arith.cmpi eq, %arg0, %eq3A_160 : i32
      %convert_element_type3A_162 = arith.extui %eq3A_161 : i1 to i32
      %cond3A_163 = arith.constant 0 : i32
      %cond3A_164 = arith.cmpi ne, %convert_element_type3A_162, %cond3A_163 : i32
      scf.if %cond3A_164 {
        "tpu.region"() ({
          %run_scoped3A = tpu.sem_alloc : memref<!tpu.dma_semaphore, #tpu.memory_space<semaphore_mem>>
          %dma_start3A_170 = arith.constant 9600 : i32
          %dma_start3A_171 = arith.constant 0 : i32
          %dma_start3A_172 = tpu.memref_slice %arg7[%dma_start3A_170, %dma_start3A_171] : memref<10000x64xbf16, #tpu.memory_space<hbm>> -> memref<400x64xbf16, #tpu.memory_space<hbm>>
          %dma_start3A_173 = arith.constant 9600 : i32
          %dma_start3A_174 = arith.constant 0 : i32
          %dma_start3A_175 = tpu.memref_slice %arg13[%dma_start3A_173, %dma_start3A_174] : memref<10000x64xbf16, #tpu.memory_space<vmem_shared>> -> memref<400x64xbf16, #tpu.memory_space<vmem_shared>>
          tpu.enqueue_dma source(%dma_start3A_175 : memref<400x64xbf16, #tpu.memory_space<vmem_shared>>) target(%dma_start3A_172 : memref<400x64xbf16, #tpu.memory_space<hbm>>) target_semaphore(%run_scoped3A : memref<!tpu.dma_semaphore, #tpu.memory_space<semaphore_mem>>)
          %dma_wait3A_176 = arith.constant 9600 : i32
          %dma_wait3A_177 = arith.constant 0 : i32
          %dma_wait3A_178 = tpu.memref_slice %arg7[%dma_wait3A_176, %dma_wait3A_177] : memref<10000x64xbf16, #tpu.memory_space<hbm>> -> memref<400x64xbf16, #tpu.memory_space<hbm>>
          %dma_wait3A_179 = arith.constant 9600 : i32
          %dma_wait3A_180 = arith.constant 0 : i32
          %dma_wait3A_181 = tpu.memref_slice %arg13[%dma_wait3A_179, %dma_wait3A_180] : memref<10000x64xbf16, #tpu.memory_space<vmem_shared>> -> memref<400x64xbf16, #tpu.memory_space<vmem_shared>>
          tpu.wait_dma2 semaphore(%run_scoped3A : memref<!tpu.dma_semaphore, #tpu.memory_space<semaphore_mem>>) src(%dma_wait3A_181 : memref<400x64xbf16, #tpu.memory_space<vmem_shared>>) dst(%dma_wait3A_178 : memref<400x64xbf16, #tpu.memory_space<hbm>>)
          tpu.yield
        }) : () -> ()
      } else {
      }
      %eq3A_165 = arith.constant 1 : i32
      %eq3A_166 = arith.cmpi eq, %arg0, %eq3A_165 : i32
      %convert_element_type3A_167 = arith.extui %eq3A_166 : i1 to i32
      %cond3A_168 = arith.constant 0 : i32
      %cond3A_169 = arith.cmpi ne, %convert_element_type3A_167, %cond3A_168 : i32
      scf.if %cond3A_169 {
        "tpu.region"() ({
          %run_scoped3A = tpu.sem_alloc : memref<!tpu.dma_semaphore, #tpu.memory_space<semaphore_mem>>
          %dma_start3A_170 = arith.constant 9600 : i32
          %dma_start3A_171 = arith.constant 0 : i32
          %dma_start3A_172 = tpu.memref_slice %arg8[%dma_start3A_170, %dma_start3A_171] : memref<10000x64xbf16, #tpu.memory_space<hbm>> -> memref<400x64xbf16, #tpu.memory_space<hbm>>
          %dma_start3A_173 = arith.constant 9600 : i32
          %dma_start3A_174 = arith.constant 0 : i32
          %dma_start3A_175 = tpu.memref_slice %arg13[%dma_start3A_173, %dma_start3A_174] : memref<10000x64xbf16, #tpu.memory_space<vmem_shared>> -> memref<400x64xbf16, #tpu.memory_space<vmem_shared>>
          tpu.enqueue_dma source(%dma_start3A_175 : memref<400x64xbf16, #tpu.memory_space<vmem_shared>>) target(%dma_start3A_172 : memref<400x64xbf16, #tpu.memory_space<hbm>>) target_semaphore(%run_scoped3A : memref<!tpu.dma_semaphore, #tpu.memory_space<semaphore_mem>>)
          %dma_wait3A_176 = arith.constant 9600 : i32
          %dma_wait3A_177 = arith.constant 0 : i32
          %dma_wait3A_178 = tpu.memref_slice %arg8[%dma_wait3A_176, %dma_wait3A_177] : memref<10000x64xbf16, #tpu.memory_space<hbm>> -> memref<400x64xbf16, #tpu.memory_space<hbm>>
          %dma_wait3A_179 = arith.constant 9600 : i32
          %dma_wait3A_180 = arith.constant 0 : i32
          %dma_wait3A_181 = tpu.memref_slice %arg13[%dma_wait3A_179, %dma_wait3A_180] : memref<10000x64xbf16, #tpu.memory_space<vmem_shared>> -> memref<400x64xbf16, #tpu.memory_space<vmem_shared>>
          tpu.wait_dma2 semaphore(%run_scoped3A : memref<!tpu.dma_semaphore, #tpu.memory_space<semaphore_mem>>) src(%dma_wait3A_181 : memref<400x64xbf16, #tpu.memory_space<vmem_shared>>) dst(%dma_wait3A_178 : memref<400x64xbf16, #tpu.memory_space<hbm>>)
          tpu.yield
        }) : () -> ()
      } else {
      }
    } else {
    }
    return
  }
}

#map = affine_map<(d0, d1) -> (0, 0)>
module attributes {stable_mosaic.version = 14 : i64} {
  func.func @k(%arg0: i32, %arg1: i32, %arg2: memref<10000x128xbf16, #tpu.memory_space<hbm>>, %arg3: memref<4000x80xi32, #tpu.memory_space<hbm>>, %arg4: memref<4000x80xi32, #tpu.memory_space<hbm>>, %arg5: memref<10000x128xbf16, #tpu.memory_space<hbm>>, %arg6: memref<10000x16xf32, #tpu.memory_space<hbm>>, %arg7: memref<10000x128xbf16, #tpu.memory_space<hbm>>, %arg8: memref<10000x128xbf16, #tpu.memory_space<hbm>>, %arg9: memref<10000x16xf32, #tpu.memory_space<hbm>>, %arg10: memref<10000x16xf32, #tpu.memory_space<hbm>>, %arg11: memref<125x80xi32, #tpu.memory_space<vmem>>, %arg12: memref<5x80xi32, #tpu.memory_space<vmem>>, %arg13: memref<80x128xbf16, #tpu.memory_space<vmem>>, %arg14: memref<80x128xbf16, #tpu.memory_space<vmem>>, %arg15: memref<10000x128xbf16, #tpu.memory_space<vmem_shared>>, %arg16: memref<!tpu.dma_semaphore, #tpu.memory_space<semaphore_mem>>, %arg17: memref<!tpu.dma_semaphore, #tpu.memory_space<semaphore_mem>>, %arg18: memref<!tpu.dma_semaphore, #tpu.memory_space<semaphore_mem>>, %arg19: memref<!tpu.dma_semaphore, #tpu.memory_space<semaphore_mem>>, %arg20: memref<80x16xf32, #tpu.memory_space<vmem>>, %arg21: memref<10000x16xf32, #tpu.memory_space<vmem_shared>>) attributes {dimension_semantics = [#tpu.dimension_semantics<core_parallel>, #tpu.dimension_semantics<subcore_parallel>], iteration_bounds = array<i64: 2, 16>, scalar_prefetch = 0 : i64, scratch_operands = 11 : i64, tpu.core_type = #tpu.core_type<sc_vector_subcore>, window_params = [{transform_indices = #map}, {transform_indices = #map}, {transform_indices = #map}, {transform_indices = #map}, {transform_indices = #map}, {transform_indices = #map}, {transform_indices = #map}, {transform_indices = #map}, {transform_indices = #map}]} {
    %mul3A = arith.constant 16 : i32
    %mul3A_0 = arith.muli %arg0, %mul3A : i32
    %add3A = arith.addi %mul3A_0, %arg1 : i32
    %mul3A_1 = arith.constant 640 : i32
    %mul3A_2 = arith.muli %arg1, %mul3A_1 : i32
    %lt3A = arith.constant 15 : i32
    %lt3A_3 = arith.cmpi slt, %arg1, %lt3A : i32
    %convert_element_type3A = arith.extui %lt3A_3 : i1 to i32
    %cond3A = arith.constant 0 : i32
    %cond3A_4 = arith.cmpi ne, %convert_element_type3A, %cond3A : i32
    scf.if %cond3A_4 {
      "tpu.region"() ({
        %run_scoped3A = tpu.sem_alloc : memref<!tpu.dma_semaphore, #tpu.memory_space<semaphore_mem>>
        %dma_start3A_865 = arith.constant 0 : i32
        %dma_start3A_866 = tpu.memref_slice %arg15[%mul3A_2, %dma_start3A_865] : memref<10000x128xbf16, #tpu.memory_space<vmem_shared>> -> memref<640x128xbf16, #tpu.memory_space<vmem_shared>>
        %dma_start3A_867 = arith.constant 0 : i32
        %dma_start3A_868 = tpu.memref_slice %arg5[%mul3A_2, %dma_start3A_867] : memref<10000x128xbf16, #tpu.memory_space<hbm>> -> memref<640x128xbf16, #tpu.memory_space<hbm>>
        tpu.enqueue_dma source(%dma_start3A_868 : memref<640x128xbf16, #tpu.memory_space<hbm>>) target(%dma_start3A_866 : memref<640x128xbf16, #tpu.memory_space<vmem_shared>>) target_semaphore(%run_scoped3A : memref<!tpu.dma_semaphore, #tpu.memory_space<semaphore_mem>>)
        %dma_wait3A_869 = arith.constant 0 : i32
        %dma_wait3A_870 = tpu.memref_slice %arg15[%mul3A_2, %dma_wait3A_869] : memref<10000x128xbf16, #tpu.memory_space<vmem_shared>> -> memref<640x128xbf16, #tpu.memory_space<vmem_shared>>
        %dma_wait3A_871 = arith.constant 0 : i32
        %dma_wait3A_872 = tpu.memref_slice %arg5[%mul3A_2, %dma_wait3A_871] : memref<10000x128xbf16, #tpu.memory_space<hbm>> -> memref<640x128xbf16, #tpu.memory_space<hbm>>
        tpu.wait_dma2 semaphore(%run_scoped3A : memref<!tpu.dma_semaphore, #tpu.memory_space<semaphore_mem>>) src(%dma_wait3A_872 : memref<640x128xbf16, #tpu.memory_space<hbm>>) dst(%dma_wait3A_870 : memref<640x128xbf16, #tpu.memory_space<vmem_shared>>)
        tpu.yield
      }) : () -> ()
      "tpu.region"() ({
        %run_scoped3A = tpu.sem_alloc : memref<!tpu.dma_semaphore, #tpu.memory_space<semaphore_mem>>
        %dma_start3A_865 = arith.constant 0 : i32
        %dma_start3A_866 = tpu.memref_slice %arg21[%mul3A_2, %dma_start3A_865] : memref<10000x16xf32, #tpu.memory_space<vmem_shared>> -> memref<640x16xf32, #tpu.memory_space<vmem_shared>>
        %dma_start3A_867 = arith.constant 0 : i32
        %dma_start3A_868 = tpu.memref_slice %arg6[%mul3A_2, %dma_start3A_867] : memref<10000x16xf32, #tpu.memory_space<hbm>> -> memref<640x16xf32, #tpu.memory_space<hbm>>
        tpu.enqueue_dma source(%dma_start3A_868 : memref<640x16xf32, #tpu.memory_space<hbm>>) target(%dma_start3A_866 : memref<640x16xf32, #tpu.memory_space<vmem_shared>>) target_semaphore(%run_scoped3A : memref<!tpu.dma_semaphore, #tpu.memory_space<semaphore_mem>>)
        %dma_wait3A_869 = arith.constant 0 : i32
        %dma_wait3A_870 = tpu.memref_slice %arg21[%mul3A_2, %dma_wait3A_869] : memref<10000x16xf32, #tpu.memory_space<vmem_shared>> -> memref<640x16xf32, #tpu.memory_space<vmem_shared>>
        %dma_wait3A_871 = arith.constant 0 : i32
        %dma_wait3A_872 = tpu.memref_slice %arg6[%mul3A_2, %dma_wait3A_871] : memref<10000x16xf32, #tpu.memory_space<hbm>> -> memref<640x16xf32, #tpu.memory_space<hbm>>
        tpu.wait_dma2 semaphore(%run_scoped3A : memref<!tpu.dma_semaphore, #tpu.memory_space<semaphore_mem>>) src(%dma_wait3A_872 : memref<640x16xf32, #tpu.memory_space<hbm>>) dst(%dma_wait3A_870 : memref<640x16xf32, #tpu.memory_space<vmem_shared>>)
        tpu.yield
      }) : () -> ()
    } else {
    }
    %eq3A = arith.constant 15 : i32
    %eq3A_5 = arith.cmpi eq, %arg1, %eq3A : i32
    %convert_element_type3A_6 = arith.extui %eq3A_5 : i1 to i32
    %cond3A_7 = arith.constant 0 : i32
    %cond3A_8 = arith.cmpi ne, %convert_element_type3A_6, %cond3A_7 : i32
    scf.if %cond3A_8 {
      "tpu.region"() ({
        %run_scoped3A = tpu.sem_alloc : memref<!tpu.dma_semaphore, #tpu.memory_space<semaphore_mem>>
        %dma_start3A_865 = arith.constant 9600 : i32
        %dma_start3A_866 = arith.constant 0 : i32
        %dma_start3A_867 = tpu.memref_slice %arg15[%dma_start3A_865, %dma_start3A_866] : memref<10000x128xbf16, #tpu.memory_space<vmem_shared>> -> memref<400x128xbf16, #tpu.memory_space<vmem_shared>>
        %dma_start3A_868 = arith.constant 9600 : i32
        %dma_start3A_869 = arith.constant 0 : i32
        %dma_start3A_870 = tpu.memref_slice %arg5[%dma_start3A_868, %dma_start3A_869] : memref<10000x128xbf16, #tpu.memory_space<hbm>> -> memref<400x128xbf16, #tpu.memory_space<hbm>>
        tpu.enqueue_dma source(%dma_start3A_870 : memref<400x128xbf16, #tpu.memory_space<hbm>>) target(%dma_start3A_867 : memref<400x128xbf16, #tpu.memory_space<vmem_shared>>) target_semaphore(%run_scoped3A : memref<!tpu.dma_semaphore, #tpu.memory_space<semaphore_mem>>)
        %dma_wait3A_871 = arith.constant 9600 : i32
        %dma_wait3A_872 = arith.constant 0 : i32
        %dma_wait3A_873 = tpu.memref_slice %arg15[%dma_wait3A_871, %dma_wait3A_872] : memref<10000x128xbf16, #tpu.memory_space<vmem_shared>> -> memref<400x128xbf16, #tpu.memory_space<vmem_shared>>
        %dma_wait3A_874 = arith.constant 9600 : i32
        %dma_wait3A_875 = arith.constant 0 : i32
        %dma_wait3A_876 = tpu.memref_slice %arg5[%dma_wait3A_874, %dma_wait3A_875] : memref<10000x128xbf16, #tpu.memory_space<hbm>> -> memref<400x128xbf16, #tpu.memory_space<hbm>>
        tpu.wait_dma2 semaphore(%run_scoped3A : memref<!tpu.dma_semaphore, #tpu.memory_space<semaphore_mem>>) src(%dma_wait3A_876 : memref<400x128xbf16, #tpu.memory_space<hbm>>) dst(%dma_wait3A_873 : memref<400x128xbf16, #tpu.memory_space<vmem_shared>>)
        tpu.yield
      }) : () -> ()
      "tpu.region"() ({
        %run_scoped3A = tpu.sem_alloc : memref<!tpu.dma_semaphore, #tpu.memory_space<semaphore_mem>>
        %dma_start3A_865 = arith.constant 9600 : i32
        %dma_start3A_866 = arith.constant 0 : i32
        %dma_start3A_867 = tpu.memref_slice %arg21[%dma_start3A_865, %dma_start3A_866] : memref<10000x16xf32, #tpu.memory_space<vmem_shared>> -> memref<400x16xf32, #tpu.memory_space<vmem_shared>>
        %dma_start3A_868 = arith.constant 9600 : i32
        %dma_start3A_869 = arith.constant 0 : i32
        %dma_start3A_870 = tpu.memref_slice %arg6[%dma_start3A_868, %dma_start3A_869] : memref<10000x16xf32, #tpu.memory_space<hbm>> -> memref<400x16xf32, #tpu.memory_space<hbm>>
        tpu.enqueue_dma source(%dma_start3A_870 : memref<400x16xf32, #tpu.memory_space<hbm>>) target(%dma_start3A_867 : memref<400x16xf32, #tpu.memory_space<vmem_shared>>) target_semaphore(%run_scoped3A : memref<!tpu.dma_semaphore, #tpu.memory_space<semaphore_mem>>)
        %dma_wait3A_871 = arith.constant 9600 : i32
        %dma_wait3A_872 = arith.constant 0 : i32
        %dma_wait3A_873 = tpu.memref_slice %arg21[%dma_wait3A_871, %dma_wait3A_872] : memref<10000x16xf32, #tpu.memory_space<vmem_shared>> -> memref<400x16xf32, #tpu.memory_space<vmem_shared>>
        %dma_wait3A_874 = arith.constant 9600 : i32
        %dma_wait3A_875 = arith.constant 0 : i32
        %dma_wait3A_876 = tpu.memref_slice %arg6[%dma_wait3A_874, %dma_wait3A_875] : memref<10000x16xf32, #tpu.memory_space<hbm>> -> memref<400x16xf32, #tpu.memory_space<hbm>>
        tpu.wait_dma2 semaphore(%run_scoped3A : memref<!tpu.dma_semaphore, #tpu.memory_space<semaphore_mem>>) src(%dma_wait3A_876 : memref<400x16xf32, #tpu.memory_space<hbm>>) dst(%dma_wait3A_873 : memref<400x16xf32, #tpu.memory_space<vmem_shared>>)
        tpu.yield
      }) : () -> ()
    } else {
    }
    %mul3A_9 = arith.constant 125 : i32
    %mul3A_10 = arith.muli %add3A, %mul3A_9 : i32
    "tpu.region"() ({
      %run_scoped3A = tpu.sem_alloc : memref<!tpu.dma_semaphore, #tpu.memory_space<semaphore_mem>>
      %dma_start3A_865 = arith.constant 0 : i32
      %dma_start3A_866 = tpu.memref_slice %arg3[%mul3A_10, %dma_start3A_865] : memref<4000x80xi32, #tpu.memory_space<hbm>> -> memref<125x80xi32, #tpu.memory_space<hbm>>
      %dma_start3A_867 = arith.constant 0 : i32
      %dma_start3A_868 = tpu.memref_slice %arg3[%mul3A_10, %dma_start3A_867] : memref<4000x80xi32, #tpu.memory_space<hbm>> -> memref<125x80xi32, #tpu.memory_space<hbm>>
      tpu.enqueue_dma source(%dma_start3A_868 : memref<125x80xi32, #tpu.memory_space<hbm>>) target(%arg11 : memref<125x80xi32, #tpu.memory_space<vmem>>) target_semaphore(%run_scoped3A : memref<!tpu.dma_semaphore, #tpu.memory_space<semaphore_mem>>)
      %dma_wait3A_869 = arith.constant 0 : i32
      %dma_wait3A_870 = tpu.memref_slice %arg3[%mul3A_10, %dma_wait3A_869] : memref<4000x80xi32, #tpu.memory_space<hbm>> -> memref<125x80xi32, #tpu.memory_space<hbm>>
      %dma_wait3A_871 = arith.constant 0 : i32
      %dma_wait3A_872 = tpu.memref_slice %arg3[%mul3A_10, %dma_wait3A_871] : memref<4000x80xi32, #tpu.memory_space<hbm>> -> memref<125x80xi32, #tpu.memory_space<hbm>>
      tpu.wait_dma2 semaphore(%run_scoped3A : memref<!tpu.dma_semaphore, #tpu.memory_space<semaphore_mem>>) src(%dma_wait3A_872 : memref<125x80xi32, #tpu.memory_space<hbm>>) dst(%arg11 : memref<125x80xi32, #tpu.memory_space<vmem>>)
      tpu.yield
    }) : () -> ()
    %broadcast_in_dim3A = arith.constant 1.000000e+00 : f32
    %broadcast_in_dim3A_11 = vector.broadcast %broadcast_in_dim3A : f32 to vector<16xf32>
    %swap3A = arith.constant 0 : i32
    %swap3A_12 = arith.index_cast %swap3A : i32 to index
    %swap3A_13 = arith.constant 0 : index
    %swap3A_14 = tpu.vector_load %arg20[%swap3A_12, %swap3A_13] {strides = array<i32>} : memref<80x16xf32, #tpu.memory_space<vmem>>, vector<1x16xf32>,
    %swap3A_15 = vector.shape_cast %swap3A_14 : vector<1x16xf32> to vector<16xf32>
    %swap3A_16 = vector.shape_cast %broadcast_in_dim3A_11 : vector<16xf32> to vector<1x16xf32>
    tpu.vector_store %arg20[%swap3A_12, %swap3A_13], %swap3A_16 {strides = array<i32>} : memref<80x16xf32, #tpu.memory_space<vmem>>, vector<1x16xf32>,
    %broadcast_in_dim3A_17 = arith.constant 1.000000e+00 : f32
    %broadcast_in_dim3A_18 = vector.broadcast %broadcast_in_dim3A_17 : f32 to vector<16xf32>
    %swap3A_19 = arith.constant 1 : i32
    %swap3A_20 = arith.index_cast %swap3A_19 : i32 to index
    %swap3A_21 = arith.constant 0 : index
    %swap3A_22 = tpu.vector_load %arg20[%swap3A_20, %swap3A_21] {strides = array<i32>} : memref<80x16xf32, #tpu.memory_space<vmem>>, vector<1x16xf32>,
    %swap3A_23 = vector.shape_cast %swap3A_22 : vector<1x16xf32> to vector<16xf32>
    %swap3A_24 = vector.shape_cast %broadcast_in_dim3A_18 : vector<16xf32> to vector<1x16xf32>
    tpu.vector_store %arg20[%swap3A_20, %swap3A_21], %swap3A_24 {strides = array<i32>} : memref<80x16xf32, #tpu.memory_space<vmem>>, vector<1x16xf32>,
    %broadcast_in_dim3A_25 = arith.constant 1.000000e+00 : f32
    %broadcast_in_dim3A_26 = vector.broadcast %broadcast_in_dim3A_25 : f32 to vector<16xf32>
    %swap3A_27 = arith.constant 2 : i32
    %swap3A_28 = arith.index_cast %swap3A_27 : i32 to index
    %swap3A_29 = arith.constant 0 : index
    %swap3A_30 = tpu.vector_load %arg20[%swap3A_28, %swap3A_29] {strides = array<i32>} : memref<80x16xf32, #tpu.memory_space<vmem>>, vector<1x16xf32>,
    %swap3A_31 = vector.shape_cast %swap3A_30 : vector<1x16xf32> to vector<16xf32>
    %swap3A_32 = vector.shape_cast %broadcast_in_dim3A_26 : vector<16xf32> to vector<1x16xf32>
    tpu.vector_store %arg20[%swap3A_28, %swap3A_29], %swap3A_32 {strides = array<i32>} : memref<80x16xf32, #tpu.memory_space<vmem>>, vector<1x16xf32>,
    %broadcast_in_dim3A_33 = arith.constant 1.000000e+00 : f32
    %broadcast_in_dim3A_34 = vector.broadcast %broadcast_in_dim3A_33 : f32 to vector<16xf32>
    %swap3A_35 = arith.constant 3 : i32
    %swap3A_36 = arith.index_cast %swap3A_35 : i32 to index
    %swap3A_37 = arith.constant 0 : index
    %swap3A_38 = tpu.vector_load %arg20[%swap3A_36, %swap3A_37] {strides = array<i32>} : memref<80x16xf32, #tpu.memory_space<vmem>>, vector<1x16xf32>,
    %swap3A_39 = vector.shape_cast %swap3A_38 : vector<1x16xf32> to vector<16xf32>
    %swap3A_40 = vector.shape_cast %broadcast_in_dim3A_34 : vector<16xf32> to vector<1x16xf32>
    tpu.vector_store %arg20[%swap3A_36, %swap3A_37], %swap3A_40 {strides = array<i32>} : memref<80x16xf32, #tpu.memory_space<vmem>>, vector<1x16xf32>,
    %broadcast_in_dim3A_41 = arith.constant 1.000000e+00 : f32
    %broadcast_in_dim3A_42 = vector.broadcast %broadcast_in_dim3A_41 : f32 to vector<16xf32>
    %swap3A_43 = arith.constant 4 : i32
    %swap3A_44 = arith.index_cast %swap3A_43 : i32 to index
    %swap3A_45 = arith.constant 0 : index
    %swap3A_46 = tpu.vector_load %arg20[%swap3A_44, %swap3A_45] {strides = array<i32>} : memref<80x16xf32, #tpu.memory_space<vmem>>, vector<1x16xf32>,
    %swap3A_47 = vector.shape_cast %swap3A_46 : vector<1x16xf32> to vector<16xf32>
    %swap3A_48 = vector.shape_cast %broadcast_in_dim3A_42 : vector<16xf32> to vector<1x16xf32>
    tpu.vector_store %arg20[%swap3A_44, %swap3A_45], %swap3A_48 {strides = array<i32>} : memref<80x16xf32, #tpu.memory_space<vmem>>, vector<1x16xf32>,
    %broadcast_in_dim3A_49 = arith.constant 1.000000e+00 : f32
    %broadcast_in_dim3A_50 = vector.broadcast %broadcast_in_dim3A_49 : f32 to vector<16xf32>
    %swap3A_51 = arith.constant 5 : i32
    %swap3A_52 = arith.index_cast %swap3A_51 : i32 to index
    %swap3A_53 = arith.constant 0 : index
    %swap3A_54 = tpu.vector_load %arg20[%swap3A_52, %swap3A_53] {strides = array<i32>} : memref<80x16xf32, #tpu.memory_space<vmem>>, vector<1x16xf32>,
    %swap3A_55 = vector.shape_cast %swap3A_54 : vector<1x16xf32> to vector<16xf32>
    %swap3A_56 = vector.shape_cast %broadcast_in_dim3A_50 : vector<16xf32> to vector<1x16xf32>
    tpu.vector_store %arg20[%swap3A_52, %swap3A_53], %swap3A_56 {strides = array<i32>} : memref<80x16xf32, #tpu.memory_space<vmem>>, vector<1x16xf32>,
    %broadcast_in_dim3A_57 = arith.constant 1.000000e+00 : f32
    %broadcast_in_dim3A_58 = vector.broadcast %broadcast_in_dim3A_57 : f32 to vector<16xf32>
    %swap3A_59 = arith.constant 6 : i32
    %swap3A_60 = arith.index_cast %swap3A_59 : i32 to index
    %swap3A_61 = arith.constant 0 : index
    %swap3A_62 = tpu.vector_load %arg20[%swap3A_60, %swap3A_61] {strides = array<i32>} : memref<80x16xf32, #tpu.memory_space<vmem>>, vector<1x16xf32>,
    %swap3A_63 = vector.shape_cast %swap3A_62 : vector<1x16xf32> to vector<16xf32>
    %swap3A_64 = vector.shape_cast %broadcast_in_dim3A_58 : vector<16xf32> to vector<1x16xf32>
    tpu.vector_store %arg20[%swap3A_60, %swap3A_61], %swap3A_64 {strides = array<i32>} : memref<80x16xf32, #tpu.memory_space<vmem>>, vector<1x16xf32>,
    %broadcast_in_dim3A_65 = arith.constant 1.000000e+00 : f32
    %broadcast_in_dim3A_66 = vector.broadcast %broadcast_in_dim3A_65 : f32 to vector<16xf32>
    %swap3A_67 = arith.constant 7 : i32
    %swap3A_68 = arith.index_cast %swap3A_67 : i32 to index
    %swap3A_69 = arith.constant 0 : index
    %swap3A_70 = tpu.vector_load %arg20[%swap3A_68, %swap3A_69] {strides = array<i32>} : memref<80x16xf32, #tpu.memory_space<vmem>>, vector<1x16xf32>,
    %swap3A_71 = vector.shape_cast %swap3A_70 : vector<1x16xf32> to vector<16xf32>
    %swap3A_72 = vector.shape_cast %broadcast_in_dim3A_66 : vector<16xf32> to vector<1x16xf32>
    tpu.vector_store %arg20[%swap3A_68, %swap3A_69], %swap3A_72 {strides = array<i32>} : memref<80x16xf32, #tpu.memory_space<vmem>>, vector<1x16xf32>,
    %broadcast_in_dim3A_73 = arith.constant 1.000000e+00 : f32
    %broadcast_in_dim3A_74 = vector.broadcast %broadcast_in_dim3A_73 : f32 to vector<16xf32>
    %swap3A_75 = arith.constant 8 : i32
    %swap3A_76 = arith.index_cast %swap3A_75 : i32 to index
    %swap3A_77 = arith.constant 0 : index
    %swap3A_78 = tpu.vector_load %arg20[%swap3A_76, %swap3A_77] {strides = array<i32>} : memref<80x16xf32, #tpu.memory_space<vmem>>, vector<1x16xf32>,
    %swap3A_79 = vector.shape_cast %swap3A_78 : vector<1x16xf32> to vector<16xf32>
    %swap3A_80 = vector.shape_cast %broadcast_in_dim3A_74 : vector<16xf32> to vector<1x16xf32>
    tpu.vector_store %arg20[%swap3A_76, %swap3A_77], %swap3A_80 {strides = array<i32>} : memref<80x16xf32, #tpu.memory_space<vmem>>, vector<1x16xf32>,
    %broadcast_in_dim3A_81 = arith.constant 1.000000e+00 : f32
    %broadcast_in_dim3A_82 = vector.broadcast %broadcast_in_dim3A_81 : f32 to vector<16xf32>
    %swap3A_83 = arith.constant 9 : i32
    %swap3A_84 = arith.index_cast %swap3A_83 : i32 to index
    %swap3A_85 = arith.constant 0 : index
    %swap3A_86 = tpu.vector_load %arg20[%swap3A_84, %swap3A_85] {strides = array<i32>} : memref<80x16xf32, #tpu.memory_space<vmem>>, vector<1x16xf32>,
    %swap3A_87 = vector.shape_cast %swap3A_86 : vector<1x16xf32> to vector<16xf32>
    %swap3A_88 = vector.shape_cast %broadcast_in_dim3A_82 : vector<16xf32> to vector<1x16xf32>
    tpu.vector_store %arg20[%swap3A_84, %swap3A_85], %swap3A_88 {strides = array<i32>} : memref<80x16xf32, #tpu.memory_space<vmem>>, vector<1x16xf32>,
    %broadcast_in_dim3A_89 = arith.constant 1.000000e+00 : f32
    %broadcast_in_dim3A_90 = vector.broadcast %broadcast_in_dim3A_89 : f32 to vector<16xf32>
    %swap3A_91 = arith.constant 10 : i32
    %swap3A_92 = arith.index_cast %swap3A_91 : i32 to index
    %swap3A_93 = arith.constant 0 : index
    %swap3A_94 = tpu.vector_load %arg20[%swap3A_92, %swap3A_93] {strides = array<i32>} : memref<80x16xf32, #tpu.memory_space<vmem>>, vector<1x16xf32>,
    %swap3A_95 = vector.shape_cast %swap3A_94 : vector<1x16xf32> to vector<16xf32>
    %swap3A_96 = vector.shape_cast %broadcast_in_dim3A_90 : vector<16xf32> to vector<1x16xf32>
    tpu.vector_store %arg20[%swap3A_92, %swap3A_93], %swap3A_96 {strides = array<i32>} : memref<80x16xf32, #tpu.memory_space<vmem>>, vector<1x16xf32>,
    %broadcast_in_dim3A_97 = arith.constant 1.000000e+00 : f32
    %broadcast_in_dim3A_98 = vector.broadcast %broadcast_in_dim3A_97 : f32 to vector<16xf32>
    %swap3A_99 = arith.constant 11 : i32
    %swap3A_100 = arith.index_cast %swap3A_99 : i32 to index
    %swap3A_101 = arith.constant 0 : index
    %swap3A_102 = tpu.vector_load %arg20[%swap3A_100, %swap3A_101] {strides = array<i32>} : memref<80x16xf32, #tpu.memory_space<vmem>>, vector<1x16xf32>,
    %swap3A_103 = vector.shape_cast %swap3A_102 : vector<1x16xf32> to vector<16xf32>
    %swap3A_104 = vector.shape_cast %broadcast_in_dim3A_98 : vector<16xf32> to vector<1x16xf32>
    tpu.vector_store %arg20[%swap3A_100, %swap3A_101], %swap3A_104 {strides = array<i32>} : memref<80x16xf32, #tpu.memory_space<vmem>>, vector<1x16xf32>,
    %broadcast_in_dim3A_105 = arith.constant 1.000000e+00 : f32
    %broadcast_in_dim3A_106 = vector.broadcast %broadcast_in_dim3A_105 : f32 to vector<16xf32>
    %swap3A_107 = arith.constant 12 : i32
    %swap3A_108 = arith.index_cast %swap3A_107 : i32 to index
    %swap3A_109 = arith.constant 0 : index
    %swap3A_110 = tpu.vector_load %arg20[%swap3A_108, %swap3A_109] {strides = array<i32>} : memref<80x16xf32, #tpu.memory_space<vmem>>, vector<1x16xf32>,
    %swap3A_111 = vector.shape_cast %swap3A_110 : vector<1x16xf32> to vector<16xf32>
    %swap3A_112 = vector.shape_cast %broadcast_in_dim3A_106 : vector<16xf32> to vector<1x16xf32>
    tpu.vector_store %arg20[%swap3A_108, %swap3A_109], %swap3A_112 {strides = array<i32>} : memref<80x16xf32, #tpu.memory_space<vmem>>, vector<1x16xf32>,
    %broadcast_in_dim3A_113 = arith.constant 1.000000e+00 : f32
    %broadcast_in_dim3A_114 = vector.broadcast %broadcast_in_dim3A_113 : f32 to vector<16xf32>
    %swap3A_115 = arith.constant 13 : i32
    %swap3A_116 = arith.index_cast %swap3A_115 : i32 to index
    %swap3A_117 = arith.constant 0 : index
    %swap3A_118 = tpu.vector_load %arg20[%swap3A_116, %swap3A_117] {strides = array<i32>} : memref<80x16xf32, #tpu.memory_space<vmem>>, vector<1x16xf32>,
    %swap3A_119 = vector.shape_cast %swap3A_118 : vector<1x16xf32> to vector<16xf32>
    %swap3A_120 = vector.shape_cast %broadcast_in_dim3A_114 : vector<16xf32> to vector<1x16xf32>
    tpu.vector_store %arg20[%swap3A_116, %swap3A_117], %swap3A_120 {strides = array<i32>} : memref<80x16xf32, #tpu.memory_space<vmem>>, vector<1x16xf32>,
    %broadcast_in_dim3A_121 = arith.constant 1.000000e+00 : f32
    %broadcast_in_dim3A_122 = vector.broadcast %broadcast_in_dim3A_121 : f32 to vector<16xf32>
    %swap3A_123 = arith.constant 14 : i32
    %swap3A_124 = arith.index_cast %swap3A_123 : i32 to index
    %swap3A_125 = arith.constant 0 : index
    %swap3A_126 = tpu.vector_load %arg20[%swap3A_124, %swap3A_125] {strides = array<i32>} : memref<80x16xf32, #tpu.memory_space<vmem>>, vector<1x16xf32>,
    %swap3A_127 = vector.shape_cast %swap3A_126 : vector<1x16xf32> to vector<16xf32>
    %swap3A_128 = vector.shape_cast %broadcast_in_dim3A_122 : vector<16xf32> to vector<1x16xf32>
    tpu.vector_store %arg20[%swap3A_124, %swap3A_125], %swap3A_128 {strides = array<i32>} : memref<80x16xf32, #tpu.memory_space<vmem>>, vector<1x16xf32>,
    %broadcast_in_dim3A_129 = arith.constant 1.000000e+00 : f32
    %broadcast_in_dim3A_130 = vector.broadcast %broadcast_in_dim3A_129 : f32 to vector<16xf32>
    %swap3A_131 = arith.constant 15 : i32
    %swap3A_132 = arith.index_cast %swap3A_131 : i32 to index
    %swap3A_133 = arith.constant 0 : index
    %swap3A_134 = tpu.vector_load %arg20[%swap3A_132, %swap3A_133] {strides = array<i32>} : memref<80x16xf32, #tpu.memory_space<vmem>>, vector<1x16xf32>,
    %swap3A_135 = vector.shape_cast %swap3A_134 : vector<1x16xf32> to vector<16xf32>
    %swap3A_136 = vector.shape_cast %broadcast_in_dim3A_130 : vector<16xf32> to vector<1x16xf32>
    tpu.vector_store %arg20[%swap3A_132, %swap3A_133], %swap3A_136 {strides = array<i32>} : memref<80x16xf32, #tpu.memory_space<vmem>>, vector<1x16xf32>,
    %broadcast_in_dim3A_137 = arith.constant 1.000000e+00 : f32
    %broadcast_in_dim3A_138 = vector.broadcast %broadcast_in_dim3A_137 : f32 to vector<16xf32>
    %swap3A_139 = arith.constant 16 : i32
    %swap3A_140 = arith.index_cast %swap3A_139 : i32 to index
    %swap3A_141 = arith.constant 0 : index
    %swap3A_142 = tpu.vector_load %arg20[%swap3A_140, %swap3A_141] {strides = array<i32>} : memref<80x16xf32, #tpu.memory_space<vmem>>, vector<1x16xf32>,
    %swap3A_143 = vector.shape_cast %swap3A_142 : vector<1x16xf32> to vector<16xf32>
    %swap3A_144 = vector.shape_cast %broadcast_in_dim3A_138 : vector<16xf32> to vector<1x16xf32>
    tpu.vector_store %arg20[%swap3A_140, %swap3A_141], %swap3A_144 {strides = array<i32>} : memref<80x16xf32, #tpu.memory_space<vmem>>, vector<1x16xf32>,
    %broadcast_in_dim3A_145 = arith.constant 1.000000e+00 : f32
    %broadcast_in_dim3A_146 = vector.broadcast %broadcast_in_dim3A_145 : f32 to vector<16xf32>
    %swap3A_147 = arith.constant 17 : i32
    %swap3A_148 = arith.index_cast %swap3A_147 : i32 to index
    %swap3A_149 = arith.constant 0 : index
    %swap3A_150 = tpu.vector_load %arg20[%swap3A_148, %swap3A_149] {strides = array<i32>} : memref<80x16xf32, #tpu.memory_space<vmem>>, vector<1x16xf32>,
    %swap3A_151 = vector.shape_cast %swap3A_150 : vector<1x16xf32> to vector<16xf32>
    %swap3A_152 = vector.shape_cast %broadcast_in_dim3A_146 : vector<16xf32> to vector<1x16xf32>
    tpu.vector_store %arg20[%swap3A_148, %swap3A_149], %swap3A_152 {strides = array<i32>} : memref<80x16xf32, #tpu.memory_space<vmem>>, vector<1x16xf32>,
    %broadcast_in_dim3A_153 = arith.constant 1.000000e+00 : f32
    %broadcast_in_dim3A_154 = vector.broadcast %broadcast_in_dim3A_153 : f32 to vector<16xf32>
    %swap3A_155 = arith.constant 18 : i32
    %swap3A_156 = arith.index_cast %swap3A_155 : i32 to index
    %swap3A_157 = arith.constant 0 : index
    %swap3A_158 = tpu.vector_load %arg20[%swap3A_156, %swap3A_157] {strides = array<i32>} : memref<80x16xf32, #tpu.memory_space<vmem>>, vector<1x16xf32>,
    %swap3A_159 = vector.shape_cast %swap3A_158 : vector<1x16xf32> to vector<16xf32>
    %swap3A_160 = vector.shape_cast %broadcast_in_dim3A_154 : vector<16xf32> to vector<1x16xf32>
    tpu.vector_store %arg20[%swap3A_156, %swap3A_157], %swap3A_160 {strides = array<i32>} : memref<80x16xf32, #tpu.memory_space<vmem>>, vector<1x16xf32>,
    %broadcast_in_dim3A_161 = arith.constant 1.000000e+00 : f32
    %broadcast_in_dim3A_162 = vector.broadcast %broadcast_in_dim3A_161 : f32 to vector<16xf32>
    %swap3A_163 = arith.constant 19 : i32
    %swap3A_164 = arith.index_cast %swap3A_163 : i32 to index
    %swap3A_165 = arith.constant 0 : index
    %swap3A_166 = tpu.vector_load %arg20[%swap3A_164, %swap3A_165] {strides = array<i32>} : memref<80x16xf32, #tpu.memory_space<vmem>>, vector<1x16xf32>,
    %swap3A_167 = vector.shape_cast %swap3A_166 : vector<1x16xf32> to vector<16xf32>
    %swap3A_168 = vector.shape_cast %broadcast_in_dim3A_162 : vector<16xf32> to vector<1x16xf32>
    tpu.vector_store %arg20[%swap3A_164, %swap3A_165], %swap3A_168 {strides = array<i32>} : memref<80x16xf32, #tpu.memory_space<vmem>>, vector<1x16xf32>,
    %broadcast_in_dim3A_169 = arith.constant 1.000000e+00 : f32
    %broadcast_in_dim3A_170 = vector.broadcast %broadcast_in_dim3A_169 : f32 to vector<16xf32>
    %swap3A_171 = arith.constant 20 : i32
    %swap3A_172 = arith.index_cast %swap3A_171 : i32 to index
    %swap3A_173 = arith.constant 0 : index
    %swap3A_174 = tpu.vector_load %arg20[%swap3A_172, %swap3A_173] {strides = array<i32>} : memref<80x16xf32, #tpu.memory_space<vmem>>, vector<1x16xf32>,
    %swap3A_175 = vector.shape_cast %swap3A_174 : vector<1x16xf32> to vector<16xf32>
    %swap3A_176 = vector.shape_cast %broadcast_in_dim3A_170 : vector<16xf32> to vector<1x16xf32>
    tpu.vector_store %arg20[%swap3A_172, %swap3A_173], %swap3A_176 {strides = array<i32>} : memref<80x16xf32, #tpu.memory_space<vmem>>, vector<1x16xf32>,
    %broadcast_in_dim3A_177 = arith.constant 1.000000e+00 : f32
    %broadcast_in_dim3A_178 = vector.broadcast %broadcast_in_dim3A_177 : f32 to vector<16xf32>
    %swap3A_179 = arith.constant 21 : i32
    %swap3A_180 = arith.index_cast %swap3A_179 : i32 to index
    %swap3A_181 = arith.constant 0 : index
    %swap3A_182 = tpu.vector_load %arg20[%swap3A_180, %swap3A_181] {strides = array<i32>} : memref<80x16xf32, #tpu.memory_space<vmem>>, vector<1x16xf32>,
    %swap3A_183 = vector.shape_cast %swap3A_182 : vector<1x16xf32> to vector<16xf32>
    %swap3A_184 = vector.shape_cast %broadcast_in_dim3A_178 : vector<16xf32> to vector<1x16xf32>
    tpu.vector_store %arg20[%swap3A_180, %swap3A_181], %swap3A_184 {strides = array<i32>} : memref<80x16xf32, #tpu.memory_space<vmem>>, vector<1x16xf32>,
    %broadcast_in_dim3A_185 = arith.constant 1.000000e+00 : f32
    %broadcast_in_dim3A_186 = vector.broadcast %broadcast_in_dim3A_185 : f32 to vector<16xf32>
    %swap3A_187 = arith.constant 22 : i32
    %swap3A_188 = arith.index_cast %swap3A_187 : i32 to index
    %swap3A_189 = arith.constant 0 : index
    %swap3A_190 = tpu.vector_load %arg20[%swap3A_188, %swap3A_189] {strides = array<i32>} : memref<80x16xf32, #tpu.memory_space<vmem>>, vector<1x16xf32>,
    %swap3A_191 = vector.shape_cast %swap3A_190 : vector<1x16xf32> to vector<16xf32>
    %swap3A_192 = vector.shape_cast %broadcast_in_dim3A_186 : vector<16xf32> to vector<1x16xf32>
    tpu.vector_store %arg20[%swap3A_188, %swap3A_189], %swap3A_192 {strides = array<i32>} : memref<80x16xf32, #tpu.memory_space<vmem>>, vector<1x16xf32>,
    %broadcast_in_dim3A_193 = arith.constant 1.000000e+00 : f32
    %broadcast_in_dim3A_194 = vector.broadcast %broadcast_in_dim3A_193 : f32 to vector<16xf32>
    %swap3A_195 = arith.constant 23 : i32
    %swap3A_196 = arith.index_cast %swap3A_195 : i32 to index
    %swap3A_197 = arith.constant 0 : index
    %swap3A_198 = tpu.vector_load %arg20[%swap3A_196, %swap3A_197] {strides = array<i32>} : memref<80x16xf32, #tpu.memory_space<vmem>>, vector<1x16xf32>,
    %swap3A_199 = vector.shape_cast %swap3A_198 : vector<1x16xf32> to vector<16xf32>
    %swap3A_200 = vector.shape_cast %broadcast_in_dim3A_194 : vector<16xf32> to vector<1x16xf32>
    tpu.vector_store %arg20[%swap3A_196, %swap3A_197], %swap3A_200 {strides = array<i32>} : memref<80x16xf32, #tpu.memory_space<vmem>>, vector<1x16xf32>,
    %broadcast_in_dim3A_201 = arith.constant 1.000000e+00 : f32
    %broadcast_in_dim3A_202 = vector.broadcast %broadcast_in_dim3A_201 : f32 to vector<16xf32>
    %swap3A_203 = arith.constant 24 : i32
    %swap3A_204 = arith.index_cast %swap3A_203 : i32 to index
    %swap3A_205 = arith.constant 0 : index
    %swap3A_206 = tpu.vector_load %arg20[%swap3A_204, %swap3A_205] {strides = array<i32>} : memref<80x16xf32, #tpu.memory_space<vmem>>, vector<1x16xf32>,
    %swap3A_207 = vector.shape_cast %swap3A_206 : vector<1x16xf32> to vector<16xf32>
    %swap3A_208 = vector.shape_cast %broadcast_in_dim3A_202 : vector<16xf32> to vector<1x16xf32>
    tpu.vector_store %arg20[%swap3A_204, %swap3A_205], %swap3A_208 {strides = array<i32>} : memref<80x16xf32, #tpu.memory_space<vmem>>, vector<1x16xf32>,
    %broadcast_in_dim3A_209 = arith.constant 1.000000e+00 : f32
    %broadcast_in_dim3A_210 = vector.broadcast %broadcast_in_dim3A_209 : f32 to vector<16xf32>
    %swap3A_211 = arith.constant 25 : i32
    %swap3A_212 = arith.index_cast %swap3A_211 : i32 to index
    %swap3A_213 = arith.constant 0 : index
    %swap3A_214 = tpu.vector_load %arg20[%swap3A_212, %swap3A_213] {strides = array<i32>} : memref<80x16xf32, #tpu.memory_space<vmem>>, vector<1x16xf32>,
    %swap3A_215 = vector.shape_cast %swap3A_214 : vector<1x16xf32> to vector<16xf32>
    %swap3A_216 = vector.shape_cast %broadcast_in_dim3A_210 : vector<16xf32> to vector<1x16xf32>
    tpu.vector_store %arg20[%swap3A_212, %swap3A_213], %swap3A_216 {strides = array<i32>} : memref<80x16xf32, #tpu.memory_space<vmem>>, vector<1x16xf32>,
    %broadcast_in_dim3A_217 = arith.constant 1.000000e+00 : f32
    %broadcast_in_dim3A_218 = vector.broadcast %broadcast_in_dim3A_217 : f32 to vector<16xf32>
    %swap3A_219 = arith.constant 26 : i32
    %swap3A_220 = arith.index_cast %swap3A_219 : i32 to index
    %swap3A_221 = arith.constant 0 : index
    %swap3A_222 = tpu.vector_load %arg20[%swap3A_220, %swap3A_221] {strides = array<i32>} : memref<80x16xf32, #tpu.memory_space<vmem>>, vector<1x16xf32>,
    %swap3A_223 = vector.shape_cast %swap3A_222 : vector<1x16xf32> to vector<16xf32>
    %swap3A_224 = vector.shape_cast %broadcast_in_dim3A_218 : vector<16xf32> to vector<1x16xf32>
    tpu.vector_store %arg20[%swap3A_220, %swap3A_221], %swap3A_224 {strides = array<i32>} : memref<80x16xf32, #tpu.memory_space<vmem>>, vector<1x16xf32>,
    %broadcast_in_dim3A_225 = arith.constant 1.000000e+00 : f32
    %broadcast_in_dim3A_226 = vector.broadcast %broadcast_in_dim3A_225 : f32 to vector<16xf32>
    %swap3A_227 = arith.constant 27 : i32
    %swap3A_228 = arith.index_cast %swap3A_227 : i32 to index
    %swap3A_229 = arith.constant 0 : index
    %swap3A_230 = tpu.vector_load %arg20[%swap3A_228, %swap3A_229] {strides = array<i32>} : memref<80x16xf32, #tpu.memory_space<vmem>>, vector<1x16xf32>,
    %swap3A_231 = vector.shape_cast %swap3A_230 : vector<1x16xf32> to vector<16xf32>
    %swap3A_232 = vector.shape_cast %broadcast_in_dim3A_226 : vector<16xf32> to vector<1x16xf32>
    tpu.vector_store %arg20[%swap3A_228, %swap3A_229], %swap3A_232 {strides = array<i32>} : memref<80x16xf32, #tpu.memory_space<vmem>>, vector<1x16xf32>,
    %broadcast_in_dim3A_233 = arith.constant 1.000000e+00 : f32
    %broadcast_in_dim3A_234 = vector.broadcast %broadcast_in_dim3A_233 : f32 to vector<16xf32>
    %swap3A_235 = arith.constant 28 : i32
    %swap3A_236 = arith.index_cast %swap3A_235 : i32 to index
    %swap3A_237 = arith.constant 0 : index
    %swap3A_238 = tpu.vector_load %arg20[%swap3A_236, %swap3A_237] {strides = array<i32>} : memref<80x16xf32, #tpu.memory_space<vmem>>, vector<1x16xf32>,
    %swap3A_239 = vector.shape_cast %swap3A_238 : vector<1x16xf32> to vector<16xf32>
    %swap3A_240 = vector.shape_cast %broadcast_in_dim3A_234 : vector<16xf32> to vector<1x16xf32>
    tpu.vector_store %arg20[%swap3A_236, %swap3A_237], %swap3A_240 {strides = array<i32>} : memref<80x16xf32, #tpu.memory_space<vmem>>, vector<1x16xf32>,
    %broadcast_in_dim3A_241 = arith.constant 1.000000e+00 : f32
    %broadcast_in_dim3A_242 = vector.broadcast %broadcast_in_dim3A_241 : f32 to vector<16xf32>
    %swap3A_243 = arith.constant 29 : i32
    %swap3A_244 = arith.index_cast %swap3A_243 : i32 to index
    %swap3A_245 = arith.constant 0 : index
    %swap3A_246 = tpu.vector_load %arg20[%swap3A_244, %swap3A_245] {strides = array<i32>} : memref<80x16xf32, #tpu.memory_space<vmem>>, vector<1x16xf32>,
    %swap3A_247 = vector.shape_cast %swap3A_246 : vector<1x16xf32> to vector<16xf32>
    %swap3A_248 = vector.shape_cast %broadcast_in_dim3A_242 : vector<16xf32> to vector<1x16xf32>
    tpu.vector_store %arg20[%swap3A_244, %swap3A_245], %swap3A_248 {strides = array<i32>} : memref<80x16xf32, #tpu.memory_space<vmem>>, vector<1x16xf32>,
    %broadcast_in_dim3A_249 = arith.constant 1.000000e+00 : f32
    %broadcast_in_dim3A_250 = vector.broadcast %broadcast_in_dim3A_249 : f32 to vector<16xf32>
    %swap3A_251 = arith.constant 30 : i32
    %swap3A_252 = arith.index_cast %swap3A_251 : i32 to index
    %swap3A_253 = arith.constant 0 : index
    %swap3A_254 = tpu.vector_load %arg20[%swap3A_252, %swap3A_253] {strides = array<i32>} : memref<80x16xf32, #tpu.memory_space<vmem>>, vector<1x16xf32>,
    %swap3A_255 = vector.shape_cast %swap3A_254 : vector<1x16xf32> to vector<16xf32>
    %swap3A_256 = vector.shape_cast %broadcast_in_dim3A_250 : vector<16xf32> to vector<1x16xf32>
    tpu.vector_store %arg20[%swap3A_252, %swap3A_253], %swap3A_256 {strides = array<i32>} : memref<80x16xf32, #tpu.memory_space<vmem>>, vector<1x16xf32>,
    %broadcast_in_dim3A_257 = arith.constant 1.000000e+00 : f32
    %broadcast_in_dim3A_258 = vector.broadcast %broadcast_in_dim3A_257 : f32 to vector<16xf32>
    %swap3A_259 = arith.constant 31 : i32
    %swap3A_260 = arith.index_cast %swap3A_259 : i32 to index
    %swap3A_261 = arith.constant 0 : index
    %swap3A_262 = tpu.vector_load %arg20[%swap3A_260, %swap3A_261] {strides = array<i32>} : memref<80x16xf32, #tpu.memory_space<vmem>>, vector<1x16xf32>,
    %swap3A_263 = vector.shape_cast %swap3A_262 : vector<1x16xf32> to vector<16xf32>
    %swap3A_264 = vector.shape_cast %broadcast_in_dim3A_258 : vector<16xf32> to vector<1x16xf32>
    tpu.vector_store %arg20[%swap3A_260, %swap3A_261], %swap3A_264 {strides = array<i32>} : memref<80x16xf32, #tpu.memory_space<vmem>>, vector<1x16xf32>,
    %broadcast_in_dim3A_265 = arith.constant 1.000000e+00 : f32
    %broadcast_in_dim3A_266 = vector.broadcast %broadcast_in_dim3A_265 : f32 to vector<16xf32>
    %swap3A_267 = arith.constant 32 : i32
    %swap3A_268 = arith.index_cast %swap3A_267 : i32 to index
    %swap3A_269 = arith.constant 0 : index
    %swap3A_270 = tpu.vector_load %arg20[%swap3A_268, %swap3A_269] {strides = array<i32>} : memref<80x16xf32, #tpu.memory_space<vmem>>, vector<1x16xf32>,
    %swap3A_271 = vector.shape_cast %swap3A_270 : vector<1x16xf32> to vector<16xf32>
    %swap3A_272 = vector.shape_cast %broadcast_in_dim3A_266 : vector<16xf32> to vector<1x16xf32>
    tpu.vector_store %arg20[%swap3A_268, %swap3A_269], %swap3A_272 {strides = array<i32>} : memref<80x16xf32, #tpu.memory_space<vmem>>, vector<1x16xf32>,
    %broadcast_in_dim3A_273 = arith.constant 1.000000e+00 : f32
    %broadcast_in_dim3A_274 = vector.broadcast %broadcast_in_dim3A_273 : f32 to vector<16xf32>
    %swap3A_275 = arith.constant 33 : i32
    %swap3A_276 = arith.index_cast %swap3A_275 : i32 to index
    %swap3A_277 = arith.constant 0 : index
    %swap3A_278 = tpu.vector_load %arg20[%swap3A_276, %swap3A_277] {strides = array<i32>} : memref<80x16xf32, #tpu.memory_space<vmem>>, vector<1x16xf32>,
    %swap3A_279 = vector.shape_cast %swap3A_278 : vector<1x16xf32> to vector<16xf32>
    %swap3A_280 = vector.shape_cast %broadcast_in_dim3A_274 : vector<16xf32> to vector<1x16xf32>
    tpu.vector_store %arg20[%swap3A_276, %swap3A_277], %swap3A_280 {strides = array<i32>} : memref<80x16xf32, #tpu.memory_space<vmem>>, vector<1x16xf32>,
    %broadcast_in_dim3A_281 = arith.constant 1.000000e+00 : f32
    %broadcast_in_dim3A_282 = vector.broadcast %broadcast_in_dim3A_281 : f32 to vector<16xf32>
    %swap3A_283 = arith.constant 34 : i32
    %swap3A_284 = arith.index_cast %swap3A_283 : i32 to index
    %swap3A_285 = arith.constant 0 : index
    %swap3A_286 = tpu.vector_load %arg20[%swap3A_284, %swap3A_285] {strides = array<i32>} : memref<80x16xf32, #tpu.memory_space<vmem>>, vector<1x16xf32>,
    %swap3A_287 = vector.shape_cast %swap3A_286 : vector<1x16xf32> to vector<16xf32>
    %swap3A_288 = vector.shape_cast %broadcast_in_dim3A_282 : vector<16xf32> to vector<1x16xf32>
    tpu.vector_store %arg20[%swap3A_284, %swap3A_285], %swap3A_288 {strides = array<i32>} : memref<80x16xf32, #tpu.memory_space<vmem>>, vector<1x16xf32>,
    %broadcast_in_dim3A_289 = arith.constant 1.000000e+00 : f32
    %broadcast_in_dim3A_290 = vector.broadcast %broadcast_in_dim3A_289 : f32 to vector<16xf32>
    %swap3A_291 = arith.constant 35 : i32
    %swap3A_292 = arith.index_cast %swap3A_291 : i32 to index
    %swap3A_293 = arith.constant 0 : index
    %swap3A_294 = tpu.vector_load %arg20[%swap3A_292, %swap3A_293] {strides = array<i32>} : memref<80x16xf32, #tpu.memory_space<vmem>>, vector<1x16xf32>,
    %swap3A_295 = vector.shape_cast %swap3A_294 : vector<1x16xf32> to vector<16xf32>
    %swap3A_296 = vector.shape_cast %broadcast_in_dim3A_290 : vector<16xf32> to vector<1x16xf32>
    tpu.vector_store %arg20[%swap3A_292, %swap3A_293], %swap3A_296 {strides = array<i32>} : memref<80x16xf32, #tpu.memory_space<vmem>>, vector<1x16xf32>,
    %broadcast_in_dim3A_297 = arith.constant 1.000000e+00 : f32
    %broadcast_in_dim3A_298 = vector.broadcast %broadcast_in_dim3A_297 : f32 to vector<16xf32>
    %swap3A_299 = arith.constant 36 : i32
    %swap3A_300 = arith.index_cast %swap3A_299 : i32 to index
    %swap3A_301 = arith.constant 0 : index
    %swap3A_302 = tpu.vector_load %arg20[%swap3A_300, %swap3A_301] {strides = array<i32>} : memref<80x16xf32, #tpu.memory_space<vmem>>, vector<1x16xf32>,
    %swap3A_303 = vector.shape_cast %swap3A_302 : vector<1x16xf32> to vector<16xf32>
    %swap3A_304 = vector.shape_cast %broadcast_in_dim3A_298 : vector<16xf32> to vector<1x16xf32>
    tpu.vector_store %arg20[%swap3A_300, %swap3A_301], %swap3A_304 {strides = array<i32>} : memref<80x16xf32, #tpu.memory_space<vmem>>, vector<1x16xf32>,
    %broadcast_in_dim3A_305 = arith.constant 1.000000e+00 : f32
    %broadcast_in_dim3A_306 = vector.broadcast %broadcast_in_dim3A_305 : f32 to vector<16xf32>
    %swap3A_307 = arith.constant 37 : i32
    %swap3A_308 = arith.index_cast %swap3A_307 : i32 to index
    %swap3A_309 = arith.constant 0 : index
    %swap3A_310 = tpu.vector_load %arg20[%swap3A_308, %swap3A_309] {strides = array<i32>} : memref<80x16xf32, #tpu.memory_space<vmem>>, vector<1x16xf32>,
    %swap3A_311 = vector.shape_cast %swap3A_310 : vector<1x16xf32> to vector<16xf32>
    %swap3A_312 = vector.shape_cast %broadcast_in_dim3A_306 : vector<16xf32> to vector<1x16xf32>
    tpu.vector_store %arg20[%swap3A_308, %swap3A_309], %swap3A_312 {strides = array<i32>} : memref<80x16xf32, #tpu.memory_space<vmem>>, vector<1x16xf32>,
    %broadcast_in_dim3A_313 = arith.constant 1.000000e+00 : f32
    %broadcast_in_dim3A_314 = vector.broadcast %broadcast_in_dim3A_313 : f32 to vector<16xf32>
    %swap3A_315 = arith.constant 38 : i32
    %swap3A_316 = arith.index_cast %swap3A_315 : i32 to index
    %swap3A_317 = arith.constant 0 : index
    %swap3A_318 = tpu.vector_load %arg20[%swap3A_316, %swap3A_317] {strides = array<i32>} : memref<80x16xf32, #tpu.memory_space<vmem>>, vector<1x16xf32>,
    %swap3A_319 = vector.shape_cast %swap3A_318 : vector<1x16xf32> to vector<16xf32>
    %swap3A_320 = vector.shape_cast %broadcast_in_dim3A_314 : vector<16xf32> to vector<1x16xf32>
    tpu.vector_store %arg20[%swap3A_316, %swap3A_317], %swap3A_320 {strides = array<i32>} : memref<80x16xf32, #tpu.memory_space<vmem>>, vector<1x16xf32>,
    %broadcast_in_dim3A_321 = arith.constant 1.000000e+00 : f32
    %broadcast_in_dim3A_322 = vector.broadcast %broadcast_in_dim3A_321 : f32 to vector<16xf32>
    %swap3A_323 = arith.constant 39 : i32
    %swap3A_324 = arith.index_cast %swap3A_323 : i32 to index
    %swap3A_325 = arith.constant 0 : index
    %swap3A_326 = tpu.vector_load %arg20[%swap3A_324, %swap3A_325] {strides = array<i32>} : memref<80x16xf32, #tpu.memory_space<vmem>>, vector<1x16xf32>,
    %swap3A_327 = vector.shape_cast %swap3A_326 : vector<1x16xf32> to vector<16xf32>
    %swap3A_328 = vector.shape_cast %broadcast_in_dim3A_322 : vector<16xf32> to vector<1x16xf32>
    tpu.vector_store %arg20[%swap3A_324, %swap3A_325], %swap3A_328 {strides = array<i32>} : memref<80x16xf32, #tpu.memory_space<vmem>>, vector<1x16xf32>,
    %broadcast_in_dim3A_329 = arith.constant 1.000000e+00 : f32
    %broadcast_in_dim3A_330 = vector.broadcast %broadcast_in_dim3A_329 : f32 to vector<16xf32>
    %swap3A_331 = arith.constant 40 : i32
    %swap3A_332 = arith.index_cast %swap3A_331 : i32 to index
    %swap3A_333 = arith.constant 0 : index
    %swap3A_334 = tpu.vector_load %arg20[%swap3A_332, %swap3A_333] {strides = array<i32>} : memref<80x16xf32, #tpu.memory_space<vmem>>, vector<1x16xf32>,
    %swap3A_335 = vector.shape_cast %swap3A_334 : vector<1x16xf32> to vector<16xf32>
    %swap3A_336 = vector.shape_cast %broadcast_in_dim3A_330 : vector<16xf32> to vector<1x16xf32>
    tpu.vector_store %arg20[%swap3A_332, %swap3A_333], %swap3A_336 {strides = array<i32>} : memref<80x16xf32, #tpu.memory_space<vmem>>, vector<1x16xf32>,
    %broadcast_in_dim3A_337 = arith.constant 1.000000e+00 : f32
    %broadcast_in_dim3A_338 = vector.broadcast %broadcast_in_dim3A_337 : f32 to vector<16xf32>
    %swap3A_339 = arith.constant 41 : i32
    %swap3A_340 = arith.index_cast %swap3A_339 : i32 to index
    %swap3A_341 = arith.constant 0 : index
    %swap3A_342 = tpu.vector_load %arg20[%swap3A_340, %swap3A_341] {strides = array<i32>} : memref<80x16xf32, #tpu.memory_space<vmem>>, vector<1x16xf32>,
    %swap3A_343 = vector.shape_cast %swap3A_342 : vector<1x16xf32> to vector<16xf32>
    %swap3A_344 = vector.shape_cast %broadcast_in_dim3A_338 : vector<16xf32> to vector<1x16xf32>
    tpu.vector_store %arg20[%swap3A_340, %swap3A_341], %swap3A_344 {strides = array<i32>} : memref<80x16xf32, #tpu.memory_space<vmem>>, vector<1x16xf32>,
    %broadcast_in_dim3A_345 = arith.constant 1.000000e+00 : f32
    %broadcast_in_dim3A_346 = vector.broadcast %broadcast_in_dim3A_345 : f32 to vector<16xf32>
    %swap3A_347 = arith.constant 42 : i32
    %swap3A_348 = arith.index_cast %swap3A_347 : i32 to index
    %swap3A_349 = arith.constant 0 : index
    %swap3A_350 = tpu.vector_load %arg20[%swap3A_348, %swap3A_349] {strides = array<i32>} : memref<80x16xf32, #tpu.memory_space<vmem>>, vector<1x16xf32>,
    %swap3A_351 = vector.shape_cast %swap3A_350 : vector<1x16xf32> to vector<16xf32>
    %swap3A_352 = vector.shape_cast %broadcast_in_dim3A_346 : vector<16xf32> to vector<1x16xf32>
    tpu.vector_store %arg20[%swap3A_348, %swap3A_349], %swap3A_352 {strides = array<i32>} : memref<80x16xf32, #tpu.memory_space<vmem>>, vector<1x16xf32>,
    %broadcast_in_dim3A_353 = arith.constant 1.000000e+00 : f32
    %broadcast_in_dim3A_354 = vector.broadcast %broadcast_in_dim3A_353 : f32 to vector<16xf32>
    %swap3A_355 = arith.constant 43 : i32
    %swap3A_356 = arith.index_cast %swap3A_355 : i32 to index
    %swap3A_357 = arith.constant 0 : index
    %swap3A_358 = tpu.vector_load %arg20[%swap3A_356, %swap3A_357] {strides = array<i32>} : memref<80x16xf32, #tpu.memory_space<vmem>>, vector<1x16xf32>,
    %swap3A_359 = vector.shape_cast %swap3A_358 : vector<1x16xf32> to vector<16xf32>
    %swap3A_360 = vector.shape_cast %broadcast_in_dim3A_354 : vector<16xf32> to vector<1x16xf32>
    tpu.vector_store %arg20[%swap3A_356, %swap3A_357], %swap3A_360 {strides = array<i32>} : memref<80x16xf32, #tpu.memory_space<vmem>>, vector<1x16xf32>,
    %broadcast_in_dim3A_361 = arith.constant 1.000000e+00 : f32
    %broadcast_in_dim3A_362 = vector.broadcast %broadcast_in_dim3A_361 : f32 to vector<16xf32>
    %swap3A_363 = arith.constant 44 : i32
    %swap3A_364 = arith.index_cast %swap3A_363 : i32 to index
    %swap3A_365 = arith.constant 0 : index
    %swap3A_366 = tpu.vector_load %arg20[%swap3A_364, %swap3A_365] {strides = array<i32>} : memref<80x16xf32, #tpu.memory_space<vmem>>, vector<1x16xf32>,
    %swap3A_367 = vector.shape_cast %swap3A_366 : vector<1x16xf32> to vector<16xf32>
    %swap3A_368 = vector.shape_cast %broadcast_in_dim3A_362 : vector<16xf32> to vector<1x16xf32>
    tpu.vector_store %arg20[%swap3A_364, %swap3A_365], %swap3A_368 {strides = array<i32>} : memref<80x16xf32, #tpu.memory_space<vmem>>, vector<1x16xf32>,
    %broadcast_in_dim3A_369 = arith.constant 1.000000e+00 : f32
    %broadcast_in_dim3A_370 = vector.broadcast %broadcast_in_dim3A_369 : f32 to vector<16xf32>
    %swap3A_371 = arith.constant 45 : i32
    %swap3A_372 = arith.index_cast %swap3A_371 : i32 to index
    %swap3A_373 = arith.constant 0 : index
    %swap3A_374 = tpu.vector_load %arg20[%swap3A_372, %swap3A_373] {strides = array<i32>} : memref<80x16xf32, #tpu.memory_space<vmem>>, vector<1x16xf32>,
    %swap3A_375 = vector.shape_cast %swap3A_374 : vector<1x16xf32> to vector<16xf32>
    %swap3A_376 = vector.shape_cast %broadcast_in_dim3A_370 : vector<16xf32> to vector<1x16xf32>
    tpu.vector_store %arg20[%swap3A_372, %swap3A_373], %swap3A_376 {strides = array<i32>} : memref<80x16xf32, #tpu.memory_space<vmem>>, vector<1x16xf32>,
    %broadcast_in_dim3A_377 = arith.constant 1.000000e+00 : f32
    %broadcast_in_dim3A_378 = vector.broadcast %broadcast_in_dim3A_377 : f32 to vector<16xf32>
    %swap3A_379 = arith.constant 46 : i32
    %swap3A_380 = arith.index_cast %swap3A_379 : i32 to index
    %swap3A_381 = arith.constant 0 : index
    %swap3A_382 = tpu.vector_load %arg20[%swap3A_380, %swap3A_381] {strides = array<i32>} : memref<80x16xf32, #tpu.memory_space<vmem>>, vector<1x16xf32>,
    %swap3A_383 = vector.shape_cast %swap3A_382 : vector<1x16xf32> to vector<16xf32>
    %swap3A_384 = vector.shape_cast %broadcast_in_dim3A_378 : vector<16xf32> to vector<1x16xf32>
    tpu.vector_store %arg20[%swap3A_380, %swap3A_381], %swap3A_384 {strides = array<i32>} : memref<80x16xf32, #tpu.memory_space<vmem>>, vector<1x16xf32>,
    %broadcast_in_dim3A_385 = arith.constant 1.000000e+00 : f32
    %broadcast_in_dim3A_386 = vector.broadcast %broadcast_in_dim3A_385 : f32 to vector<16xf32>
    %swap3A_387 = arith.constant 47 : i32
    %swap3A_388 = arith.index_cast %swap3A_387 : i32 to index
    %swap3A_389 = arith.constant 0 : index
    %swap3A_390 = tpu.vector_load %arg20[%swap3A_388, %swap3A_389] {strides = array<i32>} : memref<80x16xf32, #tpu.memory_space<vmem>>, vector<1x16xf32>,
    %swap3A_391 = vector.shape_cast %swap3A_390 : vector<1x16xf32> to vector<16xf32>
    %swap3A_392 = vector.shape_cast %broadcast_in_dim3A_386 : vector<16xf32> to vector<1x16xf32>
    tpu.vector_store %arg20[%swap3A_388, %swap3A_389], %swap3A_392 {strides = array<i32>} : memref<80x16xf32, #tpu.memory_space<vmem>>, vector<1x16xf32>,
    %broadcast_in_dim3A_393 = arith.constant 1.000000e+00 : f32
    %broadcast_in_dim3A_394 = vector.broadcast %broadcast_in_dim3A_393 : f32 to vector<16xf32>
    %swap3A_395 = arith.constant 48 : i32
    %swap3A_396 = arith.index_cast %swap3A_395 : i32 to index
    %swap3A_397 = arith.constant 0 : index
    %swap3A_398 = tpu.vector_load %arg20[%swap3A_396, %swap3A_397] {strides = array<i32>} : memref<80x16xf32, #tpu.memory_space<vmem>>, vector<1x16xf32>,
    %swap3A_399 = vector.shape_cast %swap3A_398 : vector<1x16xf32> to vector<16xf32>
    %swap3A_400 = vector.shape_cast %broadcast_in_dim3A_394 : vector<16xf32> to vector<1x16xf32>
    tpu.vector_store %arg20[%swap3A_396, %swap3A_397], %swap3A_400 {strides = array<i32>} : memref<80x16xf32, #tpu.memory_space<vmem>>, vector<1x16xf32>,
    %broadcast_in_dim3A_401 = arith.constant 1.000000e+00 : f32
    %broadcast_in_dim3A_402 = vector.broadcast %broadcast_in_dim3A_401 : f32 to vector<16xf32>
    %swap3A_403 = arith.constant 49 : i32
    %swap3A_404 = arith.index_cast %swap3A_403 : i32 to index
    %swap3A_405 = arith.constant 0 : index
    %swap3A_406 = tpu.vector_load %arg20[%swap3A_404, %swap3A_405] {strides = array<i32>} : memref<80x16xf32, #tpu.memory_space<vmem>>, vector<1x16xf32>,
    %swap3A_407 = vector.shape_cast %swap3A_406 : vector<1x16xf32> to vector<16xf32>
    %swap3A_408 = vector.shape_cast %broadcast_in_dim3A_402 : vector<16xf32> to vector<1x16xf32>
    tpu.vector_store %arg20[%swap3A_404, %swap3A_405], %swap3A_408 {strides = array<i32>} : memref<80x16xf32, #tpu.memory_space<vmem>>, vector<1x16xf32>,
    %broadcast_in_dim3A_409 = arith.constant 1.000000e+00 : f32
    %broadcast_in_dim3A_410 = vector.broadcast %broadcast_in_dim3A_409 : f32 to vector<16xf32>
    %swap3A_411 = arith.constant 50 : i32
    %swap3A_412 = arith.index_cast %swap3A_411 : i32 to index
    %swap3A_413 = arith.constant 0 : index
    %swap3A_414 = tpu.vector_load %arg20[%swap3A_412, %swap3A_413] {strides = array<i32>} : memref<80x16xf32, #tpu.memory_space<vmem>>, vector<1x16xf32>,
    %swap3A_415 = vector.shape_cast %swap3A_414 : vector<1x16xf32> to vector<16xf32>
    %swap3A_416 = vector.shape_cast %broadcast_in_dim3A_410 : vector<16xf32> to vector<1x16xf32>
    tpu.vector_store %arg20[%swap3A_412, %swap3A_413], %swap3A_416 {strides = array<i32>} : memref<80x16xf32, #tpu.memory_space<vmem>>, vector<1x16xf32>,
    %broadcast_in_dim3A_417 = arith.constant 1.000000e+00 : f32
    %broadcast_in_dim3A_418 = vector.broadcast %broadcast_in_dim3A_417 : f32 to vector<16xf32>
    %swap3A_419 = arith.constant 51 : i32
    %swap3A_420 = arith.index_cast %swap3A_419 : i32 to index
    %swap3A_421 = arith.constant 0 : index
    %swap3A_422 = tpu.vector_load %arg20[%swap3A_420, %swap3A_421] {strides = array<i32>} : memref<80x16xf32, #tpu.memory_space<vmem>>, vector<1x16xf32>,
    %swap3A_423 = vector.shape_cast %swap3A_422 : vector<1x16xf32> to vector<16xf32>
    %swap3A_424 = vector.shape_cast %broadcast_in_dim3A_418 : vector<16xf32> to vector<1x16xf32>
    tpu.vector_store %arg20[%swap3A_420, %swap3A_421], %swap3A_424 {strides = array<i32>} : memref<80x16xf32, #tpu.memory_space<vmem>>, vector<1x16xf32>,
    %broadcast_in_dim3A_425 = arith.constant 1.000000e+00 : f32
    %broadcast_in_dim3A_426 = vector.broadcast %broadcast_in_dim3A_425 : f32 to vector<16xf32>
    %swap3A_427 = arith.constant 52 : i32
    %swap3A_428 = arith.index_cast %swap3A_427 : i32 to index
    %swap3A_429 = arith.constant 0 : index
    %swap3A_430 = tpu.vector_load %arg20[%swap3A_428, %swap3A_429] {strides = array<i32>} : memref<80x16xf32, #tpu.memory_space<vmem>>, vector<1x16xf32>,
    %swap3A_431 = vector.shape_cast %swap3A_430 : vector<1x16xf32> to vector<16xf32>
    %swap3A_432 = vector.shape_cast %broadcast_in_dim3A_426 : vector<16xf32> to vector<1x16xf32>
    tpu.vector_store %arg20[%swap3A_428, %swap3A_429], %swap3A_432 {strides = array<i32>} : memref<80x16xf32, #tpu.memory_space<vmem>>, vector<1x16xf32>,
    %broadcast_in_dim3A_433 = arith.constant 1.000000e+00 : f32
    %broadcast_in_dim3A_434 = vector.broadcast %broadcast_in_dim3A_433 : f32 to vector<16xf32>
    %swap3A_435 = arith.constant 53 : i32
    %swap3A_436 = arith.index_cast %swap3A_435 : i32 to index
    %swap3A_437 = arith.constant 0 : index
    %swap3A_438 = tpu.vector_load %arg20[%swap3A_436, %swap3A_437] {strides = array<i32>} : memref<80x16xf32, #tpu.memory_space<vmem>>, vector<1x16xf32>,
    %swap3A_439 = vector.shape_cast %swap3A_438 : vector<1x16xf32> to vector<16xf32>
    %swap3A_440 = vector.shape_cast %broadcast_in_dim3A_434 : vector<16xf32> to vector<1x16xf32>
    tpu.vector_store %arg20[%swap3A_436, %swap3A_437], %swap3A_440 {strides = array<i32>} : memref<80x16xf32, #tpu.memory_space<vmem>>, vector<1x16xf32>,
    %broadcast_in_dim3A_441 = arith.constant 1.000000e+00 : f32
    %broadcast_in_dim3A_442 = vector.broadcast %broadcast_in_dim3A_441 : f32 to vector<16xf32>
    %swap3A_443 = arith.constant 54 : i32
    %swap3A_444 = arith.index_cast %swap3A_443 : i32 to index
    %swap3A_445 = arith.constant 0 : index
    %swap3A_446 = tpu.vector_load %arg20[%swap3A_444, %swap3A_445] {strides = array<i32>} : memref<80x16xf32, #tpu.memory_space<vmem>>, vector<1x16xf32>,
    %swap3A_447 = vector.shape_cast %swap3A_446 : vector<1x16xf32> to vector<16xf32>
    %swap3A_448 = vector.shape_cast %broadcast_in_dim3A_442 : vector<16xf32> to vector<1x16xf32>
    tpu.vector_store %arg20[%swap3A_444, %swap3A_445], %swap3A_448 {strides = array<i32>} : memref<80x16xf32, #tpu.memory_space<vmem>>, vector<1x16xf32>,
    %broadcast_in_dim3A_449 = arith.constant 1.000000e+00 : f32
    %broadcast_in_dim3A_450 = vector.broadcast %broadcast_in_dim3A_449 : f32 to vector<16xf32>
    %swap3A_451 = arith.constant 55 : i32
    %swap3A_452 = arith.index_cast %swap3A_451 : i32 to index
    %swap3A_453 = arith.constant 0 : index
    %swap3A_454 = tpu.vector_load %arg20[%swap3A_452, %swap3A_453] {strides = array<i32>} : memref<80x16xf32, #tpu.memory_space<vmem>>, vector<1x16xf32>,
    %swap3A_455 = vector.shape_cast %swap3A_454 : vector<1x16xf32> to vector<16xf32>
    %swap3A_456 = vector.shape_cast %broadcast_in_dim3A_450 : vector<16xf32> to vector<1x16xf32>
    tpu.vector_store %arg20[%swap3A_452, %swap3A_453], %swap3A_456 {strides = array<i32>} : memref<80x16xf32, #tpu.memory_space<vmem>>, vector<1x16xf32>,
    %broadcast_in_dim3A_457 = arith.constant 1.000000e+00 : f32
    %broadcast_in_dim3A_458 = vector.broadcast %broadcast_in_dim3A_457 : f32 to vector<16xf32>
    %swap3A_459 = arith.constant 56 : i32
    %swap3A_460 = arith.index_cast %swap3A_459 : i32 to index
    %swap3A_461 = arith.constant 0 : index
    %swap3A_462 = tpu.vector_load %arg20[%swap3A_460, %swap3A_461] {strides = array<i32>} : memref<80x16xf32, #tpu.memory_space<vmem>>, vector<1x16xf32>,
    %swap3A_463 = vector.shape_cast %swap3A_462 : vector<1x16xf32> to vector<16xf32>
    %swap3A_464 = vector.shape_cast %broadcast_in_dim3A_458 : vector<16xf32> to vector<1x16xf32>
    tpu.vector_store %arg20[%swap3A_460, %swap3A_461], %swap3A_464 {strides = array<i32>} : memref<80x16xf32, #tpu.memory_space<vmem>>, vector<1x16xf32>,
    %broadcast_in_dim3A_465 = arith.constant 1.000000e+00 : f32
    %broadcast_in_dim3A_466 = vector.broadcast %broadcast_in_dim3A_465 : f32 to vector<16xf32>
    %swap3A_467 = arith.constant 57 : i32
    %swap3A_468 = arith.index_cast %swap3A_467 : i32 to index
    %swap3A_469 = arith.constant 0 : index
    %swap3A_470 = tpu.vector_load %arg20[%swap3A_468, %swap3A_469] {strides = array<i32>} : memref<80x16xf32, #tpu.memory_space<vmem>>, vector<1x16xf32>,
    %swap3A_471 = vector.shape_cast %swap3A_470 : vector<1x16xf32> to vector<16xf32>
    %swap3A_472 = vector.shape_cast %broadcast_in_dim3A_466 : vector<16xf32> to vector<1x16xf32>
    tpu.vector_store %arg20[%swap3A_468, %swap3A_469], %swap3A_472 {strides = array<i32>} : memref<80x16xf32, #tpu.memory_space<vmem>>, vector<1x16xf32>,
    %broadcast_in_dim3A_473 = arith.constant 1.000000e+00 : f32
    %broadcast_in_dim3A_474 = vector.broadcast %broadcast_in_dim3A_473 : f32 to vector<16xf32>
    %swap3A_475 = arith.constant 58 : i32
    %swap3A_476 = arith.index_cast %swap3A_475 : i32 to index
    %swap3A_477 = arith.constant 0 : index
    %swap3A_478 = tpu.vector_load %arg20[%swap3A_476, %swap3A_477] {strides = array<i32>} : memref<80x16xf32, #tpu.memory_space<vmem>>, vector<1x16xf32>,
    %swap3A_479 = vector.shape_cast %swap3A_478 : vector<1x16xf32> to vector<16xf32>
    %swap3A_480 = vector.shape_cast %broadcast_in_dim3A_474 : vector<16xf32> to vector<1x16xf32>
    tpu.vector_store %arg20[%swap3A_476, %swap3A_477], %swap3A_480 {strides = array<i32>} : memref<80x16xf32, #tpu.memory_space<vmem>>, vector<1x16xf32>,
    %broadcast_in_dim3A_481 = arith.constant 1.000000e+00 : f32
    %broadcast_in_dim3A_482 = vector.broadcast %broadcast_in_dim3A_481 : f32 to vector<16xf32>
    %swap3A_483 = arith.constant 59 : i32
    %swap3A_484 = arith.index_cast %swap3A_483 : i32 to index
    %swap3A_485 = arith.constant 0 : index
    %swap3A_486 = tpu.vector_load %arg20[%swap3A_484, %swap3A_485] {strides = array<i32>} : memref<80x16xf32, #tpu.memory_space<vmem>>, vector<1x16xf32>,
    %swap3A_487 = vector.shape_cast %swap3A_486 : vector<1x16xf32> to vector<16xf32>
    %swap3A_488 = vector.shape_cast %broadcast_in_dim3A_482 : vector<16xf32> to vector<1x16xf32>
    tpu.vector_store %arg20[%swap3A_484, %swap3A_485], %swap3A_488 {strides = array<i32>} : memref<80x16xf32, #tpu.memory_space<vmem>>, vector<1x16xf32>,
    %broadcast_in_dim3A_489 = arith.constant 1.000000e+00 : f32
    %broadcast_in_dim3A_490 = vector.broadcast %broadcast_in_dim3A_489 : f32 to vector<16xf32>
    %swap3A_491 = arith.constant 60 : i32
    %swap3A_492 = arith.index_cast %swap3A_491 : i32 to index
    %swap3A_493 = arith.constant 0 : index
    %swap3A_494 = tpu.vector_load %arg20[%swap3A_492, %swap3A_493] {strides = array<i32>} : memref<80x16xf32, #tpu.memory_space<vmem>>, vector<1x16xf32>,
    %swap3A_495 = vector.shape_cast %swap3A_494 : vector<1x16xf32> to vector<16xf32>
    %swap3A_496 = vector.shape_cast %broadcast_in_dim3A_490 : vector<16xf32> to vector<1x16xf32>
    tpu.vector_store %arg20[%swap3A_492, %swap3A_493], %swap3A_496 {strides = array<i32>} : memref<80x16xf32, #tpu.memory_space<vmem>>, vector<1x16xf32>,
    %broadcast_in_dim3A_497 = arith.constant 1.000000e+00 : f32
    %broadcast_in_dim3A_498 = vector.broadcast %broadcast_in_dim3A_497 : f32 to vector<16xf32>
    %swap3A_499 = arith.constant 61 : i32
    %swap3A_500 = arith.index_cast %swap3A_499 : i32 to index
    %swap3A_501 = arith.constant 0 : index
    %swap3A_502 = tpu.vector_load %arg20[%swap3A_500, %swap3A_501] {strides = array<i32>} : memref<80x16xf32, #tpu.memory_space<vmem>>, vector<1x16xf32>,
    %swap3A_503 = vector.shape_cast %swap3A_502 : vector<1x16xf32> to vector<16xf32>
    %swap3A_504 = vector.shape_cast %broadcast_in_dim3A_498 : vector<16xf32> to vector<1x16xf32>
    tpu.vector_store %arg20[%swap3A_500, %swap3A_501], %swap3A_504 {strides = array<i32>} : memref<80x16xf32, #tpu.memory_space<vmem>>, vector<1x16xf32>,
    %broadcast_in_dim3A_505 = arith.constant 1.000000e+00 : f32
    %broadcast_in_dim3A_506 = vector.broadcast %broadcast_in_dim3A_505 : f32 to vector<16xf32>
    %swap3A_507 = arith.constant 62 : i32
    %swap3A_508 = arith.index_cast %swap3A_507 : i32 to index
    %swap3A_509 = arith.constant 0 : index
    %swap3A_510 = tpu.vector_load %arg20[%swap3A_508, %swap3A_509] {strides = array<i32>} : memref<80x16xf32, #tpu.memory_space<vmem>>, vector<1x16xf32>,
    %swap3A_511 = vector.shape_cast %swap3A_510 : vector<1x16xf32> to vector<16xf32>
    %swap3A_512 = vector.shape_cast %broadcast_in_dim3A_506 : vector<16xf32> to vector<1x16xf32>
    tpu.vector_store %arg20[%swap3A_508, %swap3A_509], %swap3A_512 {strides = array<i32>} : memref<80x16xf32, #tpu.memory_space<vmem>>, vector<1x16xf32>,
    %broadcast_in_dim3A_513 = arith.constant 1.000000e+00 : f32
    %broadcast_in_dim3A_514 = vector.broadcast %broadcast_in_dim3A_513 : f32 to vector<16xf32>
    %swap3A_515 = arith.constant 63 : i32
    %swap3A_516 = arith.index_cast %swap3A_515 : i32 to index
    %swap3A_517 = arith.constant 0 : index
    %swap3A_518 = tpu.vector_load %arg20[%swap3A_516, %swap3A_517] {strides = array<i32>} : memref<80x16xf32, #tpu.memory_space<vmem>>, vector<1x16xf32>,
    %swap3A_519 = vector.shape_cast %swap3A_518 : vector<1x16xf32> to vector<16xf32>
    %swap3A_520 = vector.shape_cast %broadcast_in_dim3A_514 : vector<16xf32> to vector<1x16xf32>
    tpu.vector_store %arg20[%swap3A_516, %swap3A_517], %swap3A_520 {strides = array<i32>} : memref<80x16xf32, #tpu.memory_space<vmem>>, vector<1x16xf32>,
    %broadcast_in_dim3A_521 = arith.constant 1.000000e+00 : f32
    %broadcast_in_dim3A_522 = vector.broadcast %broadcast_in_dim3A_521 : f32 to vector<16xf32>
    %swap3A_523 = arith.constant 64 : i32
    %swap3A_524 = arith.index_cast %swap3A_523 : i32 to index
    %swap3A_525 = arith.constant 0 : index
    %swap3A_526 = tpu.vector_load %arg20[%swap3A_524, %swap3A_525] {strides = array<i32>} : memref<80x16xf32, #tpu.memory_space<vmem>>, vector<1x16xf32>,
    %swap3A_527 = vector.shape_cast %swap3A_526 : vector<1x16xf32> to vector<16xf32>
    %swap3A_528 = vector.shape_cast %broadcast_in_dim3A_522 : vector<16xf32> to vector<1x16xf32>
    tpu.vector_store %arg20[%swap3A_524, %swap3A_525], %swap3A_528 {strides = array<i32>} : memref<80x16xf32, #tpu.memory_space<vmem>>, vector<1x16xf32>,
    %broadcast_in_dim3A_529 = arith.constant 1.000000e+00 : f32
    %broadcast_in_dim3A_530 = vector.broadcast %broadcast_in_dim3A_529 : f32 to vector<16xf32>
    %swap3A_531 = arith.constant 65 : i32
    %swap3A_532 = arith.index_cast %swap3A_531 : i32 to index
    %swap3A_533 = arith.constant 0 : index
    %swap3A_534 = tpu.vector_load %arg20[%swap3A_532, %swap3A_533] {strides = array<i32>} : memref<80x16xf32, #tpu.memory_space<vmem>>, vector<1x16xf32>,
    %swap3A_535 = vector.shape_cast %swap3A_534 : vector<1x16xf32> to vector<16xf32>
    %swap3A_536 = vector.shape_cast %broadcast_in_dim3A_530 : vector<16xf32> to vector<1x16xf32>
    tpu.vector_store %arg20[%swap3A_532, %swap3A_533], %swap3A_536 {strides = array<i32>} : memref<80x16xf32, #tpu.memory_space<vmem>>, vector<1x16xf32>,
    %broadcast_in_dim3A_537 = arith.constant 1.000000e+00 : f32
    %broadcast_in_dim3A_538 = vector.broadcast %broadcast_in_dim3A_537 : f32 to vector<16xf32>
    %swap3A_539 = arith.constant 66 : i32
    %swap3A_540 = arith.index_cast %swap3A_539 : i32 to index
    %swap3A_541 = arith.constant 0 : index
    %swap3A_542 = tpu.vector_load %arg20[%swap3A_540, %swap3A_541] {strides = array<i32>} : memref<80x16xf32, #tpu.memory_space<vmem>>, vector<1x16xf32>,
    %swap3A_543 = vector.shape_cast %swap3A_542 : vector<1x16xf32> to vector<16xf32>
    %swap3A_544 = vector.shape_cast %broadcast_in_dim3A_538 : vector<16xf32> to vector<1x16xf32>
    tpu.vector_store %arg20[%swap3A_540, %swap3A_541], %swap3A_544 {strides = array<i32>} : memref<80x16xf32, #tpu.memory_space<vmem>>, vector<1x16xf32>,
    %broadcast_in_dim3A_545 = arith.constant 1.000000e+00 : f32
    %broadcast_in_dim3A_546 = vector.broadcast %broadcast_in_dim3A_545 : f32 to vector<16xf32>
    %swap3A_547 = arith.constant 67 : i32
    %swap3A_548 = arith.index_cast %swap3A_547 : i32 to index
    %swap3A_549 = arith.constant 0 : index
    %swap3A_550 = tpu.vector_load %arg20[%swap3A_548, %swap3A_549] {strides = array<i32>} : memref<80x16xf32, #tpu.memory_space<vmem>>, vector<1x16xf32>,
    %swap3A_551 = vector.shape_cast %swap3A_550 : vector<1x16xf32> to vector<16xf32>
    %swap3A_552 = vector.shape_cast %broadcast_in_dim3A_546 : vector<16xf32> to vector<1x16xf32>
    tpu.vector_store %arg20[%swap3A_548, %swap3A_549], %swap3A_552 {strides = array<i32>} : memref<80x16xf32, #tpu.memory_space<vmem>>, vector<1x16xf32>,
    %broadcast_in_dim3A_553 = arith.constant 1.000000e+00 : f32
    %broadcast_in_dim3A_554 = vector.broadcast %broadcast_in_dim3A_553 : f32 to vector<16xf32>
    %swap3A_555 = arith.constant 68 : i32
    %swap3A_556 = arith.index_cast %swap3A_555 : i32 to index
    %swap3A_557 = arith.constant 0 : index
    %swap3A_558 = tpu.vector_load %arg20[%swap3A_556, %swap3A_557] {strides = array<i32>} : memref<80x16xf32, #tpu.memory_space<vmem>>, vector<1x16xf32>,
    %swap3A_559 = vector.shape_cast %swap3A_558 : vector<1x16xf32> to vector<16xf32>
    %swap3A_560 = vector.shape_cast %broadcast_in_dim3A_554 : vector<16xf32> to vector<1x16xf32>
    tpu.vector_store %arg20[%swap3A_556, %swap3A_557], %swap3A_560 {strides = array<i32>} : memref<80x16xf32, #tpu.memory_space<vmem>>, vector<1x16xf32>,
    %broadcast_in_dim3A_561 = arith.constant 1.000000e+00 : f32
    %broadcast_in_dim3A_562 = vector.broadcast %broadcast_in_dim3A_561 : f32 to vector<16xf32>
    %swap3A_563 = arith.constant 69 : i32
    %swap3A_564 = arith.index_cast %swap3A_563 : i32 to index
    %swap3A_565 = arith.constant 0 : index
    %swap3A_566 = tpu.vector_load %arg20[%swap3A_564, %swap3A_565] {strides = array<i32>} : memref<80x16xf32, #tpu.memory_space<vmem>>, vector<1x16xf32>,
    %swap3A_567 = vector.shape_cast %swap3A_566 : vector<1x16xf32> to vector<16xf32>
    %swap3A_568 = vector.shape_cast %broadcast_in_dim3A_562 : vector<16xf32> to vector<1x16xf32>
    tpu.vector_store %arg20[%swap3A_564, %swap3A_565], %swap3A_568 {strides = array<i32>} : memref<80x16xf32, #tpu.memory_space<vmem>>, vector<1x16xf32>,
    %broadcast_in_dim3A_569 = arith.constant 1.000000e+00 : f32
    %broadcast_in_dim3A_570 = vector.broadcast %broadcast_in_dim3A_569 : f32 to vector<16xf32>
    %swap3A_571 = arith.constant 70 : i32
    %swap3A_572 = arith.index_cast %swap3A_571 : i32 to index
    %swap3A_573 = arith.constant 0 : index
    %swap3A_574 = tpu.vector_load %arg20[%swap3A_572, %swap3A_573] {strides = array<i32>} : memref<80x16xf32, #tpu.memory_space<vmem>>, vector<1x16xf32>,
    %swap3A_575 = vector.shape_cast %swap3A_574 : vector<1x16xf32> to vector<16xf32>
    %swap3A_576 = vector.shape_cast %broadcast_in_dim3A_570 : vector<16xf32> to vector<1x16xf32>
    tpu.vector_store %arg20[%swap3A_572, %swap3A_573], %swap3A_576 {strides = array<i32>} : memref<80x16xf32, #tpu.memory_space<vmem>>, vector<1x16xf32>,
    %broadcast_in_dim3A_577 = arith.constant 1.000000e+00 : f32
    %broadcast_in_dim3A_578 = vector.broadcast %broadcast_in_dim3A_577 : f32 to vector<16xf32>
    %swap3A_579 = arith.constant 71 : i32
    %swap3A_580 = arith.index_cast %swap3A_579 : i32 to index
    %swap3A_581 = arith.constant 0 : index
    %swap3A_582 = tpu.vector_load %arg20[%swap3A_580, %swap3A_581] {strides = array<i32>} : memref<80x16xf32, #tpu.memory_space<vmem>>, vector<1x16xf32>,
    %swap3A_583 = vector.shape_cast %swap3A_582 : vector<1x16xf32> to vector<16xf32>
    %swap3A_584 = vector.shape_cast %broadcast_in_dim3A_578 : vector<16xf32> to vector<1x16xf32>
    tpu.vector_store %arg20[%swap3A_580, %swap3A_581], %swap3A_584 {strides = array<i32>} : memref<80x16xf32, #tpu.memory_space<vmem>>, vector<1x16xf32>,
    %broadcast_in_dim3A_585 = arith.constant 1.000000e+00 : f32
    %broadcast_in_dim3A_586 = vector.broadcast %broadcast_in_dim3A_585 : f32 to vector<16xf32>
    %swap3A_587 = arith.constant 72 : i32
    %swap3A_588 = arith.index_cast %swap3A_587 : i32 to index
    %swap3A_589 = arith.constant 0 : index
    %swap3A_590 = tpu.vector_load %arg20[%swap3A_588, %swap3A_589] {strides = array<i32>} : memref<80x16xf32, #tpu.memory_space<vmem>>, vector<1x16xf32>,
    %swap3A_591 = vector.shape_cast %swap3A_590 : vector<1x16xf32> to vector<16xf32>
    %swap3A_592 = vector.shape_cast %broadcast_in_dim3A_586 : vector<16xf32> to vector<1x16xf32>
    tpu.vector_store %arg20[%swap3A_588, %swap3A_589], %swap3A_592 {strides = array<i32>} : memref<80x16xf32, #tpu.memory_space<vmem>>, vector<1x16xf32>,
    %broadcast_in_dim3A_593 = arith.constant 1.000000e+00 : f32
    %broadcast_in_dim3A_594 = vector.broadcast %broadcast_in_dim3A_593 : f32 to vector<16xf32>
    %swap3A_595 = arith.constant 73 : i32
    %swap3A_596 = arith.index_cast %swap3A_595 : i32 to index
    %swap3A_597 = arith.constant 0 : index
    %swap3A_598 = tpu.vector_load %arg20[%swap3A_596, %swap3A_597] {strides = array<i32>} : memref<80x16xf32, #tpu.memory_space<vmem>>, vector<1x16xf32>,
    %swap3A_599 = vector.shape_cast %swap3A_598 : vector<1x16xf32> to vector<16xf32>
    %swap3A_600 = vector.shape_cast %broadcast_in_dim3A_594 : vector<16xf32> to vector<1x16xf32>
    tpu.vector_store %arg20[%swap3A_596, %swap3A_597], %swap3A_600 {strides = array<i32>} : memref<80x16xf32, #tpu.memory_space<vmem>>, vector<1x16xf32>,
    %broadcast_in_dim3A_601 = arith.constant 1.000000e+00 : f32
    %broadcast_in_dim3A_602 = vector.broadcast %broadcast_in_dim3A_601 : f32 to vector<16xf32>
    %swap3A_603 = arith.constant 74 : i32
    %swap3A_604 = arith.index_cast %swap3A_603 : i32 to index
    %swap3A_605 = arith.constant 0 : index
    %swap3A_606 = tpu.vector_load %arg20[%swap3A_604, %swap3A_605] {strides = array<i32>} : memref<80x16xf32, #tpu.memory_space<vmem>>, vector<1x16xf32>,
    %swap3A_607 = vector.shape_cast %swap3A_606 : vector<1x16xf32> to vector<16xf32>
    %swap3A_608 = vector.shape_cast %broadcast_in_dim3A_602 : vector<16xf32> to vector<1x16xf32>
    tpu.vector_store %arg20[%swap3A_604, %swap3A_605], %swap3A_608 {strides = array<i32>} : memref<80x16xf32, #tpu.memory_space<vmem>>, vector<1x16xf32>,
    %broadcast_in_dim3A_609 = arith.constant 1.000000e+00 : f32
    %broadcast_in_dim3A_610 = vector.broadcast %broadcast_in_dim3A_609 : f32 to vector<16xf32>
    %swap3A_611 = arith.constant 75 : i32
    %swap3A_612 = arith.index_cast %swap3A_611 : i32 to index
    %swap3A_613 = arith.constant 0 : index
    %swap3A_614 = tpu.vector_load %arg20[%swap3A_612, %swap3A_613] {strides = array<i32>} : memref<80x16xf32, #tpu.memory_space<vmem>>, vector<1x16xf32>,
    %swap3A_615 = vector.shape_cast %swap3A_614 : vector<1x16xf32> to vector<16xf32>
    %swap3A_616 = vector.shape_cast %broadcast_in_dim3A_610 : vector<16xf32> to vector<1x16xf32>
    tpu.vector_store %arg20[%swap3A_612, %swap3A_613], %swap3A_616 {strides = array<i32>} : memref<80x16xf32, #tpu.memory_space<vmem>>, vector<1x16xf32>,
    %broadcast_in_dim3A_617 = arith.constant 1.000000e+00 : f32
    %broadcast_in_dim3A_618 = vector.broadcast %broadcast_in_dim3A_617 : f32 to vector<16xf32>
    %swap3A_619 = arith.constant 76 : i32
    %swap3A_620 = arith.index_cast %swap3A_619 : i32 to index
    %swap3A_621 = arith.constant 0 : index
    %swap3A_622 = tpu.vector_load %arg20[%swap3A_620, %swap3A_621] {strides = array<i32>} : memref<80x16xf32, #tpu.memory_space<vmem>>, vector<1x16xf32>,
    %swap3A_623 = vector.shape_cast %swap3A_622 : vector<1x16xf32> to vector<16xf32>
    %swap3A_624 = vector.shape_cast %broadcast_in_dim3A_618 : vector<16xf32> to vector<1x16xf32>
    tpu.vector_store %arg20[%swap3A_620, %swap3A_621], %swap3A_624 {strides = array<i32>} : memref<80x16xf32, #tpu.memory_space<vmem>>, vector<1x16xf32>,
    %broadcast_in_dim3A_625 = arith.constant 1.000000e+00 : f32
    %broadcast_in_dim3A_626 = vector.broadcast %broadcast_in_dim3A_625 : f32 to vector<16xf32>
    %swap3A_627 = arith.constant 77 : i32
    %swap3A_628 = arith.index_cast %swap3A_627 : i32 to index
    %swap3A_629 = arith.constant 0 : index
    %swap3A_630 = tpu.vector_load %arg20[%swap3A_628, %swap3A_629] {strides = array<i32>} : memref<80x16xf32, #tpu.memory_space<vmem>>, vector<1x16xf32>,
    %swap3A_631 = vector.shape_cast %swap3A_630 : vector<1x16xf32> to vector<16xf32>
    %swap3A_632 = vector.shape_cast %broadcast_in_dim3A_626 : vector<16xf32> to vector<1x16xf32>
    tpu.vector_store %arg20[%swap3A_628, %swap3A_629], %swap3A_632 {strides = array<i32>} : memref<80x16xf32, #tpu.memory_space<vmem>>, vector<1x16xf32>,
    %broadcast_in_dim3A_633 = arith.constant 1.000000e+00 : f32
    %broadcast_in_dim3A_634 = vector.broadcast %broadcast_in_dim3A_633 : f32 to vector<16xf32>
    %swap3A_635 = arith.constant 78 : i32
    %swap3A_636 = arith.index_cast %swap3A_635 : i32 to index
    %swap3A_637 = arith.constant 0 : index
    %swap3A_638 = tpu.vector_load %arg20[%swap3A_636, %swap3A_637] {strides = array<i32>} : memref<80x16xf32, #tpu.memory_space<vmem>>, vector<1x16xf32>,
    %swap3A_639 = vector.shape_cast %swap3A_638 : vector<1x16xf32> to vector<16xf32>
    %swap3A_640 = vector.shape_cast %broadcast_in_dim3A_634 : vector<16xf32> to vector<1x16xf32>
    tpu.vector_store %arg20[%swap3A_636, %swap3A_637], %swap3A_640 {strides = array<i32>} : memref<80x16xf32, #tpu.memory_space<vmem>>, vector<1x16xf32>,
    %broadcast_in_dim3A_641 = arith.constant 1.000000e+00 : f32
    %broadcast_in_dim3A_642 = vector.broadcast %broadcast_in_dim3A_641 : f32 to vector<16xf32>
    %swap3A_643 = arith.constant 79 : i32
    %swap3A_644 = arith.index_cast %swap3A_643 : i32 to index
    %swap3A_645 = arith.constant 0 : index
    %swap3A_646 = tpu.vector_load %arg20[%swap3A_644, %swap3A_645] {strides = array<i32>} : memref<80x16xf32, #tpu.memory_space<vmem>>, vector<1x16xf32>,
    %swap3A_647 = vector.shape_cast %swap3A_646 : vector<1x16xf32> to vector<16xf32>
    %swap3A_648 = vector.shape_cast %broadcast_in_dim3A_642 : vector<16xf32> to vector<1x16xf32>
    tpu.vector_store %arg20[%swap3A_644, %swap3A_645], %swap3A_648 {strides = array<i32>} : memref<80x16xf32, #tpu.memory_space<vmem>>, vector<1x16xf32>,
    %barrier3A = arith.constant 0 : index
    tpu.barrier barrier_id(%barrier3A)
    %add3A_649 = arith.constant 0 : i32
    %add3A_650 = arith.addi %mul3A_10, %add3A_649 : i32
    "tpu.region"() ({
      %run_scoped3A = tpu.sem_alloc : memref<!tpu.dma_semaphore, #tpu.memory_space<semaphore_mem>>
      %dma_start3A_865 = arith.constant 0 : i32
      %dma_start3A_866 = tpu.memref_slice %arg4[%add3A_650, %dma_start3A_865] : memref<4000x80xi32, #tpu.memory_space<hbm>> -> memref<5x80xi32, #tpu.memory_space<hbm>>
      %dma_start3A_867 = arith.constant 0 : i32
      %dma_start3A_868 = tpu.memref_slice %arg4[%add3A_650, %dma_start3A_867] : memref<4000x80xi32, #tpu.memory_space<hbm>> -> memref<5x80xi32, #tpu.memory_space<hbm>>
      tpu.enqueue_dma source(%dma_start3A_868 : memref<5x80xi32, #tpu.memory_space<hbm>>) target(%arg12 : memref<5x80xi32, #tpu.memory_space<vmem>>) target_semaphore(%run_scoped3A : memref<!tpu.dma_semaphore, #tpu.memory_space<semaphore_mem>>)
      %dma_wait3A_869 = arith.constant 0 : i32
      %dma_wait3A_870 = tpu.memref_slice %arg4[%add3A_650, %dma_wait3A_869] : memref<4000x80xi32, #tpu.memory_space<hbm>> -> memref<5x80xi32, #tpu.memory_space<hbm>>
      %dma_wait3A_871 = arith.constant 0 : i32
      %dma_wait3A_872 = tpu.memref_slice %arg4[%add3A_650, %dma_wait3A_871] : memref<4000x80xi32, #tpu.memory_space<hbm>> -> memref<5x80xi32, #tpu.memory_space<hbm>>
      tpu.wait_dma2 semaphore(%run_scoped3A : memref<!tpu.dma_semaphore, #tpu.memory_space<semaphore_mem>>) src(%dma_wait3A_872 : memref<5x80xi32, #tpu.memory_space<hbm>>) dst(%arg12 : memref<5x80xi32, #tpu.memory_space<vmem>>)
      tpu.yield
    }) : () -> ()
    %dma_start3A = arith.constant 0 : i32
    %dma_start3A_651 = arith.constant 0 : i32
    %dma_start3A_652 = tpu.memref_slice %arg11[%dma_start3A, %dma_start3A_651] : memref<125x80xi32, #tpu.memory_space<vmem>> -> memref<1x80xi32, #tpu.memory_space<vmem>>
    %dma_start3A_653 = tpu.memref_squeeze %dma_start3A_652 : memref<1x80xi32, #tpu.memory_space<vmem>> -> memref<80xi32, #tpu.memory_space<vmem>>
    %dma_start3A_654 = arith.constant 0 : i32
    %dma_start3A_655 = arith.constant 0 : i32
    %dma_start3A_656 = tpu.memref_slice %arg2[%dma_start3A_654, %dma_start3A_655] : memref<10000x128xbf16, #tpu.memory_space<hbm>> -> memref<10000x128xbf16, #tpu.memory_space<hbm>>
    tpu.enqueue_indirect_dma source(%dma_start3A_656 : memref<10000x128xbf16, #tpu.memory_space<hbm>>) target(%arg13 : memref<80x128xbf16, #tpu.memory_space<vmem>>) offsets(%dma_start3A_653 : memref<80xi32, #tpu.memory_space<vmem>>) semaphore(%arg16 : memref<!tpu.dma_semaphore, #tpu.memory_space<semaphore_mem>>)
    %dma_start3A_657 = arith.constant 1 : i32
    %dma_start3A_658 = arith.constant 0 : i32
    %dma_start3A_659 = tpu.memref_slice %arg11[%dma_start3A_657, %dma_start3A_658] : memref<125x80xi32, #tpu.memory_space<vmem>> -> memref<1x80xi32, #tpu.memory_space<vmem>>
    %dma_start3A_660 = tpu.memref_squeeze %dma_start3A_659 : memref<1x80xi32, #tpu.memory_space<vmem>> -> memref<80xi32, #tpu.memory_space<vmem>>
    %dma_start3A_661 = arith.constant 0 : i32
    %dma_start3A_662 = arith.constant 0 : i32
    %dma_start3A_663 = tpu.memref_slice %arg2[%dma_start3A_661, %dma_start3A_662] : memref<10000x128xbf16, #tpu.memory_space<hbm>> -> memref<10000x128xbf16, #tpu.memory_space<hbm>>
    tpu.enqueue_indirect_dma source(%dma_start3A_663 : memref<10000x128xbf16, #tpu.memory_space<hbm>>) target(%arg14 : memref<80x128xbf16, #tpu.memory_space<vmem>>) offsets(%dma_start3A_660 : memref<80xi32, #tpu.memory_space<vmem>>) semaphore(%arg17 : memref<!tpu.dma_semaphore, #tpu.memory_space<semaphore_mem>>)
    %dma_wait3A = arith.constant 0 : i32
    %dma_wait3A_664 = arith.constant 0 : i32
    %dma_wait3A_665 = tpu.memref_slice %arg11[%dma_wait3A, %dma_wait3A_664] : memref<125x80xi32, #tpu.memory_space<vmem>> -> memref<1x80xi32, #tpu.memory_space<vmem>>
    %dma_wait3A_666 = tpu.memref_squeeze %dma_wait3A_665 : memref<1x80xi32, #tpu.memory_space<vmem>> -> memref<80xi32, #tpu.memory_space<vmem>>
    %dma_wait3A_667 = arith.constant 0 : i32
    %dma_wait3A_668 = arith.constant 0 : i32
    %dma_wait3A_669 = tpu.memref_slice %arg2[%dma_wait3A_667, %dma_wait3A_668] : memref<10000x128xbf16, #tpu.memory_space<hbm>> -> memref<10000x128xbf16, #tpu.memory_space<hbm>>
    tpu.wait_indirect_dma semaphore(%arg16 : memref<!tpu.dma_semaphore, #tpu.memory_space<semaphore_mem>>) src(%dma_wait3A_669 : memref<10000x128xbf16, #tpu.memory_space<hbm>>) dst(%arg13 : memref<80x128xbf16, #tpu.memory_space<vmem>>)
    %dma_start3A_670 = arith.constant 0 : i32
    %dma_start3A_671 = arith.constant 0 : i32
    %dma_start3A_672 = tpu.memref_slice %arg12[%dma_start3A_670, %dma_start3A_671] : memref<5x80xi32, #tpu.memory_space<vmem>> -> memref<1x80xi32, #tpu.memory_space<vmem>>
    %dma_start3A_673 = tpu.memref_squeeze %dma_start3A_672 : memref<1x80xi32, #tpu.memory_space<vmem>> -> memref<80xi32, #tpu.memory_space<vmem>>
    %dma_start3A_674 = arith.constant 0 : i32
    %dma_start3A_675 = arith.constant 0 : i32
    %dma_start3A_676 = tpu.memref_slice %arg15[%dma_start3A_674, %dma_start3A_675] : memref<10000x128xbf16, #tpu.memory_space<vmem_shared>> -> memref<10000x128xbf16, #tpu.memory_space<vmem_shared>>
    tpu.enqueue_indirect_dma source(%arg13 : memref<80x128xbf16, #tpu.memory_space<vmem>>) target(%dma_start3A_676 : memref<10000x128xbf16, #tpu.memory_space<vmem_shared>>) offsets(%dma_start3A_673 : memref<80xi32, #tpu.memory_space<vmem>>) semaphore(%arg18 : memref<!tpu.dma_semaphore, #tpu.memory_space<semaphore_mem>>) {add = true}
    %dma_start3A_677 = arith.constant 0 : i32
    %dma_start3A_678 = arith.constant 0 : i32
    %dma_start3A_679 = tpu.memref_slice %arg12[%dma_start3A_677, %dma_start3A_678] : memref<5x80xi32, #tpu.memory_space<vmem>> -> memref<1x80xi32, #tpu.memory_space<vmem>>
    %dma_start3A_680 = tpu.memref_squeeze %dma_start3A_679 : memref<1x80xi32, #tpu.memory_space<vmem>> -> memref<80xi32, #tpu.memory_space<vmem>>
    %dma_start3A_681 = arith.constant 0 : i32
    %dma_start3A_682 = arith.constant 0 : i32
    %dma_start3A_683 = tpu.memref_slice %arg21[%dma_start3A_681, %dma_start3A_682] : memref<10000x16xf32, #tpu.memory_space<vmem_shared>> -> memref<10000x16xf32, #tpu.memory_space<vmem_shared>>
    tpu.enqueue_indirect_dma source(%arg20 : memref<80x16xf32, #tpu.memory_space<vmem>>) target(%dma_start3A_683 : memref<10000x16xf32, #tpu.memory_space<vmem_shared>>) offsets(%dma_start3A_680 : memref<80xi32, #tpu.memory_space<vmem>>) semaphore(%arg18 : memref<!tpu.dma_semaphore, #tpu.memory_space<semaphore_mem>>) {add = true}
    %dma_wait3A_684 = arith.constant 0 : i32
    %dma_wait3A_685 = arith.constant 0 : i32
    %dma_wait3A_686 = tpu.memref_slice %arg5[%dma_wait3A_684, %dma_wait3A_685] : memref<10000x128xbf16, #tpu.memory_space<hbm>> -> memref<80x128xbf16, #tpu.memory_space<hbm>>
    %dma_wait3A_687 = arith.constant 0 : i32
    %dma_wait3A_688 = arith.constant 0 : i32
    %dma_wait3A_689 = tpu.memref_slice %arg5[%dma_wait3A_687, %dma_wait3A_688] : memref<10000x128xbf16, #tpu.memory_space<hbm>> -> memref<80x128xbf16, #tpu.memory_space<hbm>>
    tpu.wait_dma2 semaphore(%arg18 : memref<!tpu.dma_semaphore, #tpu.memory_space<semaphore_mem>>) src(%dma_wait3A_689 : memref<80x128xbf16, #tpu.memory_space<hbm>>) dst(%arg13 : memref<80x128xbf16, #tpu.memory_space<vmem>>)
    %dma_wait3A_690 = arith.constant 0 : i32
    %dma_wait3A_691 = arith.constant 0 : i32
    %dma_wait3A_692 = tpu.memref_slice %arg6[%dma_wait3A_690, %dma_wait3A_691] : memref<10000x16xf32, #tpu.memory_space<hbm>> -> memref<80x16xf32, #tpu.memory_space<hbm>>
    %dma_wait3A_693 = arith.constant 0 : i32
    %dma_wait3A_694 = arith.constant 0 : i32
    %dma_wait3A_695 = tpu.memref_slice %arg6[%dma_wait3A_693, %dma_wait3A_694] : memref<10000x16xf32, #tpu.memory_space<hbm>> -> memref<80x16xf32, #tpu.memory_space<hbm>>
    tpu.wait_dma2 semaphore(%arg18 : memref<!tpu.dma_semaphore, #tpu.memory_space<semaphore_mem>>) src(%dma_wait3A_695 : memref<80x16xf32, #tpu.memory_space<hbm>>) dst(%arg20 : memref<80x16xf32, #tpu.memory_space<vmem>>)
    %dma_start3A_696 = arith.constant 2 : i32
    %dma_start3A_697 = arith.constant 0 : i32
    %dma_start3A_698 = tpu.memref_slice %arg11[%dma_start3A_696, %dma_start3A_697] : memref<125x80xi32, #tpu.memory_space<vmem>> -> memref<1x80xi32, #tpu.memory_space<vmem>>
    %dma_start3A_699 = tpu.memref_squeeze %dma_start3A_698 : memref<1x80xi32, #tpu.memory_space<vmem>> -> memref<80xi32, #tpu.memory_space<vmem>>
    %dma_start3A_700 = arith.constant 0 : i32
    %dma_start3A_701 = arith.constant 0 : i32
    %dma_start3A_702 = tpu.memref_slice %arg2[%dma_start3A_700, %dma_start3A_701] : memref<10000x128xbf16, #tpu.memory_space<hbm>> -> memref<10000x128xbf16, #tpu.memory_space<hbm>>
    tpu.enqueue_indirect_dma source(%dma_start3A_702 : memref<10000x128xbf16, #tpu.memory_space<hbm>>) target(%arg13 : memref<80x128xbf16, #tpu.memory_space<vmem>>) offsets(%dma_start3A_699 : memref<80xi32, #tpu.memory_space<vmem>>) semaphore(%arg16 : memref<!tpu.dma_semaphore, #tpu.memory_space<semaphore_mem>>)
    %dma_wait3A_703 = arith.constant 1 : i32
    %dma_wait3A_704 = arith.constant 0 : i32
    %dma_wait3A_705 = tpu.memref_slice %arg11[%dma_wait3A_703, %dma_wait3A_704] : memref<125x80xi32, #tpu.memory_space<vmem>> -> memref<1x80xi32, #tpu.memory_space<vmem>>
    %dma_wait3A_706 = tpu.memref_squeeze %dma_wait3A_705 : memref<1x80xi32, #tpu.memory_space<vmem>> -> memref<80xi32, #tpu.memory_space<vmem>>
    %dma_wait3A_707 = arith.constant 0 : i32
    %dma_wait3A_708 = arith.constant 0 : i32
    %dma_wait3A_709 = tpu.memref_slice %arg2[%dma_wait3A_707, %dma_wait3A_708] : memref<10000x128xbf16, #tpu.memory_space<hbm>> -> memref<10000x128xbf16, #tpu.memory_space<hbm>>
    tpu.wait_indirect_dma semaphore(%arg17 : memref<!tpu.dma_semaphore, #tpu.memory_space<semaphore_mem>>) src(%dma_wait3A_709 : memref<10000x128xbf16, #tpu.memory_space<hbm>>) dst(%arg14 : memref<80x128xbf16, #tpu.memory_space<vmem>>)
    %dma_start3A_710 = arith.constant 1 : i32
    %dma_start3A_711 = arith.constant 0 : i32
    %dma_start3A_712 = tpu.memref_slice %arg12[%dma_start3A_710, %dma_start3A_711] : memref<5x80xi32, #tpu.memory_space<vmem>> -> memref<1x80xi32, #tpu.memory_space<vmem>>
    %dma_start3A_713 = tpu.memref_squeeze %dma_start3A_712 : memref<1x80xi32, #tpu.memory_space<vmem>> -> memref<80xi32, #tpu.memory_space<vmem>>
    %dma_start3A_714 = arith.constant 0 : i32
    %dma_start3A_715 = arith.constant 0 : i32
    %dma_start3A_716 = tpu.memref_slice %arg15[%dma_start3A_714, %dma_start3A_715] : memref<10000x128xbf16, #tpu.memory_space<vmem_shared>> -> memref<10000x128xbf16, #tpu.memory_space<vmem_shared>>
    tpu.enqueue_indirect_dma source(%arg14 : memref<80x128xbf16, #tpu.memory_space<vmem>>) target(%dma_start3A_716 : memref<10000x128xbf16, #tpu.memory_space<vmem_shared>>) offsets(%dma_start3A_713 : memref<80xi32, #tpu.memory_space<vmem>>) semaphore(%arg19 : memref<!tpu.dma_semaphore, #tpu.memory_space<semaphore_mem>>) {add = true}
    %dma_start3A_717 = arith.constant 1 : i32
    %dma_start3A_718 = arith.constant 0 : i32
    %dma_start3A_719 = tpu.memref_slice %arg12[%dma_start3A_717, %dma_start3A_718] : memref<5x80xi32, #tpu.memory_space<vmem>> -> memref<1x80xi32, #tpu.memory_space<vmem>>
    %dma_start3A_720 = tpu.memref_squeeze %dma_start3A_719 : memref<1x80xi32, #tpu.memory_space<vmem>> -> memref<80xi32, #tpu.memory_space<vmem>>
    %dma_start3A_721 = arith.constant 0 : i32
    %dma_start3A_722 = arith.constant 0 : i32
    %dma_start3A_723 = tpu.memref_slice %arg21[%dma_start3A_721, %dma_start3A_722] : memref<10000x16xf32, #tpu.memory_space<vmem_shared>> -> memref<10000x16xf32, #tpu.memory_space<vmem_shared>>
    tpu.enqueue_indirect_dma source(%arg20 : memref<80x16xf32, #tpu.memory_space<vmem>>) target(%dma_start3A_723 : memref<10000x16xf32, #tpu.memory_space<vmem_shared>>) offsets(%dma_start3A_720 : memref<80xi32, #tpu.memory_space<vmem>>) semaphore(%arg19 : memref<!tpu.dma_semaphore, #tpu.memory_space<semaphore_mem>>) {add = true}
    %dma_wait3A_724 = arith.constant 0 : i32
    %dma_wait3A_725 = arith.constant 0 : i32
    %dma_wait3A_726 = tpu.memref_slice %arg5[%dma_wait3A_724, %dma_wait3A_725] : memref<10000x128xbf16, #tpu.memory_space<hbm>> -> memref<80x128xbf16, #tpu.memory_space<hbm>>
    %dma_wait3A_727 = arith.constant 0 : i32
    %dma_wait3A_728 = arith.constant 0 : i32
    %dma_wait3A_729 = tpu.memref_slice %arg5[%dma_wait3A_727, %dma_wait3A_728] : memref<10000x128xbf16, #tpu.memory_space<hbm>> -> memref<80x128xbf16, #tpu.memory_space<hbm>>
    tpu.wait_dma2 semaphore(%arg19 : memref<!tpu.dma_semaphore, #tpu.memory_space<semaphore_mem>>) src(%dma_wait3A_729 : memref<80x128xbf16, #tpu.memory_space<hbm>>) dst(%arg14 : memref<80x128xbf16, #tpu.memory_space<vmem>>)
    %dma_wait3A_730 = arith.constant 0 : i32
    %dma_wait3A_731 = arith.constant 0 : i32
    %dma_wait3A_732 = tpu.memref_slice %arg6[%dma_wait3A_730, %dma_wait3A_731] : memref<10000x16xf32, #tpu.memory_space<hbm>> -> memref<80x16xf32, #tpu.memory_space<hbm>>
    %dma_wait3A_733 = arith.constant 0 : i32
    %dma_wait3A_734 = arith.constant 0 : i32
    %dma_wait3A_735 = tpu.memref_slice %arg6[%dma_wait3A_733, %dma_wait3A_734] : memref<10000x16xf32, #tpu.memory_space<hbm>> -> memref<80x16xf32, #tpu.memory_space<hbm>>
    tpu.wait_dma2 semaphore(%arg19 : memref<!tpu.dma_semaphore, #tpu.memory_space<semaphore_mem>>) src(%dma_wait3A_735 : memref<80x16xf32, #tpu.memory_space<hbm>>) dst(%arg20 : memref<80x16xf32, #tpu.memory_space<vmem>>)
    %dma_start3A_736 = arith.constant 3 : i32
    %dma_start3A_737 = arith.constant 0 : i32
    %dma_start3A_738 = tpu.memref_slice %arg11[%dma_start3A_736, %dma_start3A_737] : memref<125x80xi32, #tpu.memory_space<vmem>> -> memref<1x80xi32, #tpu.memory_space<vmem>>
    %dma_start3A_739 = tpu.memref_squeeze %dma_start3A_738 : memref<1x80xi32, #tpu.memory_space<vmem>> -> memref<80xi32, #tpu.memory_space<vmem>>
    %dma_start3A_740 = arith.constant 0 : i32
    %dma_start3A_741 = arith.constant 0 : i32
    %dma_start3A_742 = tpu.memref_slice %arg2[%dma_start3A_740, %dma_start3A_741] : memref<10000x128xbf16, #tpu.memory_space<hbm>> -> memref<10000x128xbf16, #tpu.memory_space<hbm>>
    tpu.enqueue_indirect_dma source(%dma_start3A_742 : memref<10000x128xbf16, #tpu.memory_space<hbm>>) target(%arg14 : memref<80x128xbf16, #tpu.memory_space<vmem>>) offsets(%dma_start3A_739 : memref<80xi32, #tpu.memory_space<vmem>>) semaphore(%arg17 : memref<!tpu.dma_semaphore, #tpu.memory_space<semaphore_mem>>)
    %dma_wait3A_743 = arith.constant 2 : i32
    %dma_wait3A_744 = arith.constant 0 : i32
    %dma_wait3A_745 = tpu.memref_slice %arg11[%dma_wait3A_743, %dma_wait3A_744] : memref<125x80xi32, #tpu.memory_space<vmem>> -> memref<1x80xi32, #tpu.memory_space<vmem>>
    %dma_wait3A_746 = tpu.memref_squeeze %dma_wait3A_745 : memref<1x80xi32, #tpu.memory_space<vmem>> -> memref<80xi32, #tpu.memory_space<vmem>>
    %dma_wait3A_747 = arith.constant 0 : i32
    %dma_wait3A_748 = arith.constant 0 : i32
    %dma_wait3A_749 = tpu.memref_slice %arg2[%dma_wait3A_747, %dma_wait3A_748] : memref<10000x128xbf16, #tpu.memory_space<hbm>> -> memref<10000x128xbf16, #tpu.memory_space<hbm>>
    tpu.wait_indirect_dma semaphore(%arg16 : memref<!tpu.dma_semaphore, #tpu.memory_space<semaphore_mem>>) src(%dma_wait3A_749 : memref<10000x128xbf16, #tpu.memory_space<hbm>>) dst(%arg13 : memref<80x128xbf16, #tpu.memory_space<vmem>>)
    %dma_start3A_750 = arith.constant 2 : i32
    %dma_start3A_751 = arith.constant 0 : i32
    %dma_start3A_752 = tpu.memref_slice %arg12[%dma_start3A_750, %dma_start3A_751] : memref<5x80xi32, #tpu.memory_space<vmem>> -> memref<1x80xi32, #tpu.memory_space<vmem>>
    %dma_start3A_753 = tpu.memref_squeeze %dma_start3A_752 : memref<1x80xi32, #tpu.memory_space<vmem>> -> memref<80xi32, #tpu.memory_space<vmem>>
    %dma_start3A_754 = arith.constant 0 : i32
    %dma_start3A_755 = arith.constant 0 : i32
    %dma_start3A_756 = tpu.memref_slice %arg15[%dma_start3A_754, %dma_start3A_755] : memref<10000x128xbf16, #tpu.memory_space<vmem_shared>> -> memref<10000x128xbf16, #tpu.memory_space<vmem_shared>>
    tpu.enqueue_indirect_dma source(%arg13 : memref<80x128xbf16, #tpu.memory_space<vmem>>) target(%dma_start3A_756 : memref<10000x128xbf16, #tpu.memory_space<vmem_shared>>) offsets(%dma_start3A_753 : memref<80xi32, #tpu.memory_space<vmem>>) semaphore(%arg18 : memref<!tpu.dma_semaphore, #tpu.memory_space<semaphore_mem>>) {add = true}
    %dma_start3A_757 = arith.constant 2 : i32
    %dma_start3A_758 = arith.constant 0 : i32
    %dma_start3A_759 = tpu.memref_slice %arg12[%dma_start3A_757, %dma_start3A_758] : memref<5x80xi32, #tpu.memory_space<vmem>> -> memref<1x80xi32, #tpu.memory_space<vmem>>
    %dma_start3A_760 = tpu.memref_squeeze %dma_start3A_759 : memref<1x80xi32, #tpu.memory_space<vmem>> -> memref<80xi32, #tpu.memory_space<vmem>>
    %dma_start3A_761 = arith.constant 0 : i32
    %dma_start3A_762 = arith.constant 0 : i32
    %dma_start3A_763 = tpu.memref_slice %arg21[%dma_start3A_761, %dma_start3A_762] : memref<10000x16xf32, #tpu.memory_space<vmem_shared>> -> memref<10000x16xf32, #tpu.memory_space<vmem_shared>>
    tpu.enqueue_indirect_dma source(%arg20 : memref<80x16xf32, #tpu.memory_space<vmem>>) target(%dma_start3A_763 : memref<10000x16xf32, #tpu.memory_space<vmem_shared>>) offsets(%dma_start3A_760 : memref<80xi32, #tpu.memory_space<vmem>>) semaphore(%arg18 : memref<!tpu.dma_semaphore, #tpu.memory_space<semaphore_mem>>) {add = true}
    %dma_wait3A_764 = arith.constant 0 : i32
    %dma_wait3A_765 = arith.constant 0 : i32
    %dma_wait3A_766 = tpu.memref_slice %arg5[%dma_wait3A_764, %dma_wait3A_765] : memref<10000x128xbf16, #tpu.memory_space<hbm>> -> memref<80x128xbf16, #tpu.memory_space<hbm>>
    %dma_wait3A_767 = arith.constant 0 : i32
    %dma_wait3A_768 = arith.constant 0 : i32
    %dma_wait3A_769 = tpu.memref_slice %arg5[%dma_wait3A_767, %dma_wait3A_768] : memref<10000x128xbf16, #tpu.memory_space<hbm>> -> memref<80x128xbf16, #tpu.memory_space<hbm>>
    tpu.wait_dma2 semaphore(%arg18 : memref<!tpu.dma_semaphore, #tpu.memory_space<semaphore_mem>>) src(%dma_wait3A_769 : memref<80x128xbf16, #tpu.memory_space<hbm>>) dst(%arg13 : memref<80x128xbf16, #tpu.memory_space<vmem>>)
    %dma_wait3A_770 = arith.constant 0 : i32
    %dma_wait3A_771 = arith.constant 0 : i32
    %dma_wait3A_772 = tpu.memref_slice %arg6[%dma_wait3A_770, %dma_wait3A_771] : memref<10000x16xf32, #tpu.memory_space<hbm>> -> memref<80x16xf32, #tpu.memory_space<hbm>>
    %dma_wait3A_773 = arith.constant 0 : i32
    %dma_wait3A_774 = arith.constant 0 : i32
    %dma_wait3A_775 = tpu.memref_slice %arg6[%dma_wait3A_773, %dma_wait3A_774] : memref<10000x16xf32, #tpu.memory_space<hbm>> -> memref<80x16xf32, #tpu.memory_space<hbm>>
    tpu.wait_dma2 semaphore(%arg18 : memref<!tpu.dma_semaphore, #tpu.memory_space<semaphore_mem>>) src(%dma_wait3A_775 : memref<80x16xf32, #tpu.memory_space<hbm>>) dst(%arg20 : memref<80x16xf32, #tpu.memory_space<vmem>>)
    %dma_start3A_776 = arith.constant 4 : i32
    %dma_start3A_777 = arith.constant 0 : i32
    %dma_start3A_778 = tpu.memref_slice %arg11[%dma_start3A_776, %dma_start3A_777] : memref<125x80xi32, #tpu.memory_space<vmem>> -> memref<1x80xi32, #tpu.memory_space<vmem>>
    %dma_start3A_779 = tpu.memref_squeeze %dma_start3A_778 : memref<1x80xi32, #tpu.memory_space<vmem>> -> memref<80xi32, #tpu.memory_space<vmem>>
    %dma_start3A_780 = arith.constant 0 : i32
    %dma_start3A_781 = arith.constant 0 : i32
    %dma_start3A_782 = tpu.memref_slice %arg2[%dma_start3A_780, %dma_start3A_781] : memref<10000x128xbf16, #tpu.memory_space<hbm>> -> memref<10000x128xbf16, #tpu.memory_space<hbm>>
    tpu.enqueue_indirect_dma source(%dma_start3A_782 : memref<10000x128xbf16, #tpu.memory_space<hbm>>) target(%arg13 : memref<80x128xbf16, #tpu.memory_space<vmem>>) offsets(%dma_start3A_779 : memref<80xi32, #tpu.memory_space<vmem>>) semaphore(%arg16 : memref<!tpu.dma_semaphore, #tpu.memory_space<semaphore_mem>>)
    %dma_wait3A_783 = arith.constant 3 : i32
    %dma_wait3A_784 = arith.constant 0 : i32
    %dma_wait3A_785 = tpu.memref_slice %arg11[%dma_wait3A_783, %dma_wait3A_784] : memref<125x80xi32, #tpu.memory_space<vmem>> -> memref<1x80xi32, #tpu.memory_space<vmem>>
    %dma_wait3A_786 = tpu.memref_squeeze %dma_wait3A_785 : memref<1x80xi32, #tpu.memory_space<vmem>> -> memref<80xi32, #tpu.memory_space<vmem>>
    %dma_wait3A_787 = arith.constant 0 : i32
    %dma_wait3A_788 = arith.constant 0 : i32
    %dma_wait3A_789 = tpu.memref_slice %arg2[%dma_wait3A_787, %dma_wait3A_788] : memref<10000x128xbf16, #tpu.memory_space<hbm>> -> memref<10000x128xbf16, #tpu.memory_space<hbm>>
    tpu.wait_indirect_dma semaphore(%arg17 : memref<!tpu.dma_semaphore, #tpu.memory_space<semaphore_mem>>) src(%dma_wait3A_789 : memref<10000x128xbf16, #tpu.memory_space<hbm>>) dst(%arg14 : memref<80x128xbf16, #tpu.memory_space<vmem>>)
    %dma_start3A_790 = arith.constant 3 : i32
    %dma_start3A_791 = arith.constant 0 : i32
    %dma_start3A_792 = tpu.memref_slice %arg12[%dma_start3A_790, %dma_start3A_791] : memref<5x80xi32, #tpu.memory_space<vmem>> -> memref<1x80xi32, #tpu.memory_space<vmem>>
    %dma_start3A_793 = tpu.memref_squeeze %dma_start3A_792 : memref<1x80xi32, #tpu.memory_space<vmem>> -> memref<80xi32, #tpu.memory_space<vmem>>
    %dma_start3A_794 = arith.constant 0 : i32
    %dma_start3A_795 = arith.constant 0 : i32
    %dma_start3A_796 = tpu.memref_slice %arg15[%dma_start3A_794, %dma_start3A_795] : memref<10000x128xbf16, #tpu.memory_space<vmem_shared>> -> memref<10000x128xbf16, #tpu.memory_space<vmem_shared>>
    tpu.enqueue_indirect_dma source(%arg14 : memref<80x128xbf16, #tpu.memory_space<vmem>>) target(%dma_start3A_796 : memref<10000x128xbf16, #tpu.memory_space<vmem_shared>>) offsets(%dma_start3A_793 : memref<80xi32, #tpu.memory_space<vmem>>) semaphore(%arg19 : memref<!tpu.dma_semaphore, #tpu.memory_space<semaphore_mem>>) {add = true}
    %dma_start3A_797 = arith.constant 3 : i32
    %dma_start3A_798 = arith.constant 0 : i32
    %dma_start3A_799 = tpu.memref_slice %arg12[%dma_start3A_797, %dma_start3A_798] : memref<5x80xi32, #tpu.memory_space<vmem>> -> memref<1x80xi32, #tpu.memory_space<vmem>>
    %dma_start3A_800 = tpu.memref_squeeze %dma_start3A_799 : memref<1x80xi32, #tpu.memory_space<vmem>> -> memref<80xi32, #tpu.memory_space<vmem>>
    %dma_start3A_801 = arith.constant 0 : i32
    %dma_start3A_802 = arith.constant 0 : i32
    %dma_start3A_803 = tpu.memref_slice %arg21[%dma_start3A_801, %dma_start3A_802] : memref<10000x16xf32, #tpu.memory_space<vmem_shared>> -> memref<10000x16xf32, #tpu.memory_space<vmem_shared>>
    tpu.enqueue_indirect_dma source(%arg20 : memref<80x16xf32, #tpu.memory_space<vmem>>) target(%dma_start3A_803 : memref<10000x16xf32, #tpu.memory_space<vmem_shared>>) offsets(%dma_start3A_800 : memref<80xi32, #tpu.memory_space<vmem>>) semaphore(%arg19 : memref<!tpu.dma_semaphore, #tpu.memory_space<semaphore_mem>>) {add = true}
    %dma_wait3A_804 = arith.constant 4 : i32
    %dma_wait3A_805 = arith.constant 0 : i32
    %dma_wait3A_806 = tpu.memref_slice %arg11[%dma_wait3A_804, %dma_wait3A_805] : memref<125x80xi32, #tpu.memory_space<vmem>> -> memref<1x80xi32, #tpu.memory_space<vmem>>
    %dma_wait3A_807 = tpu.memref_squeeze %dma_wait3A_806 : memref<1x80xi32, #tpu.memory_space<vmem>> -> memref<80xi32, #tpu.memory_space<vmem>>
    %dma_wait3A_808 = arith.constant 0 : i32
    %dma_wait3A_809 = arith.constant 0 : i32
    %dma_wait3A_810 = tpu.memref_slice %arg2[%dma_wait3A_808, %dma_wait3A_809] : memref<10000x128xbf16, #tpu.memory_space<hbm>> -> memref<10000x128xbf16, #tpu.memory_space<hbm>>
    tpu.wait_indirect_dma semaphore(%arg16 : memref<!tpu.dma_semaphore, #tpu.memory_space<semaphore_mem>>) src(%dma_wait3A_810 : memref<10000x128xbf16, #tpu.memory_space<hbm>>) dst(%arg13 : memref<80x128xbf16, #tpu.memory_space<vmem>>)
    %dma_start3A_811 = arith.constant 4 : i32
    %dma_start3A_812 = arith.constant 0 : i32
    %dma_start3A_813 = tpu.memref_slice %arg12[%dma_start3A_811, %dma_start3A_812] : memref<5x80xi32, #tpu.memory_space<vmem>> -> memref<1x80xi32, #tpu.memory_space<vmem>>
    %dma_start3A_814 = tpu.memref_squeeze %dma_start3A_813 : memref<1x80xi32, #tpu.memory_space<vmem>> -> memref<80xi32, #tpu.memory_space<vmem>>
    %dma_start3A_815 = arith.constant 0 : i32
    %dma_start3A_816 = arith.constant 0 : i32
    %dma_start3A_817 = tpu.memref_slice %arg15[%dma_start3A_815, %dma_start3A_816] : memref<10000x128xbf16, #tpu.memory_space<vmem_shared>> -> memref<10000x128xbf16, #tpu.memory_space<vmem_shared>>
    tpu.enqueue_indirect_dma source(%arg13 : memref<80x128xbf16, #tpu.memory_space<vmem>>) target(%dma_start3A_817 : memref<10000x128xbf16, #tpu.memory_space<vmem_shared>>) offsets(%dma_start3A_814 : memref<80xi32, #tpu.memory_space<vmem>>) semaphore(%arg18 : memref<!tpu.dma_semaphore, #tpu.memory_space<semaphore_mem>>) {add = true}
    %dma_start3A_818 = arith.constant 4 : i32
    %dma_start3A_819 = arith.constant 0 : i32
    %dma_start3A_820 = tpu.memref_slice %arg12[%dma_start3A_818, %dma_start3A_819] : memref<5x80xi32, #tpu.memory_space<vmem>> -> memref<1x80xi32, #tpu.memory_space<vmem>>
    %dma_start3A_821 = tpu.memref_squeeze %dma_start3A_820 : memref<1x80xi32, #tpu.memory_space<vmem>> -> memref<80xi32, #tpu.memory_space<vmem>>
    %dma_start3A_822 = arith.constant 0 : i32
    %dma_start3A_823 = arith.constant 0 : i32
    %dma_start3A_824 = tpu.memref_slice %arg21[%dma_start3A_822, %dma_start3A_823] : memref<10000x16xf32, #tpu.memory_space<vmem_shared>> -> memref<10000x16xf32, #tpu.memory_space<vmem_shared>>
    tpu.enqueue_indirect_dma source(%arg20 : memref<80x16xf32, #tpu.memory_space<vmem>>) target(%dma_start3A_824 : memref<10000x16xf32, #tpu.memory_space<vmem_shared>>) offsets(%dma_start3A_821 : memref<80xi32, #tpu.memory_space<vmem>>) semaphore(%arg18 : memref<!tpu.dma_semaphore, #tpu.memory_space<semaphore_mem>>) {add = true}
    %scan3A = arith.constant 0 : i32
    %scan3A_825 = arith.constant 1 : i32
    %scan3A_826 = arith.constant 24 : i32
    %scan3A_827 = arith.addi %scan3A_825, %scan3A_826 : i32
    %scan3A_828 = arith.constant 1 : i32
    scf.for %scan3A_865 = %scan3A_825 to %scan3A_827 step %scan3A_828  : i32 {
      %mul3A_866 = arith.constant 5 : i32
      %mul3A_867 = arith.muli %scan3A_865, %mul3A_866 : i32
      %dma_wait3A_868 = arith.constant 0 : i32
      %dma_wait3A_869 = arith.constant 0 : i32
      %dma_wait3A_870 = tpu.memref_slice %arg5[%dma_wait3A_868, %dma_wait3A_869] : memref<10000x128xbf16, #tpu.memory_space<hbm>> -> memref<80x128xbf16, #tpu.memory_space<hbm>>
      %dma_wait3A_871 = arith.constant 0 : i32
      %dma_wait3A_872 = arith.constant 0 : i32
      %dma_wait3A_873 = tpu.memref_slice %arg5[%dma_wait3A_871, %dma_wait3A_872] : memref<10000x128xbf16, #tpu.memory_space<hbm>> -> memref<80x128xbf16, #tpu.memory_space<hbm>>
      tpu.wait_dma2 semaphore(%arg18 : memref<!tpu.dma_semaphore, #tpu.memory_space<semaphore_mem>>) src(%dma_wait3A_873 : memref<80x128xbf16, #tpu.memory_space<hbm>>) dst(%arg13 : memref<80x128xbf16, #tpu.memory_space<vmem>>)
      %dma_wait3A_874 = arith.constant 0 : i32
      %dma_wait3A_875 = arith.constant 0 : i32
      %dma_wait3A_876 = tpu.memref_slice %arg6[%dma_wait3A_874, %dma_wait3A_875] : memref<10000x16xf32, #tpu.memory_space<hbm>> -> memref<80x16xf32, #tpu.memory_space<hbm>>
      %dma_wait3A_877 = arith.constant 0 : i32
      %dma_wait3A_878 = arith.constant 0 : i32
      %dma_wait3A_879 = tpu.memref_slice %arg6[%dma_wait3A_877, %dma_wait3A_878] : memref<10000x16xf32, #tpu.memory_space<hbm>> -> memref<80x16xf32, #tpu.memory_space<hbm>>
      tpu.wait_dma2 semaphore(%arg18 : memref<!tpu.dma_semaphore, #tpu.memory_space<semaphore_mem>>) src(%dma_wait3A_879 : memref<80x16xf32, #tpu.memory_space<hbm>>) dst(%arg20 : memref<80x16xf32, #tpu.memory_space<vmem>>)
      %dma_wait3A_880 = arith.constant 0 : i32
      %dma_wait3A_881 = arith.constant 0 : i32
      %dma_wait3A_882 = tpu.memref_slice %arg5[%dma_wait3A_880, %dma_wait3A_881] : memref<10000x128xbf16, #tpu.memory_space<hbm>> -> memref<80x128xbf16, #tpu.memory_space<hbm>>
      %dma_wait3A_883 = arith.constant 0 : i32
      %dma_wait3A_884 = arith.constant 0 : i32
      %dma_wait3A_885 = tpu.memref_slice %arg5[%dma_wait3A_883, %dma_wait3A_884] : memref<10000x128xbf16, #tpu.memory_space<hbm>> -> memref<80x128xbf16, #tpu.memory_space<hbm>>
      tpu.wait_dma2 semaphore(%arg19 : memref<!tpu.dma_semaphore, #tpu.memory_space<semaphore_mem>>) src(%dma_wait3A_885 : memref<80x128xbf16, #tpu.memory_space<hbm>>) dst(%arg14 : memref<80x128xbf16, #tpu.memory_space<vmem>>)
      %dma_wait3A_886 = arith.constant 0 : i32
      %dma_wait3A_887 = arith.constant 0 : i32
      %dma_wait3A_888 = tpu.memref_slice %arg6[%dma_wait3A_886, %dma_wait3A_887] : memref<10000x16xf32, #tpu.memory_space<hbm>> -> memref<80x16xf32, #tpu.memory_space<hbm>>
      %dma_wait3A_889 = arith.constant 0 : i32
      %dma_wait3A_890 = arith.constant 0 : i32
      %dma_wait3A_891 = tpu.memref_slice %arg6[%dma_wait3A_889, %dma_wait3A_890] : memref<10000x16xf32, #tpu.memory_space<hbm>> -> memref<80x16xf32, #tpu.memory_space<hbm>>
      tpu.wait_dma2 semaphore(%arg19 : memref<!tpu.dma_semaphore, #tpu.memory_space<semaphore_mem>>) src(%dma_wait3A_891 : memref<80x16xf32, #tpu.memory_space<hbm>>) dst(%arg20 : memref<80x16xf32, #tpu.memory_space<vmem>>)
      %add3A_892 = arith.addi %mul3A_10, %mul3A_867 : i32
      "tpu.region"() ({
        %run_scoped3A = tpu.sem_alloc : memref<!tpu.dma_semaphore, #tpu.memory_space<semaphore_mem>>
        %dma_start3A_1069 = arith.constant 0 : i32
        %dma_start3A_1070 = tpu.memref_slice %arg4[%add3A_892, %dma_start3A_1069] : memref<4000x80xi32, #tpu.memory_space<hbm>> -> memref<5x80xi32, #tpu.memory_space<hbm>>
        %dma_start3A_1071 = arith.constant 0 : i32
        %dma_start3A_1072 = tpu.memref_slice %arg4[%add3A_892, %dma_start3A_1071] : memref<4000x80xi32, #tpu.memory_space<hbm>> -> memref<5x80xi32, #tpu.memory_space<hbm>>
        tpu.enqueue_dma source(%dma_start3A_1072 : memref<5x80xi32, #tpu.memory_space<hbm>>) target(%arg12 : memref<5x80xi32, #tpu.memory_space<vmem>>) target_semaphore(%run_scoped3A : memref<!tpu.dma_semaphore, #tpu.memory_space<semaphore_mem>>)
        %dma_wait3A_1073 = arith.constant 0 : i32
        %dma_wait3A_1074 = tpu.memref_slice %arg4[%add3A_892, %dma_wait3A_1073] : memref<4000x80xi32, #tpu.memory_space<hbm>> -> memref<5x80xi32, #tpu.memory_space<hbm>>
        %dma_wait3A_1075 = arith.constant 0 : i32
        %dma_wait3A_1076 = tpu.memref_slice %arg4[%add3A_892, %dma_wait3A_1075] : memref<4000x80xi32, #tpu.memory_space<hbm>> -> memref<5x80xi32, #tpu.memory_space<hbm>>
        tpu.wait_dma2 semaphore(%run_scoped3A : memref<!tpu.dma_semaphore, #tpu.memory_space<semaphore_mem>>) src(%dma_wait3A_1076 : memref<5x80xi32, #tpu.memory_space<hbm>>) dst(%arg12 : memref<5x80xi32, #tpu.memory_space<vmem>>)
        tpu.yield
      }) : () -> ()
      %add3A_893 = arith.constant 0 : i32
      %add3A_894 = arith.addi %mul3A_867, %add3A_893 : i32
      %dma_start3A_895 = arith.constant 0 : i32
      %dma_start3A_896 = tpu.memref_slice %arg11[%add3A_894, %dma_start3A_895] : memref<125x80xi32, #tpu.memory_space<vmem>> -> memref<1x80xi32, #tpu.memory_space<vmem>>
      %dma_start3A_897 = tpu.memref_squeeze %dma_start3A_896 : memref<1x80xi32, #tpu.memory_space<vmem>> -> memref<80xi32, #tpu.memory_space<vmem>>
      %dma_start3A_898 = arith.constant 0 : i32
      %dma_start3A_899 = arith.constant 0 : i32
      %dma_start3A_900 = tpu.memref_slice %arg2[%dma_start3A_898, %dma_start3A_899] : memref<10000x128xbf16, #tpu.memory_space<hbm>> -> memref<10000x128xbf16, #tpu.memory_space<hbm>>
      tpu.enqueue_indirect_dma source(%dma_start3A_900 : memref<10000x128xbf16, #tpu.memory_space<hbm>>) target(%arg13 : memref<80x128xbf16, #tpu.memory_space<vmem>>) offsets(%dma_start3A_897 : memref<80xi32, #tpu.memory_space<vmem>>) semaphore(%arg16 : memref<!tpu.dma_semaphore, #tpu.memory_space<semaphore_mem>>)
      %add3A_901 = arith.constant 1 : i32
      %add3A_902 = arith.addi %mul3A_867, %add3A_901 : i32
      %dma_start3A_903 = arith.constant 0 : i32
      %dma_start3A_904 = tpu.memref_slice %arg11[%add3A_902, %dma_start3A_903] : memref<125x80xi32, #tpu.memory_space<vmem>> -> memref<1x80xi32, #tpu.memory_space<vmem>>
      %dma_start3A_905 = tpu.memref_squeeze %dma_start3A_904 : memref<1x80xi32, #tpu.memory_space<vmem>> -> memref<80xi32, #tpu.memory_space<vmem>>
      %dma_start3A_906 = arith.constant 0 : i32
      %dma_start3A_907 = arith.constant 0 : i32
      %dma_start3A_908 = tpu.memref_slice %arg2[%dma_start3A_906, %dma_start3A_907] : memref<10000x128xbf16, #tpu.memory_space<hbm>> -> memref<10000x128xbf16, #tpu.memory_space<hbm>>
      tpu.enqueue_indirect_dma source(%dma_start3A_908 : memref<10000x128xbf16, #tpu.memory_space<hbm>>) target(%arg14 : memref<80x128xbf16, #tpu.memory_space<vmem>>) offsets(%dma_start3A_905 : memref<80xi32, #tpu.memory_space<vmem>>) semaphore(%arg17 : memref<!tpu.dma_semaphore, #tpu.memory_space<semaphore_mem>>)
      %dma_wait3A_909 = arith.constant 0 : i32
      %dma_wait3A_910 = tpu.memref_slice %arg11[%add3A_894, %dma_wait3A_909] : memref<125x80xi32, #tpu.memory_space<vmem>> -> memref<1x80xi32, #tpu.memory_space<vmem>>
      %dma_wait3A_911 = tpu.memref_squeeze %dma_wait3A_910 : memref<1x80xi32, #tpu.memory_space<vmem>> -> memref<80xi32, #tpu.memory_space<vmem>>
      %dma_wait3A_912 = arith.constant 0 : i32
      %dma_wait3A_913 = arith.constant 0 : i32
      %dma_wait3A_914 = tpu.memref_slice %arg2[%dma_wait3A_912, %dma_wait3A_913] : memref<10000x128xbf16, #tpu.memory_space<hbm>> -> memref<10000x128xbf16, #tpu.memory_space<hbm>>
      tpu.wait_indirect_dma semaphore(%arg16 : memref<!tpu.dma_semaphore, #tpu.memory_space<semaphore_mem>>) src(%dma_wait3A_914 : memref<10000x128xbf16, #tpu.memory_space<hbm>>) dst(%arg13 : memref<80x128xbf16, #tpu.memory_space<vmem>>)
      %dma_start3A_915 = arith.constant 0 : i32
      %dma_start3A_916 = arith.constant 0 : i32
      %dma_start3A_917 = tpu.memref_slice %arg12[%dma_start3A_915, %dma_start3A_916] : memref<5x80xi32, #tpu.memory_space<vmem>> -> memref<1x80xi32, #tpu.memory_space<vmem>>
      %dma_start3A_918 = tpu.memref_squeeze %dma_start3A_917 : memref<1x80xi32, #tpu.memory_space<vmem>> -> memref<80xi32, #tpu.memory_space<vmem>>
      %dma_start3A_919 = arith.constant 0 : i32
      %dma_start3A_920 = arith.constant 0 : i32
      %dma_start3A_921 = tpu.memref_slice %arg15[%dma_start3A_919, %dma_start3A_920] : memref<10000x128xbf16, #tpu.memory_space<vmem_shared>> -> memref<10000x128xbf16, #tpu.memory_space<vmem_shared>>
      tpu.enqueue_indirect_dma source(%arg13 : memref<80x128xbf16, #tpu.memory_space<vmem>>) target(%dma_start3A_921 : memref<10000x128xbf16, #tpu.memory_space<vmem_shared>>) offsets(%dma_start3A_918 : memref<80xi32, #tpu.memory_space<vmem>>) semaphore(%arg18 : memref<!tpu.dma_semaphore, #tpu.memory_space<semaphore_mem>>) {add = true}
      %dma_start3A_922 = arith.constant 0 : i32
      %dma_start3A_923 = arith.constant 0 : i32
      %dma_start3A_924 = tpu.memref_slice %arg12[%dma_start3A_922, %dma_start3A_923] : memref<5x80xi32, #tpu.memory_space<vmem>> -> memref<1x80xi32, #tpu.memory_space<vmem>>
      %dma_start3A_925 = tpu.memref_squeeze %dma_start3A_924 : memref<1x80xi32, #tpu.memory_space<vmem>> -> memref<80xi32, #tpu.memory_space<vmem>>
      %dma_start3A_926 = arith.constant 0 : i32
      %dma_start3A_927 = arith.constant 0 : i32
      %dma_start3A_928 = tpu.memref_slice %arg21[%dma_start3A_926, %dma_start3A_927] : memref<10000x16xf32, #tpu.memory_space<vmem_shared>> -> memref<10000x16xf32, #tpu.memory_space<vmem_shared>>
      tpu.enqueue_indirect_dma source(%arg20 : memref<80x16xf32, #tpu.memory_space<vmem>>) target(%dma_start3A_928 : memref<10000x16xf32, #tpu.memory_space<vmem_shared>>) offsets(%dma_start3A_925 : memref<80xi32, #tpu.memory_space<vmem>>) semaphore(%arg18 : memref<!tpu.dma_semaphore, #tpu.memory_space<semaphore_mem>>) {add = true}
      %dma_wait3A_929 = arith.constant 0 : i32
      %dma_wait3A_930 = arith.constant 0 : i32
      %dma_wait3A_931 = tpu.memref_slice %arg5[%dma_wait3A_929, %dma_wait3A_930] : memref<10000x128xbf16, #tpu.memory_space<hbm>> -> memref<80x128xbf16, #tpu.memory_space<hbm>>
      %dma_wait3A_932 = arith.constant 0 : i32
      %dma_wait3A_933 = arith.constant 0 : i32
      %dma_wait3A_934 = tpu.memref_slice %arg5[%dma_wait3A_932, %dma_wait3A_933] : memref<10000x128xbf16, #tpu.memory_space<hbm>> -> memref<80x128xbf16, #tpu.memory_space<hbm>>
      tpu.wait_dma2 semaphore(%arg18 : memref<!tpu.dma_semaphore, #tpu.memory_space<semaphore_mem>>) src(%dma_wait3A_934 : memref<80x128xbf16, #tpu.memory_space<hbm>>) dst(%arg13 : memref<80x128xbf16, #tpu.memory_space<vmem>>)
      %dma_wait3A_935 = arith.constant 0 : i32
      %dma_wait3A_936 = arith.constant 0 : i32
      %dma_wait3A_937 = tpu.memref_slice %arg6[%dma_wait3A_935, %dma_wait3A_936] : memref<10000x16xf32, #tpu.memory_space<hbm>> -> memref<80x16xf32, #tpu.memory_space<hbm>>
      %dma_wait3A_938 = arith.constant 0 : i32
      %dma_wait3A_939 = arith.constant 0 : i32
      %dma_wait3A_940 = tpu.memref_slice %arg6[%dma_wait3A_938, %dma_wait3A_939] : memref<10000x16xf32, #tpu.memory_space<hbm>> -> memref<80x16xf32, #tpu.memory_space<hbm>>
      tpu.wait_dma2 semaphore(%arg18 : memref<!tpu.dma_semaphore, #tpu.memory_space<semaphore_mem>>) src(%dma_wait3A_940 : memref<80x16xf32, #tpu.memory_space<hbm>>) dst(%arg20 : memref<80x16xf32, #tpu.memory_space<vmem>>)
      %add3A_941 = arith.constant 2 : i32
      %add3A_942 = arith.addi %mul3A_867, %add3A_941 : i32
      %dma_start3A_943 = arith.constant 0 : i32
      %dma_start3A_944 = tpu.memref_slice %arg11[%add3A_942, %dma_start3A_943] : memref<125x80xi32, #tpu.memory_space<vmem>> -> memref<1x80xi32, #tpu.memory_space<vmem>>
      %dma_start3A_945 = tpu.memref_squeeze %dma_start3A_944 : memref<1x80xi32, #tpu.memory_space<vmem>> -> memref<80xi32, #tpu.memory_space<vmem>>
      %dma_start3A_946 = arith.constant 0 : i32
      %dma_start3A_947 = arith.constant 0 : i32
      %dma_start3A_948 = tpu.memref_slice %arg2[%dma_start3A_946, %dma_start3A_947] : memref<10000x128xbf16, #tpu.memory_space<hbm>> -> memref<10000x128xbf16, #tpu.memory_space<hbm>>
      tpu.enqueue_indirect_dma source(%dma_start3A_948 : memref<10000x128xbf16, #tpu.memory_space<hbm>>) target(%arg13 : memref<80x128xbf16, #tpu.memory_space<vmem>>) offsets(%dma_start3A_945 : memref<80xi32, #tpu.memory_space<vmem>>) semaphore(%arg16 : memref<!tpu.dma_semaphore, #tpu.memory_space<semaphore_mem>>)
      %dma_wait3A_949 = arith.constant 0 : i32
      %dma_wait3A_950 = tpu.memref_slice %arg11[%add3A_902, %dma_wait3A_949] : memref<125x80xi32, #tpu.memory_space<vmem>> -> memref<1x80xi32, #tpu.memory_space<vmem>>
      %dma_wait3A_951 = tpu.memref_squeeze %dma_wait3A_950 : memref<1x80xi32, #tpu.memory_space<vmem>> -> memref<80xi32, #tpu.memory_space<vmem>>
      %dma_wait3A_952 = arith.constant 0 : i32
      %dma_wait3A_953 = arith.constant 0 : i32
      %dma_wait3A_954 = tpu.memref_slice %arg2[%dma_wait3A_952, %dma_wait3A_953] : memref<10000x128xbf16, #tpu.memory_space<hbm>> -> memref<10000x128xbf16, #tpu.memory_space<hbm>>
      tpu.wait_indirect_dma semaphore(%arg17 : memref<!tpu.dma_semaphore, #tpu.memory_space<semaphore_mem>>) src(%dma_wait3A_954 : memref<10000x128xbf16, #tpu.memory_space<hbm>>) dst(%arg14 : memref<80x128xbf16, #tpu.memory_space<vmem>>)
      %dma_start3A_955 = arith.constant 1 : i32
      %dma_start3A_956 = arith.constant 0 : i32
      %dma_start3A_957 = tpu.memref_slice %arg12[%dma_start3A_955, %dma_start3A_956] : memref<5x80xi32, #tpu.memory_space<vmem>> -> memref<1x80xi32, #tpu.memory_space<vmem>>
      %dma_start3A_958 = tpu.memref_squeeze %dma_start3A_957 : memref<1x80xi32, #tpu.memory_space<vmem>> -> memref<80xi32, #tpu.memory_space<vmem>>
      %dma_start3A_959 = arith.constant 0 : i32
      %dma_start3A_960 = arith.constant 0 : i32
      %dma_start3A_961 = tpu.memref_slice %arg15[%dma_start3A_959, %dma_start3A_960] : memref<10000x128xbf16, #tpu.memory_space<vmem_shared>> -> memref<10000x128xbf16, #tpu.memory_space<vmem_shared>>
      tpu.enqueue_indirect_dma source(%arg14 : memref<80x128xbf16, #tpu.memory_space<vmem>>) target(%dma_start3A_961 : memref<10000x128xbf16, #tpu.memory_space<vmem_shared>>) offsets(%dma_start3A_958 : memref<80xi32, #tpu.memory_space<vmem>>) semaphore(%arg19 : memref<!tpu.dma_semaphore, #tpu.memory_space<semaphore_mem>>) {add = true}
      %dma_start3A_962 = arith.constant 1 : i32
      %dma_start3A_963 = arith.constant 0 : i32
      %dma_start3A_964 = tpu.memref_slice %arg12[%dma_start3A_962, %dma_start3A_963] : memref<5x80xi32, #tpu.memory_space<vmem>> -> memref<1x80xi32, #tpu.memory_space<vmem>>
      %dma_start3A_965 = tpu.memref_squeeze %dma_start3A_964 : memref<1x80xi32, #tpu.memory_space<vmem>> -> memref<80xi32, #tpu.memory_space<vmem>>
      %dma_start3A_966 = arith.constant 0 : i32
      %dma_start3A_967 = arith.constant 0 : i32
      %dma_start3A_968 = tpu.memref_slice %arg21[%dma_start3A_966, %dma_start3A_967] : memref<10000x16xf32, #tpu.memory_space<vmem_shared>> -> memref<10000x16xf32, #tpu.memory_space<vmem_shared>>
      tpu.enqueue_indirect_dma source(%arg20 : memref<80x16xf32, #tpu.memory_space<vmem>>) target(%dma_start3A_968 : memref<10000x16xf32, #tpu.memory_space<vmem_shared>>) offsets(%dma_start3A_965 : memref<80xi32, #tpu.memory_space<vmem>>) semaphore(%arg19 : memref<!tpu.dma_semaphore, #tpu.memory_space<semaphore_mem>>) {add = true}
      %dma_wait3A_969 = arith.constant 0 : i32
      %dma_wait3A_970 = arith.constant 0 : i32
      %dma_wait3A_971 = tpu.memref_slice %arg5[%dma_wait3A_969, %dma_wait3A_970] : memref<10000x128xbf16, #tpu.memory_space<hbm>> -> memref<80x128xbf16, #tpu.memory_space<hbm>>
      %dma_wait3A_972 = arith.constant 0 : i32
      %dma_wait3A_973 = arith.constant 0 : i32
      %dma_wait3A_974 = tpu.memref_slice %arg5[%dma_wait3A_972, %dma_wait3A_973] : memref<10000x128xbf16, #tpu.memory_space<hbm>> -> memref<80x128xbf16, #tpu.memory_space<hbm>>
      tpu.wait_dma2 semaphore(%arg19 : memref<!tpu.dma_semaphore, #tpu.memory_space<semaphore_mem>>) src(%dma_wait3A_974 : memref<80x128xbf16, #tpu.memory_space<hbm>>) dst(%arg14 : memref<80x128xbf16, #tpu.memory_space<vmem>>)
      %dma_wait3A_975 = arith.constant 0 : i32
      %dma_wait3A_976 = arith.constant 0 : i32
      %dma_wait3A_977 = tpu.memref_slice %arg6[%dma_wait3A_975, %dma_wait3A_976] : memref<10000x16xf32, #tpu.memory_space<hbm>> -> memref<80x16xf32, #tpu.memory_space<hbm>>
      %dma_wait3A_978 = arith.constant 0 : i32
      %dma_wait3A_979 = arith.constant 0 : i32
      %dma_wait3A_980 = tpu.memref_slice %arg6[%dma_wait3A_978, %dma_wait3A_979] : memref<10000x16xf32, #tpu.memory_space<hbm>> -> memref<80x16xf32, #tpu.memory_space<hbm>>
      tpu.wait_dma2 semaphore(%arg19 : memref<!tpu.dma_semaphore, #tpu.memory_space<semaphore_mem>>) src(%dma_wait3A_980 : memref<80x16xf32, #tpu.memory_space<hbm>>) dst(%arg20 : memref<80x16xf32, #tpu.memory_space<vmem>>)
      %add3A_981 = arith.constant 3 : i32
      %add3A_982 = arith.addi %mul3A_867, %add3A_981 : i32
      %dma_start3A_983 = arith.constant 0 : i32
      %dma_start3A_984 = tpu.memref_slice %arg11[%add3A_982, %dma_start3A_983] : memref<125x80xi32, #tpu.memory_space<vmem>> -> memref<1x80xi32, #tpu.memory_space<vmem>>
      %dma_start3A_985 = tpu.memref_squeeze %dma_start3A_984 : memref<1x80xi32, #tpu.memory_space<vmem>> -> memref<80xi32, #tpu.memory_space<vmem>>
      %dma_start3A_986 = arith.constant 0 : i32
      %dma_start3A_987 = arith.constant 0 : i32
      %dma_start3A_988 = tpu.memref_slice %arg2[%dma_start3A_986, %dma_start3A_987] : memref<10000x128xbf16, #tpu.memory_space<hbm>> -> memref<10000x128xbf16, #tpu.memory_space<hbm>>
      tpu.enqueue_indirect_dma source(%dma_start3A_988 : memref<10000x128xbf16, #tpu.memory_space<hbm>>) target(%arg14 : memref<80x128xbf16, #tpu.memory_space<vmem>>) offsets(%dma_start3A_985 : memref<80xi32, #tpu.memory_space<vmem>>) semaphore(%arg17 : memref<!tpu.dma_semaphore, #tpu.memory_space<semaphore_mem>>)
      %dma_wait3A_989 = arith.constant 0 : i32
      %dma_wait3A_990 = tpu.memref_slice %arg11[%add3A_942, %dma_wait3A_989] : memref<125x80xi32, #tpu.memory_space<vmem>> -> memref<1x80xi32, #tpu.memory_space<vmem>>
      %dma_wait3A_991 = tpu.memref_squeeze %dma_wait3A_990 : memref<1x80xi32, #tpu.memory_space<vmem>> -> memref<80xi32, #tpu.memory_space<vmem>>
      %dma_wait3A_992 = arith.constant 0 : i32
      %dma_wait3A_993 = arith.constant 0 : i32
      %dma_wait3A_994 = tpu.memref_slice %arg2[%dma_wait3A_992, %dma_wait3A_993] : memref<10000x128xbf16, #tpu.memory_space<hbm>> -> memref<10000x128xbf16, #tpu.memory_space<hbm>>
      tpu.wait_indirect_dma semaphore(%arg16 : memref<!tpu.dma_semaphore, #tpu.memory_space<semaphore_mem>>) src(%dma_wait3A_994 : memref<10000x128xbf16, #tpu.memory_space<hbm>>) dst(%arg13 : memref<80x128xbf16, #tpu.memory_space<vmem>>)
      %dma_start3A_995 = arith.constant 2 : i32
      %dma_start3A_996 = arith.constant 0 : i32
      %dma_start3A_997 = tpu.memref_slice %arg12[%dma_start3A_995, %dma_start3A_996] : memref<5x80xi32, #tpu.memory_space<vmem>> -> memref<1x80xi32, #tpu.memory_space<vmem>>
      %dma_start3A_998 = tpu.memref_squeeze %dma_start3A_997 : memref<1x80xi32, #tpu.memory_space<vmem>> -> memref<80xi32, #tpu.memory_space<vmem>>
      %dma_start3A_999 = arith.constant 0 : i32
      %dma_start3A_1000 = arith.constant 0 : i32
      %dma_start3A_1001 = tpu.memref_slice %arg15[%dma_start3A_999, %dma_start3A_1000] : memref<10000x128xbf16, #tpu.memory_space<vmem_shared>> -> memref<10000x128xbf16, #tpu.memory_space<vmem_shared>>
      tpu.enqueue_indirect_dma source(%arg13 : memref<80x128xbf16, #tpu.memory_space<vmem>>) target(%dma_start3A_1001 : memref<10000x128xbf16, #tpu.memory_space<vmem_shared>>) offsets(%dma_start3A_998 : memref<80xi32, #tpu.memory_space<vmem>>) semaphore(%arg18 : memref<!tpu.dma_semaphore, #tpu.memory_space<semaphore_mem>>) {add = true}
      %dma_start3A_1002 = arith.constant 2 : i32
      %dma_start3A_1003 = arith.constant 0 : i32
      %dma_start3A_1004 = tpu.memref_slice %arg12[%dma_start3A_1002, %dma_start3A_1003] : memref<5x80xi32, #tpu.memory_space<vmem>> -> memref<1x80xi32, #tpu.memory_space<vmem>>
      %dma_start3A_1005 = tpu.memref_squeeze %dma_start3A_1004 : memref<1x80xi32, #tpu.memory_space<vmem>> -> memref<80xi32, #tpu.memory_space<vmem>>
      %dma_start3A_1006 = arith.constant 0 : i32
      %dma_start3A_1007 = arith.constant 0 : i32
      %dma_start3A_1008 = tpu.memref_slice %arg21[%dma_start3A_1006, %dma_start3A_1007] : memref<10000x16xf32, #tpu.memory_space<vmem_shared>> -> memref<10000x16xf32, #tpu.memory_space<vmem_shared>>
      tpu.enqueue_indirect_dma source(%arg20 : memref<80x16xf32, #tpu.memory_space<vmem>>) target(%dma_start3A_1008 : memref<10000x16xf32, #tpu.memory_space<vmem_shared>>) offsets(%dma_start3A_1005 : memref<80xi32, #tpu.memory_space<vmem>>) semaphore(%arg18 : memref<!tpu.dma_semaphore, #tpu.memory_space<semaphore_mem>>) {add = true}
      %dma_wait3A_1009 = arith.constant 0 : i32
      %dma_wait3A_1010 = arith.constant 0 : i32
      %dma_wait3A_1011 = tpu.memref_slice %arg5[%dma_wait3A_1009, %dma_wait3A_1010] : memref<10000x128xbf16, #tpu.memory_space<hbm>> -> memref<80x128xbf16, #tpu.memory_space<hbm>>
      %dma_wait3A_1012 = arith.constant 0 : i32
      %dma_wait3A_1013 = arith.constant 0 : i32
      %dma_wait3A_1014 = tpu.memref_slice %arg5[%dma_wait3A_1012, %dma_wait3A_1013] : memref<10000x128xbf16, #tpu.memory_space<hbm>> -> memref<80x128xbf16, #tpu.memory_space<hbm>>
      tpu.wait_dma2 semaphore(%arg18 : memref<!tpu.dma_semaphore, #tpu.memory_space<semaphore_mem>>) src(%dma_wait3A_1014 : memref<80x128xbf16, #tpu.memory_space<hbm>>) dst(%arg13 : memref<80x128xbf16, #tpu.memory_space<vmem>>)
      %dma_wait3A_1015 = arith.constant 0 : i32
      %dma_wait3A_1016 = arith.constant 0 : i32
      %dma_wait3A_1017 = tpu.memref_slice %arg6[%dma_wait3A_1015, %dma_wait3A_1016] : memref<10000x16xf32, #tpu.memory_space<hbm>> -> memref<80x16xf32, #tpu.memory_space<hbm>>
      %dma_wait3A_1018 = arith.constant 0 : i32
      %dma_wait3A_1019 = arith.constant 0 : i32
      %dma_wait3A_1020 = tpu.memref_slice %arg6[%dma_wait3A_1018, %dma_wait3A_1019] : memref<10000x16xf32, #tpu.memory_space<hbm>> -> memref<80x16xf32, #tpu.memory_space<hbm>>
      tpu.wait_dma2 semaphore(%arg18 : memref<!tpu.dma_semaphore, #tpu.memory_space<semaphore_mem>>) src(%dma_wait3A_1020 : memref<80x16xf32, #tpu.memory_space<hbm>>) dst(%arg20 : memref<80x16xf32, #tpu.memory_space<vmem>>)
      %add3A_1021 = arith.constant 4 : i32
      %add3A_1022 = arith.addi %mul3A_867, %add3A_1021 : i32
      %dma_start3A_1023 = arith.constant 0 : i32
      %dma_start3A_1024 = tpu.memref_slice %arg11[%add3A_1022, %dma_start3A_1023] : memref<125x80xi32, #tpu.memory_space<vmem>> -> memref<1x80xi32, #tpu.memory_space<vmem>>
      %dma_start3A_1025 = tpu.memref_squeeze %dma_start3A_1024 : memref<1x80xi32, #tpu.memory_space<vmem>> -> memref<80xi32, #tpu.memory_space<vmem>>
      %dma_start3A_1026 = arith.constant 0 : i32
      %dma_start3A_1027 = arith.constant 0 : i32
      %dma_start3A_1028 = tpu.memref_slice %arg2[%dma_start3A_1026, %dma_start3A_1027] : memref<10000x128xbf16, #tpu.memory_space<hbm>> -> memref<10000x128xbf16, #tpu.memory_space<hbm>>
      tpu.enqueue_indirect_dma source(%dma_start3A_1028 : memref<10000x128xbf16, #tpu.memory_space<hbm>>) target(%arg13 : memref<80x128xbf16, #tpu.memory_space<vmem>>) offsets(%dma_start3A_1025 : memref<80xi32, #tpu.memory_space<vmem>>) semaphore(%arg16 : memref<!tpu.dma_semaphore, #tpu.memory_space<semaphore_mem>>)
      %dma_wait3A_1029 = arith.constant 0 : i32
      %dma_wait3A_1030 = tpu.memref_slice %arg11[%add3A_982, %dma_wait3A_1029] : memref<125x80xi32, #tpu.memory_space<vmem>> -> memref<1x80xi32, #tpu.memory_space<vmem>>
      %dma_wait3A_1031 = tpu.memref_squeeze %dma_wait3A_1030 : memref<1x80xi32, #tpu.memory_space<vmem>> -> memref<80xi32, #tpu.memory_space<vmem>>
      %dma_wait3A_1032 = arith.constant 0 : i32
      %dma_wait3A_1033 = arith.constant 0 : i32
      %dma_wait3A_1034 = tpu.memref_slice %arg2[%dma_wait3A_1032, %dma_wait3A_1033] : memref<10000x128xbf16, #tpu.memory_space<hbm>> -> memref<10000x128xbf16, #tpu.memory_space<hbm>>
      tpu.wait_indirect_dma semaphore(%arg17 : memref<!tpu.dma_semaphore, #tpu.memory_space<semaphore_mem>>) src(%dma_wait3A_1034 : memref<10000x128xbf16, #tpu.memory_space<hbm>>) dst(%arg14 : memref<80x128xbf16, #tpu.memory_space<vmem>>)
      %dma_start3A_1035 = arith.constant 3 : i32
      %dma_start3A_1036 = arith.constant 0 : i32
      %dma_start3A_1037 = tpu.memref_slice %arg12[%dma_start3A_1035, %dma_start3A_1036] : memref<5x80xi32, #tpu.memory_space<vmem>> -> memref<1x80xi32, #tpu.memory_space<vmem>>
      %dma_start3A_1038 = tpu.memref_squeeze %dma_start3A_1037 : memref<1x80xi32, #tpu.memory_space<vmem>> -> memref<80xi32, #tpu.memory_space<vmem>>
      %dma_start3A_1039 = arith.constant 0 : i32
      %dma_start3A_1040 = arith.constant 0 : i32
      %dma_start3A_1041 = tpu.memref_slice %arg15[%dma_start3A_1039, %dma_start3A_1040] : memref<10000x128xbf16, #tpu.memory_space<vmem_shared>> -> memref<10000x128xbf16, #tpu.memory_space<vmem_shared>>
      tpu.enqueue_indirect_dma source(%arg14 : memref<80x128xbf16, #tpu.memory_space<vmem>>) target(%dma_start3A_1041 : memref<10000x128xbf16, #tpu.memory_space<vmem_shared>>) offsets(%dma_start3A_1038 : memref<80xi32, #tpu.memory_space<vmem>>) semaphore(%arg19 : memref<!tpu.dma_semaphore, #tpu.memory_space<semaphore_mem>>) {add = true}
      %dma_start3A_1042 = arith.constant 3 : i32
      %dma_start3A_1043 = arith.constant 0 : i32
      %dma_start3A_1044 = tpu.memref_slice %arg12[%dma_start3A_1042, %dma_start3A_1043] : memref<5x80xi32, #tpu.memory_space<vmem>> -> memref<1x80xi32, #tpu.memory_space<vmem>>
      %dma_start3A_1045 = tpu.memref_squeeze %dma_start3A_1044 : memref<1x80xi32, #tpu.memory_space<vmem>> -> memref<80xi32, #tpu.memory_space<vmem>>
      %dma_start3A_1046 = arith.constant 0 : i32
      %dma_start3A_1047 = arith.constant 0 : i32
      %dma_start3A_1048 = tpu.memref_slice %arg21[%dma_start3A_1046, %dma_start3A_1047] : memref<10000x16xf32, #tpu.memory_space<vmem_shared>> -> memref<10000x16xf32, #tpu.memory_space<vmem_shared>>
      tpu.enqueue_indirect_dma source(%arg20 : memref<80x16xf32, #tpu.memory_space<vmem>>) target(%dma_start3A_1048 : memref<10000x16xf32, #tpu.memory_space<vmem_shared>>) offsets(%dma_start3A_1045 : memref<80xi32, #tpu.memory_space<vmem>>) semaphore(%arg19 : memref<!tpu.dma_semaphore, #tpu.memory_space<semaphore_mem>>) {add = true}
      %dma_wait3A_1049 = arith.constant 0 : i32
      %dma_wait3A_1050 = tpu.memref_slice %arg11[%add3A_1022, %dma_wait3A_1049] : memref<125x80xi32, #tpu.memory_space<vmem>> -> memref<1x80xi32, #tpu.memory_space<vmem>>
      %dma_wait3A_1051 = tpu.memref_squeeze %dma_wait3A_1050 : memref<1x80xi32, #tpu.memory_space<vmem>> -> memref<80xi32, #tpu.memory_space<vmem>>
      %dma_wait3A_1052 = arith.constant 0 : i32
      %dma_wait3A_1053 = arith.constant 0 : i32
      %dma_wait3A_1054 = tpu.memref_slice %arg2[%dma_wait3A_1052, %dma_wait3A_1053] : memref<10000x128xbf16, #tpu.memory_space<hbm>> -> memref<10000x128xbf16, #tpu.memory_space<hbm>>
      tpu.wait_indirect_dma semaphore(%arg16 : memref<!tpu.dma_semaphore, #tpu.memory_space<semaphore_mem>>) src(%dma_wait3A_1054 : memref<10000x128xbf16, #tpu.memory_space<hbm>>) dst(%arg13 : memref<80x128xbf16, #tpu.memory_space<vmem>>)
      %dma_start3A_1055 = arith.constant 4 : i32
      %dma_start3A_1056 = arith.constant 0 : i32
      %dma_start3A_1057 = tpu.memref_slice %arg12[%dma_start3A_1055, %dma_start3A_1056] : memref<5x80xi32, #tpu.memory_space<vmem>> -> memref<1x80xi32, #tpu.memory_space<vmem>>
      %dma_start3A_1058 = tpu.memref_squeeze %dma_start3A_1057 : memref<1x80xi32, #tpu.memory_space<vmem>> -> memref<80xi32, #tpu.memory_space<vmem>>
      %dma_start3A_1059 = arith.constant 0 : i32
      %dma_start3A_1060 = arith.constant 0 : i32
      %dma_start3A_1061 = tpu.memref_slice %arg15[%dma_start3A_1059, %dma_start3A_1060] : memref<10000x128xbf16, #tpu.memory_space<vmem_shared>> -> memref<10000x128xbf16, #tpu.memory_space<vmem_shared>>
      tpu.enqueue_indirect_dma source(%arg13 : memref<80x128xbf16, #tpu.memory_space<vmem>>) target(%dma_start3A_1061 : memref<10000x128xbf16, #tpu.memory_space<vmem_shared>>) offsets(%dma_start3A_1058 : memref<80xi32, #tpu.memory_space<vmem>>) semaphore(%arg18 : memref<!tpu.dma_semaphore, #tpu.memory_space<semaphore_mem>>) {add = true}
      %dma_start3A_1062 = arith.constant 4 : i32
      %dma_start3A_1063 = arith.constant 0 : i32
      %dma_start3A_1064 = tpu.memref_slice %arg12[%dma_start3A_1062, %dma_start3A_1063] : memref<5x80xi32, #tpu.memory_space<vmem>> -> memref<1x80xi32, #tpu.memory_space<vmem>>
      %dma_start3A_1065 = tpu.memref_squeeze %dma_start3A_1064 : memref<1x80xi32, #tpu.memory_space<vmem>> -> memref<80xi32, #tpu.memory_space<vmem>>
      %dma_start3A_1066 = arith.constant 0 : i32
      %dma_start3A_1067 = arith.constant 0 : i32
      %dma_start3A_1068 = tpu.memref_slice %arg21[%dma_start3A_1066, %dma_start3A_1067] : memref<10000x16xf32, #tpu.memory_space<vmem_shared>> -> memref<10000x16xf32, #tpu.memory_space<vmem_shared>>
      tpu.enqueue_indirect_dma source(%arg20 : memref<80x16xf32, #tpu.memory_space<vmem>>) target(%dma_start3A_1068 : memref<10000x16xf32, #tpu.memory_space<vmem_shared>>) offsets(%dma_start3A_1065 : memref<80xi32, #tpu.memory_space<vmem>>) semaphore(%arg18 : memref<!tpu.dma_semaphore, #tpu.memory_space<semaphore_mem>>) {add = true}
    }
    %scan3A_829 = arith.constant 24 : i32
    %dma_wait3A_830 = arith.constant 0 : i32
    %dma_wait3A_831 = arith.constant 0 : i32
    %dma_wait3A_832 = tpu.memref_slice %arg5[%dma_wait3A_830, %dma_wait3A_831] : memref<10000x128xbf16, #tpu.memory_space<hbm>> -> memref<80x128xbf16, #tpu.memory_space<hbm>>
    %dma_wait3A_833 = arith.constant 0 : i32
    %dma_wait3A_834 = arith.constant 0 : i32
    %dma_wait3A_835 = tpu.memref_slice %arg5[%dma_wait3A_833, %dma_wait3A_834] : memref<10000x128xbf16, #tpu.memory_space<hbm>> -> memref<80x128xbf16, #tpu.memory_space<hbm>>
    tpu.wait_dma2 semaphore(%arg18 : memref<!tpu.dma_semaphore, #tpu.memory_space<semaphore_mem>>) src(%dma_wait3A_835 : memref<80x128xbf16, #tpu.memory_space<hbm>>) dst(%arg13 : memref<80x128xbf16, #tpu.memory_space<vmem>>)
    %dma_wait3A_836 = arith.constant 0 : i32
    %dma_wait3A_837 = arith.constant 0 : i32
    %dma_wait3A_838 = tpu.memref_slice %arg6[%dma_wait3A_836, %dma_wait3A_837] : memref<10000x16xf32, #tpu.memory_space<hbm>> -> memref<80x16xf32, #tpu.memory_space<hbm>>
    %dma_wait3A_839 = arith.constant 0 : i32
    %dma_wait3A_840 = arith.constant 0 : i32
    %dma_wait3A_841 = tpu.memref_slice %arg6[%dma_wait3A_839, %dma_wait3A_840] : memref<10000x16xf32, #tpu.memory_space<hbm>> -> memref<80x16xf32, #tpu.memory_space<hbm>>
    tpu.wait_dma2 semaphore(%arg18 : memref<!tpu.dma_semaphore, #tpu.memory_space<semaphore_mem>>) src(%dma_wait3A_841 : memref<80x16xf32, #tpu.memory_space<hbm>>) dst(%arg20 : memref<80x16xf32, #tpu.memory_space<vmem>>)
    %dma_wait3A_842 = arith.constant 0 : i32
    %dma_wait3A_843 = arith.constant 0 : i32
    %dma_wait3A_844 = tpu.memref_slice %arg5[%dma_wait3A_842, %dma_wait3A_843] : memref<10000x128xbf16, #tpu.memory_space<hbm>> -> memref<80x128xbf16, #tpu.memory_space<hbm>>
    %dma_wait3A_845 = arith.constant 0 : i32
    %dma_wait3A_846 = arith.constant 0 : i32
    %dma_wait3A_847 = tpu.memref_slice %arg5[%dma_wait3A_845, %dma_wait3A_846] : memref<10000x128xbf16, #tpu.memory_space<hbm>> -> memref<80x128xbf16, #tpu.memory_space<hbm>>
    tpu.wait_dma2 semaphore(%arg19 : memref<!tpu.dma_semaphore, #tpu.memory_space<semaphore_mem>>) src(%dma_wait3A_847 : memref<80x128xbf16, #tpu.memory_space<hbm>>) dst(%arg14 : memref<80x128xbf16, #tpu.memory_space<vmem>>)
    %dma_wait3A_848 = arith.constant 0 : i32
    %dma_wait3A_849 = arith.constant 0 : i32
    %dma_wait3A_850 = tpu.memref_slice %arg6[%dma_wait3A_848, %dma_wait3A_849] : memref<10000x16xf32, #tpu.memory_space<hbm>> -> memref<80x16xf32, #tpu.memory_space<hbm>>
    %dma_wait3A_851 = arith.constant 0 : i32
    %dma_wait3A_852 = arith.constant 0 : i32
    %dma_wait3A_853 = tpu.memref_slice %arg6[%dma_wait3A_851, %dma_wait3A_852] : memref<10000x16xf32, #tpu.memory_space<hbm>> -> memref<80x16xf32, #tpu.memory_space<hbm>>
    tpu.wait_dma2 semaphore(%arg19 : memref<!tpu.dma_semaphore, #tpu.memory_space<semaphore_mem>>) src(%dma_wait3A_853 : memref<80x16xf32, #tpu.memory_space<hbm>>) dst(%arg20 : memref<80x16xf32, #tpu.memory_space<vmem>>)
    %barrier3A_854 = arith.constant 0 : index
    tpu.barrier barrier_id(%barrier3A_854)
    %lt3A_855 = arith.constant 15 : i32
    %lt3A_856 = arith.cmpi slt, %arg1, %lt3A_855 : i32
    %convert_element_type3A_857 = arith.extui %lt3A_856 : i1 to i32
    %cond3A_858 = arith.constant 0 : i32
    %cond3A_859 = arith.cmpi ne, %convert_element_type3A_857, %cond3A_858 : i32
    scf.if %cond3A_859 {
      %eq3A_865 = arith.constant 0 : i32
      %eq3A_866 = arith.cmpi eq, %arg0, %eq3A_865 : i32
      %convert_element_type3A_867 = arith.extui %eq3A_866 : i1 to i32
      %cond3A_868 = arith.constant 0 : i32
      %cond3A_869 = arith.cmpi ne, %convert_element_type3A_867, %cond3A_868 : i32
      scf.if %cond3A_869 {
        "tpu.region"() ({
          %run_scoped3A = tpu.sem_alloc : memref<!tpu.dma_semaphore, #tpu.memory_space<semaphore_mem>>
          %dma_start3A_875 = arith.constant 0 : i32
          %dma_start3A_876 = tpu.memref_slice %arg7[%mul3A_2, %dma_start3A_875] : memref<10000x128xbf16, #tpu.memory_space<hbm>> -> memref<640x128xbf16, #tpu.memory_space<hbm>>
          %dma_start3A_877 = arith.constant 0 : i32
          %dma_start3A_878 = tpu.memref_slice %arg15[%mul3A_2, %dma_start3A_877] : memref<10000x128xbf16, #tpu.memory_space<vmem_shared>> -> memref<640x128xbf16, #tpu.memory_space<vmem_shared>>
          tpu.enqueue_dma source(%dma_start3A_878 : memref<640x128xbf16, #tpu.memory_space<vmem_shared>>) target(%dma_start3A_876 : memref<640x128xbf16, #tpu.memory_space<hbm>>) target_semaphore(%run_scoped3A : memref<!tpu.dma_semaphore, #tpu.memory_space<semaphore_mem>>)
          %dma_wait3A_879 = arith.constant 0 : i32
          %dma_wait3A_880 = tpu.memref_slice %arg7[%mul3A_2, %dma_wait3A_879] : memref<10000x128xbf16, #tpu.memory_space<hbm>> -> memref<640x128xbf16, #tpu.memory_space<hbm>>
          %dma_wait3A_881 = arith.constant 0 : i32
          %dma_wait3A_882 = tpu.memref_slice %arg15[%mul3A_2, %dma_wait3A_881] : memref<10000x128xbf16, #tpu.memory_space<vmem_shared>> -> memref<640x128xbf16, #tpu.memory_space<vmem_shared>>
          tpu.wait_dma2 semaphore(%run_scoped3A : memref<!tpu.dma_semaphore, #tpu.memory_space<semaphore_mem>>) src(%dma_wait3A_882 : memref<640x128xbf16, #tpu.memory_space<vmem_shared>>) dst(%dma_wait3A_880 : memref<640x128xbf16, #tpu.memory_space<hbm>>)
          tpu.yield
        }) : () -> ()
        "tpu.region"() ({
          %run_scoped3A = tpu.sem_alloc : memref<!tpu.dma_semaphore, #tpu.memory_space<semaphore_mem>>
          %dma_start3A_875 = arith.constant 0 : i32
          %dma_start3A_876 = tpu.memref_slice %arg9[%mul3A_2, %dma_start3A_875] : memref<10000x16xf32, #tpu.memory_space<hbm>> -> memref<640x16xf32, #tpu.memory_space<hbm>>
          %dma_start3A_877 = arith.constant 0 : i32
          %dma_start3A_878 = tpu.memref_slice %arg21[%mul3A_2, %dma_start3A_877] : memref<10000x16xf32, #tpu.memory_space<vmem_shared>> -> memref<640x16xf32, #tpu.memory_space<vmem_shared>>
          tpu.enqueue_dma source(%dma_start3A_878 : memref<640x16xf32, #tpu.memory_space<vmem_shared>>) target(%dma_start3A_876 : memref<640x16xf32, #tpu.memory_space<hbm>>) target_semaphore(%run_scoped3A : memref<!tpu.dma_semaphore, #tpu.memory_space<semaphore_mem>>)
          %dma_wait3A_879 = arith.constant 0 : i32
          %dma_wait3A_880 = tpu.memref_slice %arg9[%mul3A_2, %dma_wait3A_879] : memref<10000x16xf32, #tpu.memory_space<hbm>> -> memref<640x16xf32, #tpu.memory_space<hbm>>
          %dma_wait3A_881 = arith.constant 0 : i32
          %dma_wait3A_882 = tpu.memref_slice %arg21[%mul3A_2, %dma_wait3A_881] : memref<10000x16xf32, #tpu.memory_space<vmem_shared>> -> memref<640x16xf32, #tpu.memory_space<vmem_shared>>
          tpu.wait_dma2 semaphore(%run_scoped3A : memref<!tpu.dma_semaphore, #tpu.memory_space<semaphore_mem>>) src(%dma_wait3A_882 : memref<640x16xf32, #tpu.memory_space<vmem_shared>>) dst(%dma_wait3A_880 : memref<640x16xf32, #tpu.memory_space<hbm>>)
          tpu.yield
        }) : () -> ()
      } else {
      }
      %eq3A_870 = arith.constant 1 : i32
      %eq3A_871 = arith.cmpi eq, %arg0, %eq3A_870 : i32
      %convert_element_type3A_872 = arith.extui %eq3A_871 : i1 to i32
      %cond3A_873 = arith.constant 0 : i32
      %cond3A_874 = arith.cmpi ne, %convert_element_type3A_872, %cond3A_873 : i32
      scf.if %cond3A_874 {
        "tpu.region"() ({
          %run_scoped3A = tpu.sem_alloc : memref<!tpu.dma_semaphore, #tpu.memory_space<semaphore_mem>>
          %dma_start3A_875 = arith.constant 0 : i32
          %dma_start3A_876 = tpu.memref_slice %arg8[%mul3A_2, %dma_start3A_875] : memref<10000x128xbf16, #tpu.memory_space<hbm>> -> memref<640x128xbf16, #tpu.memory_space<hbm>>
          %dma_start3A_877 = arith.constant 0 : i32
          %dma_start3A_878 = tpu.memref_slice %arg15[%mul3A_2, %dma_start3A_877] : memref<10000x128xbf16, #tpu.memory_space<vmem_shared>> -> memref<640x128xbf16, #tpu.memory_space<vmem_shared>>
          tpu.enqueue_dma source(%dma_start3A_878 : memref<640x128xbf16, #tpu.memory_space<vmem_shared>>) target(%dma_start3A_876 : memref<640x128xbf16, #tpu.memory_space<hbm>>) target_semaphore(%run_scoped3A : memref<!tpu.dma_semaphore, #tpu.memory_space<semaphore_mem>>)
          %dma_wait3A_879 = arith.constant 0 : i32
          %dma_wait3A_880 = tpu.memref_slice %arg8[%mul3A_2, %dma_wait3A_879] : memref<10000x128xbf16, #tpu.memory_space<hbm>> -> memref<640x128xbf16, #tpu.memory_space<hbm>>
          %dma_wait3A_881 = arith.constant 0 : i32
          %dma_wait3A_882 = tpu.memref_slice %arg15[%mul3A_2, %dma_wait3A_881] : memref<10000x128xbf16, #tpu.memory_space<vmem_shared>> -> memref<640x128xbf16, #tpu.memory_space<vmem_shared>>
          tpu.wait_dma2 semaphore(%run_scoped3A : memref<!tpu.dma_semaphore, #tpu.memory_space<semaphore_mem>>) src(%dma_wait3A_882 : memref<640x128xbf16, #tpu.memory_space<vmem_shared>>) dst(%dma_wait3A_880 : memref<640x128xbf16, #tpu.memory_space<hbm>>)
          tpu.yield
        }) : () -> ()
        "tpu.region"() ({
          %run_scoped3A = tpu.sem_alloc : memref<!tpu.dma_semaphore, #tpu.memory_space<semaphore_mem>>
          %dma_start3A_875 = arith.constant 0 : i32
          %dma_start3A_876 = tpu.memref_slice %arg10[%mul3A_2, %dma_start3A_875] : memref<10000x16xf32, #tpu.memory_space<hbm>> -> memref<640x16xf32, #tpu.memory_space<hbm>>
          %dma_start3A_877 = arith.constant 0 : i32
          %dma_start3A_878 = tpu.memref_slice %arg21[%mul3A_2, %dma_start3A_877] : memref<10000x16xf32, #tpu.memory_space<vmem_shared>> -> memref<640x16xf32, #tpu.memory_space<vmem_shared>>
          tpu.enqueue_dma source(%dma_start3A_878 : memref<640x16xf32, #tpu.memory_space<vmem_shared>>) target(%dma_start3A_876 : memref<640x16xf32, #tpu.memory_space<hbm>>) target_semaphore(%run_scoped3A : memref<!tpu.dma_semaphore, #tpu.memory_space<semaphore_mem>>)
          %dma_wait3A_879 = arith.constant 0 : i32
          %dma_wait3A_880 = tpu.memref_slice %arg10[%mul3A_2, %dma_wait3A_879] : memref<10000x16xf32, #tpu.memory_space<hbm>> -> memref<640x16xf32, #tpu.memory_space<hbm>>
          %dma_wait3A_881 = arith.constant 0 : i32
          %dma_wait3A_882 = tpu.memref_slice %arg21[%mul3A_2, %dma_wait3A_881] : memref<10000x16xf32, #tpu.memory_space<vmem_shared>> -> memref<640x16xf32, #tpu.memory_space<vmem_shared>>
          tpu.wait_dma2 semaphore(%run_scoped3A : memref<!tpu.dma_semaphore, #tpu.memory_space<semaphore_mem>>) src(%dma_wait3A_882 : memref<640x16xf32, #tpu.memory_space<vmem_shared>>) dst(%dma_wait3A_880 : memref<640x16xf32, #tpu.memory_space<hbm>>)
          tpu.yield
        }) : () -> ()
      } else {
      }
    } else {
    }
    %eq3A_860 = arith.constant 15 : i32
    %eq3A_861 = arith.cmpi eq, %arg1, %eq3A_860 : i32
    %convert_element_type3A_862 = arith.extui %eq3A_861 : i1 to i32
    %cond3A_863 = arith.constant 0 : i32
    %cond3A_864 = arith.cmpi ne, %convert_element_type3A_862, %cond3A_863 : i32
    scf.if %cond3A_864 {
      %eq3A_865 = arith.constant 0 : i32
      %eq3A_866 = arith.cmpi eq, %arg0, %eq3A_865 : i32
      %convert_element_type3A_867 = arith.extui %eq3A_866 : i1 to i32
      %cond3A_868 = arith.constant 0 : i32
      %cond3A_869 = arith.cmpi ne, %convert_element_type3A_867, %cond3A_868 : i32
      scf.if %cond3A_869 {
        "tpu.region"() ({
          %run_scoped3A = tpu.sem_alloc : memref<!tpu.dma_semaphore, #tpu.memory_space<semaphore_mem>>
          %dma_start3A_875 = arith.constant 9600 : i32
          %dma_start3A_876 = arith.constant 0 : i32
          %dma_start3A_877 = tpu.memref_slice %arg7[%dma_start3A_875, %dma_start3A_876] : memref<10000x128xbf16, #tpu.memory_space<hbm>> -> memref<400x128xbf16, #tpu.memory_space<hbm>>
          %dma_start3A_878 = arith.constant 9600 : i32
          %dma_start3A_879 = arith.constant 0 : i32
          %dma_start3A_880 = tpu.memref_slice %arg15[%dma_start3A_878, %dma_start3A_879] : memref<10000x128xbf16, #tpu.memory_space<vmem_shared>> -> memref<400x128xbf16, #tpu.memory_space<vmem_shared>>
          tpu.enqueue_dma source(%dma_start3A_880 : memref<400x128xbf16, #tpu.memory_space<vmem_shared>>) target(%dma_start3A_877 : memref<400x128xbf16, #tpu.memory_space<hbm>>) target_semaphore(%run_scoped3A : memref<!tpu.dma_semaphore, #tpu.memory_space<semaphore_mem>>)
          %dma_wait3A_881 = arith.constant 9600 : i32
          %dma_wait3A_882 = arith.constant 0 : i32
          %dma_wait3A_883 = tpu.memref_slice %arg7[%dma_wait3A_881, %dma_wait3A_882] : memref<10000x128xbf16, #tpu.memory_space<hbm>> -> memref<400x128xbf16, #tpu.memory_space<hbm>>
          %dma_wait3A_884 = arith.constant 9600 : i32
          %dma_wait3A_885 = arith.constant 0 : i32
          %dma_wait3A_886 = tpu.memref_slice %arg15[%dma_wait3A_884, %dma_wait3A_885] : memref<10000x128xbf16, #tpu.memory_space<vmem_shared>> -> memref<400x128xbf16, #tpu.memory_space<vmem_shared>>
          tpu.wait_dma2 semaphore(%run_scoped3A : memref<!tpu.dma_semaphore, #tpu.memory_space<semaphore_mem>>) src(%dma_wait3A_886 : memref<400x128xbf16, #tpu.memory_space<vmem_shared>>) dst(%dma_wait3A_883 : memref<400x128xbf16, #tpu.memory_space<hbm>>)
          tpu.yield
        }) : () -> ()
        "tpu.region"() ({
          %run_scoped3A = tpu.sem_alloc : memref<!tpu.dma_semaphore, #tpu.memory_space<semaphore_mem>>
          %dma_start3A_875 = arith.constant 9600 : i32
          %dma_start3A_876 = arith.constant 0 : i32
          %dma_start3A_877 = tpu.memref_slice %arg9[%dma_start3A_875, %dma_start3A_876] : memref<10000x16xf32, #tpu.memory_space<hbm>> -> memref<400x16xf32, #tpu.memory_space<hbm>>
          %dma_start3A_878 = arith.constant 9600 : i32
          %dma_start3A_879 = arith.constant 0 : i32
          %dma_start3A_880 = tpu.memref_slice %arg21[%dma_start3A_878, %dma_start3A_879] : memref<10000x16xf32, #tpu.memory_space<vmem_shared>> -> memref<400x16xf32, #tpu.memory_space<vmem_shared>>
          tpu.enqueue_dma source(%dma_start3A_880 : memref<400x16xf32, #tpu.memory_space<vmem_shared>>) target(%dma_start3A_877 : memref<400x16xf32, #tpu.memory_space<hbm>>) target_semaphore(%run_scoped3A : memref<!tpu.dma_semaphore, #tpu.memory_space<semaphore_mem>>)
          %dma_wait3A_881 = arith.constant 9600 : i32
          %dma_wait3A_882 = arith.constant 0 : i32
          %dma_wait3A_883 = tpu.memref_slice %arg9[%dma_wait3A_881, %dma_wait3A_882] : memref<10000x16xf32, #tpu.memory_space<hbm>> -> memref<400x16xf32, #tpu.memory_space<hbm>>
          %dma_wait3A_884 = arith.constant 9600 : i32
          %dma_wait3A_885 = arith.constant 0 : i32
          %dma_wait3A_886 = tpu.memref_slice %arg21[%dma_wait3A_884, %dma_wait3A_885] : memref<10000x16xf32, #tpu.memory_space<vmem_shared>> -> memref<400x16xf32, #tpu.memory_space<vmem_shared>>
          tpu.wait_dma2 semaphore(%run_scoped3A : memref<!tpu.dma_semaphore, #tpu.memory_space<semaphore_mem>>) src(%dma_wait3A_886 : memref<400x16xf32, #tpu.memory_space<vmem_shared>>) dst(%dma_wait3A_883 : memref<400x16xf32, #tpu.memory_space<hbm>>)
          tpu.yield
        }) : () -> ()
      } else {
      }
      %eq3A_870 = arith.constant 1 : i32
      %eq3A_871 = arith.cmpi eq, %arg0, %eq3A_870 : i32
      %convert_element_type3A_872 = arith.extui %eq3A_871 : i1 to i32
      %cond3A_873 = arith.constant 0 : i32
      %cond3A_874 = arith.cmpi ne, %convert_element_type3A_872, %cond3A_873 : i32
      scf.if %cond3A_874 {
        "tpu.region"() ({
          %run_scoped3A = tpu.sem_alloc : memref<!tpu.dma_semaphore, #tpu.memory_space<semaphore_mem>>
          %dma_start3A_875 = arith.constant 9600 : i32
          %dma_start3A_876 = arith.constant 0 : i32
          %dma_start3A_877 = tpu.memref_slice %arg8[%dma_start3A_875, %dma_start3A_876] : memref<10000x128xbf16, #tpu.memory_space<hbm>> -> memref<400x128xbf16, #tpu.memory_space<hbm>>
          %dma_start3A_878 = arith.constant 9600 : i32
          %dma_start3A_879 = arith.constant 0 : i32
          %dma_start3A_880 = tpu.memref_slice %arg15[%dma_start3A_878, %dma_start3A_879] : memref<10000x128xbf16, #tpu.memory_space<vmem_shared>> -> memref<400x128xbf16, #tpu.memory_space<vmem_shared>>
          tpu.enqueue_dma source(%dma_start3A_880 : memref<400x128xbf16, #tpu.memory_space<vmem_shared>>) target(%dma_start3A_877 : memref<400x128xbf16, #tpu.memory_space<hbm>>) target_semaphore(%run_scoped3A : memref<!tpu.dma_semaphore, #tpu.memory_space<semaphore_mem>>)
          %dma_wait3A_881 = arith.constant 9600 : i32
          %dma_wait3A_882 = arith.constant 0 : i32
          %dma_wait3A_883 = tpu.memref_slice %arg8[%dma_wait3A_881, %dma_wait3A_882] : memref<10000x128xbf16, #tpu.memory_space<hbm>> -> memref<400x128xbf16, #tpu.memory_space<hbm>>
          %dma_wait3A_884 = arith.constant 9600 : i32
          %dma_wait3A_885 = arith.constant 0 : i32
          %dma_wait3A_886 = tpu.memref_slice %arg15[%dma_wait3A_884, %dma_wait3A_885] : memref<10000x128xbf16, #tpu.memory_space<vmem_shared>> -> memref<400x128xbf16, #tpu.memory_space<vmem_shared>>
          tpu.wait_dma2 semaphore(%run_scoped3A : memref<!tpu.dma_semaphore, #tpu.memory_space<semaphore_mem>>) src(%dma_wait3A_886 : memref<400x128xbf16, #tpu.memory_space<vmem_shared>>) dst(%dma_wait3A_883 : memref<400x128xbf16, #tpu.memory_space<hbm>>)
          tpu.yield
        }) : () -> ()
        "tpu.region"() ({
          %run_scoped3A = tpu.sem_alloc : memref<!tpu.dma_semaphore, #tpu.memory_space<semaphore_mem>>
          %dma_start3A_875 = arith.constant 9600 : i32
          %dma_start3A_876 = arith.constant 0 : i32
          %dma_start3A_877 = tpu.memref_slice %arg10[%dma_start3A_875, %dma_start3A_876] : memref<10000x16xf32, #tpu.memory_space<hbm>> -> memref<400x16xf32, #tpu.memory_space<hbm>>
          %dma_start3A_878 = arith.constant 9600 : i32
          %dma_start3A_879 = arith.constant 0 : i32
          %dma_start3A_880 = tpu.memref_slice %arg21[%dma_start3A_878, %dma_start3A_879] : memref<10000x16xf32, #tpu.memory_space<vmem_shared>> -> memref<400x16xf32, #tpu.memory_space<vmem_shared>>
          tpu.enqueue_dma source(%dma_start3A_880 : memref<400x16xf32, #tpu.memory_space<vmem_shared>>) target(%dma_start3A_877 : memref<400x16xf32, #tpu.memory_space<hbm>>) target_semaphore(%run_scoped3A : memref<!tpu.dma_semaphore, #tpu.memory_space<semaphore_mem>>)
          %dma_wait3A_881 = arith.constant 9600 : i32
          %dma_wait3A_882 = arith.constant 0 : i32
          %dma_wait3A_883 = tpu.memref_slice %arg10[%dma_wait3A_881, %dma_wait3A_882] : memref<10000x16xf32, #tpu.memory_space<hbm>> -> memref<400x16xf32, #tpu.memory_space<hbm>>
          %dma_wait3A_884 = arith.constant 9600 : i32
          %dma_wait3A_885 = arith.constant 0 : i32
          %dma_wait3A_886 = tpu.memref_slice %arg21[%dma_wait3A_884, %dma_wait3A_885] : memref<10000x16xf32, #tpu.memory_space<vmem_shared>> -> memref<400x16xf32, #tpu.memory_space<vmem_shared>>
          tpu.wait_dma2 semaphore(%run_scoped3A : memref<!tpu.dma_semaphore, #tpu.memory_space<semaphore_mem>>) src(%dma_wait3A_886 : memref<400x16xf32, #tpu.memory_space<vmem_shared>>) dst(%dma_wait3A_883 : memref<400x16xf32, #tpu.memory_space<hbm>>)
          tpu.yield
        }) : () -> ()
      } else {
      }
    } else {
    }
    return
  }
}

module attributes {stable_mosaic.version = 14 : i64} {
  func.func @_dense1_body(%arg0: memref<10000x128xbf16, #tpu.memory_space<vmem>>, %arg1: memref<10000x128xbf16, #tpu.memory_space<vmem>>, %arg2: memref<10000x16xf32, #tpu.memory_space<vmem>>, %arg3: memref<10000x16xf32, #tpu.memory_space<vmem>>, %arg4: memref<10000x128xf32, #tpu.memory_space<vmem>>, %arg5: memref<128x128xf32, #tpu.memory_space<vmem>>, %arg6: memref<1x128xf32, #tpu.memory_space<vmem>>, %arg7: memref<128x128xf32, #tpu.memory_space<vmem>>, %arg8: memref<1x128xf32, #tpu.memory_space<vmem>>, %arg9: memref<1x128xf32, #tpu.memory_space<vmem>>, %arg10: memref<128x64xf32, #tpu.memory_space<vmem>>, %arg11: memref<128x64xf32, #tpu.memory_space<vmem>>, %arg12: memref<10000x64xbf16, #tpu.memory_space<vmem>>, %arg13: memref<10000x64xf32, #tpu.memory_space<vmem>>, %arg14: memref<10000x1xf32, #tpu.memory_space<vmem>>) attributes {dimension_semantics = [], scalar_prefetch = 0 : i64, scratch_operands = 0 : i64, tpu.core_type = #tpu.core_type<tc>} {
    %get3A = arith.constant 0 : index
    %get3A_0 = arith.constant 0 : index
    %get3A_1 = vector.load %arg2[%get3A, %get3A_0] : memref<10000x16xf32, #tpu.memory_space<vmem>>, vector<10000x16xf32>
    %get3A_2 = arith.constant 0 : index
    %get3A_3 = arith.constant 0 : index
    %get3A_4 = vector.load %arg3[%get3A_2, %get3A_3] : memref<10000x16xf32, #tpu.memory_space<vmem>>, vector<10000x16xf32>
    %add3A = arith.addf %get3A_1, %get3A_4 : vector<10000x16xf32>
    %slice3A = vector.extract_strided_slice %add3A {offsets = [0, 0], sizes = [10000, 1], strides = [1, 1]} : vector<10000x16xf32> to vector<10000x1xf32>
    %max3A = arith.constant 1.000000e+00 : f32
    %max3A_5 = vector.broadcast %max3A : f32 to vector<10000x1xf32>
    %max3A_6 = arith.maximumf %slice3A, %max3A_5 : vector<10000x1xf32>
    %get3A_7 = arith.constant 0 : index
    %get3A_8 = arith.constant 0 : index
    %get3A_9 = vector.load %arg0[%get3A_7, %get3A_8] : memref<10000x128xbf16, #tpu.memory_space<vmem>>, vector<10000x128xbf16>
    %convert_element_type3A = arith.extf %get3A_9 : vector<10000x128xbf16> to vector<10000x128xf32>
    %get3A_10 = arith.constant 0 : index
    %get3A_11 = arith.constant 0 : index
    %get3A_12 = vector.load %arg1[%get3A_10, %get3A_11] : memref<10000x128xbf16, #tpu.memory_space<vmem>>, vector<10000x128xbf16>
    %convert_element_type3A_13 = arith.extf %get3A_12 : vector<10000x128xbf16> to vector<10000x128xf32>
    %add3A_14 = arith.addf %convert_element_type3A, %convert_element_type3A_13 : vector<10000x128xf32>
    %div3A = vector.broadcast %max3A_6 : vector<10000x1xf32> to vector<10000x128xf32>
    %div3A_15 = arith.divf %add3A_14, %div3A : vector<10000x128xf32>
    %get3A_16 = arith.constant 0 : index
    %get3A_17 = arith.constant 0 : index
    %get3A_18 = vector.load %arg5[%get3A_16, %get3A_17] : memref<128x128xf32, #tpu.memory_space<vmem>>, vector<128x128xf32>
    %dot_general3A = arith.constant dense<0.000000e+00> : vector<10000x128xf32>
    %dot_general3A_19 = tpu.matmul %div3A_15, %get3A_18, %dot_general3A {dimension_numbers = #tpu.dot_dimension_numbers<[1], [0], [0], [1], [0, 0, 1, 1], [], []>, transpose_lhs_hint = false} : vector<10000x128xf32>, vector<128x128xf32>, vector<10000x128xf32> -> vector<10000x128xf32>
    %get3A_20 = arith.constant 0 : index
    %get3A_21 = arith.constant 0 : index
    %get3A_22 = vector.load %arg6[%get3A_20, %get3A_21] : memref<1x128xf32, #tpu.memory_space<vmem>>, vector<1x128xf32>
    %add3A_23 = vector.broadcast %get3A_22 : vector<1x128xf32> to vector<10000x128xf32>
    %add3A_24 = arith.addf %dot_general3A_19, %add3A_23 : vector<10000x128xf32>
    %get3A_25 = arith.constant 0 : index
    %get3A_26 = arith.constant 0 : index
    %get3A_27 = vector.load %arg4[%get3A_25, %get3A_26] : memref<10000x128xf32, #tpu.memory_space<vmem>>, vector<10000x128xf32>
    %get3A_28 = arith.constant 0 : index
    %get3A_29 = arith.constant 0 : index
    %get3A_30 = vector.load %arg7[%get3A_28, %get3A_29] : memref<128x128xf32, #tpu.memory_space<vmem>>, vector<128x128xf32>
    %dot_general3A_31 = arith.constant dense<0.000000e+00> : vector<10000x128xf32>
    %dot_general3A_32 = tpu.matmul %get3A_27, %get3A_30, %dot_general3A_31 {dimension_numbers = #tpu.dot_dimension_numbers<[1], [0], [0], [1], [0, 0, 1, 1], [], []>, transpose_lhs_hint = false} : vector<10000x128xf32>, vector<128x128xf32>, vector<10000x128xf32> -> vector<10000x128xf32>
    %add3A_33 = arith.addf %add3A_24, %dot_general3A_32 : vector<10000x128xf32>
    %reduce_sum3A = arith.constant dense<0.000000e+00> : vector<128xf32>
    %reduce_sum3A_34 = vector.multi_reduction <add>, %add3A_33, %reduce_sum3A [0] : vector<10000x128xf32> to vector<128xf32>
    %broadcast_in_dim3A = vector.shape_cast %reduce_sum3A_34 : vector<128xf32> to vector<1x128xf32>
    %div3A_35 = arith.constant 1.000000e+04 : f32
    %div3A_36 = vector.broadcast %div3A_35 : f32 to vector<1x128xf32>
    %div3A_37 = arith.divf %broadcast_in_dim3A, %div3A_36 : vector<1x128xf32>
    %sub3A = vector.broadcast %div3A_37 : vector<1x128xf32> to vector<10000x128xf32>
    %sub3A_38 = arith.subf %add3A_33, %sub3A : vector<10000x128xf32>
    %integer_pow3A = arith.mulf %sub3A_38, %sub3A_38 : vector<10000x128xf32>
    %reduce_sum3A_39 = arith.constant dense<0.000000e+00> : vector<128xf32>
    %reduce_sum3A_40 = vector.multi_reduction <add>, %integer_pow3A, %reduce_sum3A_39 [0] : vector<10000x128xf32> to vector<128xf32>
    %broadcast_in_dim3A_41 = vector.shape_cast %reduce_sum3A_40 : vector<128xf32> to vector<1x128xf32>
    %div3A_42 = arith.constant 1.000000e+04 : f32
    %div3A_43 = vector.broadcast %div3A_42 : f32 to vector<1x128xf32>
    %div3A_44 = arith.divf %broadcast_in_dim3A_41, %div3A_43 : vector<1x128xf32>
    %sub3A_45 = vector.broadcast %div3A_37 : vector<1x128xf32> to vector<10000x128xf32>
    %sub3A_46 = arith.subf %add3A_33, %sub3A_45 : vector<10000x128xf32>
    %add3A_47 = arith.constant 9.99999974E-6 : f32
    %add3A_48 = vector.broadcast %add3A_47 : f32 to vector<1x128xf32>
    %add3A_49 = arith.addf %div3A_44, %add3A_48 : vector<1x128xf32>
    %sqrt3A = math.sqrt %add3A_49 : vector<1x128xf32>
    %div3A_50 = vector.broadcast %sqrt3A : vector<1x128xf32> to vector<10000x128xf32>
    %div3A_51 = arith.divf %sub3A_46, %div3A_50 : vector<10000x128xf32>
    %get3A_52 = arith.constant 0 : index
    %get3A_53 = arith.constant 0 : index
    %get3A_54 = vector.load %arg8[%get3A_52, %get3A_53] : memref<1x128xf32, #tpu.memory_space<vmem>>, vector<1x128xf32>
    %mul3A = vector.broadcast %get3A_54 : vector<1x128xf32> to vector<10000x128xf32>
    %mul3A_55 = arith.mulf %div3A_51, %mul3A : vector<10000x128xf32>
    %get3A_56 = arith.constant 0 : index
    %get3A_57 = arith.constant 0 : index
    %get3A_58 = vector.load %arg9[%get3A_56, %get3A_57] : memref<1x128xf32, #tpu.memory_space<vmem>>, vector<1x128xf32>
    %add3A_59 = vector.broadcast %get3A_58 : vector<1x128xf32> to vector<10000x128xf32>
    %add3A_60 = arith.addf %mul3A_55, %add3A_59 : vector<10000x128xf32>
    %max3A_61 = arith.constant 0.000000e+00 : f32
    %max3A_62 = vector.broadcast %max3A_61 : f32 to vector<10000x128xf32>
    %max3A_63 = arith.maximumf %add3A_60, %max3A_62 : vector<10000x128xf32>
    %get3A_64 = arith.constant 0 : index
    %get3A_65 = arith.constant 0 : index
    %get3A_66 = vector.load %arg10[%get3A_64, %get3A_65] : memref<128x64xf32, #tpu.memory_space<vmem>>, vector<128x64xf32>
    %dot_general3A_67 = arith.constant dense<0.000000e+00> : vector<10000x64xf32>
    %dot_general3A_68 = tpu.matmul %max3A_63, %get3A_66, %dot_general3A_67 {dimension_numbers = #tpu.dot_dimension_numbers<[1], [0], [0], [1], [0, 0, 1, 1], [], []>, transpose_lhs_hint = false} : vector<10000x128xf32>, vector<128x64xf32>, vector<10000x64xf32> -> vector<10000x64xf32>
    %convert_element_type3A_69 = arith.truncf %dot_general3A_68 : vector<10000x64xf32> to vector<10000x64xbf16>
    %swap3A = arith.constant 0 : index
    %swap3A_70 = arith.constant 0 : index
    %swap3A_71 = vector.load %arg12[%swap3A, %swap3A_70] : memref<10000x64xbf16, #tpu.memory_space<vmem>>, vector<10000x64xbf16>
    tpu.vector_store %arg12[%swap3A, %swap3A_70], %convert_element_type3A_69 {strides = array<i32>} : memref<10000x64xbf16, #tpu.memory_space<vmem>>, vector<10000x64xbf16>,
    %get3A_72 = arith.constant 0 : index
    %get3A_73 = arith.constant 0 : index
    %get3A_74 = vector.load %arg11[%get3A_72, %get3A_73] : memref<128x64xf32, #tpu.memory_space<vmem>>, vector<128x64xf32>
    %dot_general3A_75 = arith.constant dense<0.000000e+00> : vector<10000x64xf32>
    %dot_general3A_76 = tpu.matmul %max3A_63, %get3A_74, %dot_general3A_75 {dimension_numbers = #tpu.dot_dimension_numbers<[1], [0], [0], [1], [0, 0, 1, 1], [], []>, transpose_lhs_hint = false} : vector<10000x128xf32>, vector<128x64xf32>, vector<10000x64xf32> -> vector<10000x64xf32>
    %swap3A_77 = arith.constant 0 : index
    %swap3A_78 = arith.constant 0 : index
    %swap3A_79 = vector.load %arg13[%swap3A_77, %swap3A_78] : memref<10000x64xf32, #tpu.memory_space<vmem>>, vector<10000x64xf32>
    tpu.vector_store %arg13[%swap3A_77, %swap3A_78], %dot_general3A_76 {strides = array<i32>} : memref<10000x64xf32, #tpu.memory_space<vmem>>, vector<10000x64xf32>,
    %swap3A_80 = arith.constant 0 : index
    %swap3A_81 = arith.constant 0 : index
    %swap3A_82 = vector.load %arg14[%swap3A_80, %swap3A_81] : memref<10000x1xf32, #tpu.memory_space<vmem>>, vector<10000x1xf32>
    tpu.vector_store %arg14[%swap3A_80, %swap3A_81], %max3A_6 {strides = array<i32>} : memref<10000x1xf32, #tpu.memory_space<vmem>>, vector<10000x1xf32>,
    return
  }
}

module attributes {stable_mosaic.version = 14 : i64} {
  func.func @_dense2_body(%arg0: memref<10000x64xbf16, #tpu.memory_space<vmem>>, %arg1: memref<10000x64xbf16, #tpu.memory_space<vmem>>, %arg2: memref<10000x1xf32, #tpu.memory_space<vmem>>, %arg3: memref<10000x64xf32, #tpu.memory_space<vmem>>, %arg4: memref<1x64xf32, #tpu.memory_space<vmem>>, %arg5: memref<1x64xf32, #tpu.memory_space<vmem>>, %arg6: memref<1x64xf32, #tpu.memory_space<vmem>>, %arg7: memref<64x8xf32, #tpu.memory_space<vmem>>, %arg8: memref<1x8xf32, #tpu.memory_space<vmem>>, %arg9: memref<10000x8xf32, #tpu.memory_space<vmem>>) attributes {dimension_semantics = [], scalar_prefetch = 0 : i64, scratch_operands = 0 : i64, tpu.core_type = #tpu.core_type<tc>} {
    %get3A = arith.constant 0 : index
    %get3A_0 = arith.constant 0 : index
    %get3A_1 = vector.load %arg0[%get3A, %get3A_0] : memref<10000x64xbf16, #tpu.memory_space<vmem>>, vector<10000x64xbf16>
    %convert_element_type3A = arith.extf %get3A_1 : vector<10000x64xbf16> to vector<10000x64xf32>
    %get3A_2 = arith.constant 0 : index
    %get3A_3 = arith.constant 0 : index
    %get3A_4 = vector.load %arg1[%get3A_2, %get3A_3] : memref<10000x64xbf16, #tpu.memory_space<vmem>>, vector<10000x64xbf16>
    %convert_element_type3A_5 = arith.extf %get3A_4 : vector<10000x64xbf16> to vector<10000x64xf32>
    %add3A = arith.addf %convert_element_type3A, %convert_element_type3A_5 : vector<10000x64xf32>
    %get3A_6 = arith.constant 0 : index
    %get3A_7 = arith.constant 0 : index
    %get3A_8 = vector.load %arg2[%get3A_6, %get3A_7] : memref<10000x1xf32, #tpu.memory_space<vmem>>, vector<10000x1xf32>
    %div3A = vector.broadcast %get3A_8 : vector<10000x1xf32> to vector<10000x64xf32>
    %div3A_9 = arith.divf %add3A, %div3A : vector<10000x64xf32>
    %get3A_10 = arith.constant 0 : index
    %get3A_11 = arith.constant 0 : index
    %get3A_12 = vector.load %arg4[%get3A_10, %get3A_11] : memref<1x64xf32, #tpu.memory_space<vmem>>, vector<1x64xf32>
    %add3A_13 = vector.broadcast %get3A_12 : vector<1x64xf32> to vector<10000x64xf32>
    %add3A_14 = arith.addf %div3A_9, %add3A_13 : vector<10000x64xf32>
    %get3A_15 = arith.constant 0 : index
    %get3A_16 = arith.constant 0 : index
    %get3A_17 = vector.load %arg3[%get3A_15, %get3A_16] : memref<10000x64xf32, #tpu.memory_space<vmem>>, vector<10000x64xf32>
    %add3A_18 = arith.addf %add3A_14, %get3A_17 : vector<10000x64xf32>
    %reduce_sum3A = arith.constant dense<0.000000e+00> : vector<64xf32>
    %reduce_sum3A_19 = vector.multi_reduction <add>, %add3A_18, %reduce_sum3A [0] : vector<10000x64xf32> to vector<64xf32>
    %broadcast_in_dim3A = vector.shape_cast %reduce_sum3A_19 : vector<64xf32> to vector<1x64xf32>
    %div3A_20 = arith.constant 1.000000e+04 : f32
    %div3A_21 = vector.broadcast %div3A_20 : f32 to vector<1x64xf32>
    %div3A_22 = arith.divf %broadcast_in_dim3A, %div3A_21 : vector<1x64xf32>
    %sub3A = vector.broadcast %div3A_22 : vector<1x64xf32> to vector<10000x64xf32>
    %sub3A_23 = arith.subf %add3A_18, %sub3A : vector<10000x64xf32>
    %integer_pow3A = arith.mulf %sub3A_23, %sub3A_23 : vector<10000x64xf32>
    %reduce_sum3A_24 = arith.constant dense<0.000000e+00> : vector<64xf32>
    %reduce_sum3A_25 = vector.multi_reduction <add>, %integer_pow3A, %reduce_sum3A_24 [0] : vector<10000x64xf32> to vector<64xf32>
    %broadcast_in_dim3A_26 = vector.shape_cast %reduce_sum3A_25 : vector<64xf32> to vector<1x64xf32>
    %div3A_27 = arith.constant 1.000000e+04 : f32
    %div3A_28 = vector.broadcast %div3A_27 : f32 to vector<1x64xf32>
    %div3A_29 = arith.divf %broadcast_in_dim3A_26, %div3A_28 : vector<1x64xf32>
    %sub3A_30 = vector.broadcast %div3A_22 : vector<1x64xf32> to vector<10000x64xf32>
    %sub3A_31 = arith.subf %add3A_18, %sub3A_30 : vector<10000x64xf32>
    %add3A_32 = arith.constant 9.99999974E-6 : f32
    %add3A_33 = vector.broadcast %add3A_32 : f32 to vector<1x64xf32>
    %add3A_34 = arith.addf %div3A_29, %add3A_33 : vector<1x64xf32>
    %sqrt3A = math.sqrt %add3A_34 : vector<1x64xf32>
    %div3A_35 = vector.broadcast %sqrt3A : vector<1x64xf32> to vector<10000x64xf32>
    %div3A_36 = arith.divf %sub3A_31, %div3A_35 : vector<10000x64xf32>
    %get3A_37 = arith.constant 0 : index
    %get3A_38 = arith.constant 0 : index
    %get3A_39 = vector.load %arg5[%get3A_37, %get3A_38] : memref<1x64xf32, #tpu.memory_space<vmem>>, vector<1x64xf32>
    %mul3A = vector.broadcast %get3A_39 : vector<1x64xf32> to vector<10000x64xf32>
    %mul3A_40 = arith.mulf %div3A_36, %mul3A : vector<10000x64xf32>
    %get3A_41 = arith.constant 0 : index
    %get3A_42 = arith.constant 0 : index
    %get3A_43 = vector.load %arg6[%get3A_41, %get3A_42] : memref<1x64xf32, #tpu.memory_space<vmem>>, vector<1x64xf32>
    %add3A_44 = vector.broadcast %get3A_43 : vector<1x64xf32> to vector<10000x64xf32>
    %add3A_45 = arith.addf %mul3A_40, %add3A_44 : vector<10000x64xf32>
    %max3A = arith.constant 0.000000e+00 : f32
    %max3A_46 = vector.broadcast %max3A : f32 to vector<10000x64xf32>
    %max3A_47 = arith.maximumf %add3A_45, %max3A_46 : vector<10000x64xf32>
    %get3A_48 = arith.constant 0 : index
    %get3A_49 = arith.constant 0 : index
    %get3A_50 = vector.load %arg7[%get3A_48, %get3A_49] : memref<64x8xf32, #tpu.memory_space<vmem>>, vector<64x8xf32>
    %dot_general3A = arith.constant dense<0.000000e+00> : vector<10000x8xf32>
    %dot_general3A_51 = tpu.matmul %max3A_47, %get3A_50, %dot_general3A {dimension_numbers = #tpu.dot_dimension_numbers<[1], [0], [0], [1], [0, 0, 1, 1], [], []>, transpose_lhs_hint = false} : vector<10000x64xf32>, vector<64x8xf32>, vector<10000x8xf32> -> vector<10000x8xf32>
    %get3A_52 = arith.constant 0 : index
    %get3A_53 = arith.constant 0 : index
    %get3A_54 = vector.load %arg8[%get3A_52, %get3A_53] : memref<1x8xf32, #tpu.memory_space<vmem>>, vector<1x8xf32>
    %add3A_55 = vector.broadcast %get3A_54 : vector<1x8xf32> to vector<10000x8xf32>
    %add3A_56 = arith.addf %dot_general3A_51, %add3A_55 : vector<10000x8xf32>
    %swap3A = arith.constant 0 : index
    %swap3A_57 = arith.constant 0 : index
    %swap3A_58 = vector.load %arg9[%swap3A, %swap3A_57] : memref<10000x8xf32, #tpu.memory_space<vmem>>, vector<10000x8xf32>
    tpu.vector_store %arg9[%swap3A, %swap3A_57], %add3A_56 {strides = array<i32>} : memref<10000x8xf32, #tpu.memory_space<vmem>>, vector<10000x8xf32>,
    return
  }
}

</mosaic_0001>

<sc_bundles>
// kernel: kernel.6.cloned.1.call-start
scs
__scs_entry_jumppad:
0x0: {  	(pc) =	sbr.rel $0x88, $3  }
0x1: {  	(tag) =	ssettag $0x0;
	lr =	simm.s32 $0x1  }
0x2: {  	[smem:$0x3F93] =	sst lr;
	_ =	strace $0xD0000000  }
0x3: {  	_ = 	snop  }
0x4: {  	_ = 	snop  }
0x5: {  	_ = 	snop  }
0x6: {  	_ = 	snop  }
0x7: {  	_ = 	snop  }
__scs_overlays_trampoline_lowered:
0x8: {  	[smem:$0x3FA2] =	sst s0  }
0x9: {  	[smem:$0x3FA3] =	sst s1  }
0xa: {  	[smem:$0x3FA4] =	sst s2  }
0xb: {  	[smem:$0x3FA5] =	sst s3  }
0xc: {  	[smem:$0x3FA6] =	sst s4  }
0xd: {  	[smem:$0x3FA7] =	sst s5  }
0xe: {  	[smem:$0x3FA8] =	sst s6  }
0xf: {  	[smem:$0x3FA9] =	sst s7  }
0x10: {  	[smem:$0x3FAA] =	sst s8  }
0x11: {  	[smem:$0x3FAB] =	sst s9;
	s0 =	simm.s32 @!p0 $0x0  }
0x12: {  	s1 =	sld [smem:$0x3F91];
	s0 =	simm.s32 @p0 $0x1  }
0x13: {  	[smem:$0x3FAC] =	sst s0;
	s0 =	simm.s32 @!p1 $0x0  }
0x14: {  	s2 =	sld [smem:$0x3F90];
	s0 =	simm.s32 @p1 $0x1  }
0x15: {  	[smem:$0x3FAD] =	sst s0;
	s0 =	simm.s32 @!p2 $0x0  }
0x16: {  	s3 =	sld [smem:$0x3FDB];
	s0 =	simm.s32 @p2 $0x1  }
0x17: {  	s4 =	simm.s32 $0x1BF5;
	[smem:$0x3FAF] =	sst s0  }
0x18: {  	s0 =	sld [smem:$0x3F92];
	_ =	swait.ge [sflag:s4], $0x0  }
0x19: {  	s7 =	sld [smem:$0x3F93]  }
0x1a: {  	s8 =	sadd.s32 $0xFFFFE003, lr  }
0x1b: {  	s9 =	sadd.s32 $0xFFFFFEF7, lr;
	s5 =	simm.s32 $0xFFFFFFFF;
	p2 =	slt.u32 s8, $0xFFFFF086  }
0x1c: {  	p1 =	slt.u32 s9, $0xF7A;
	s5 =	simm.s32 @!p2 $0x0  }
0x1d: {  	s5 =	simm.s32 @p1 $0x1;
	p0 =	seq.s32 s7, s2  }
0x1e: {  	s7 =	smul.u32 @!p0 $0xF7A, s2;
	p2 =	seq.s32 @!p0 s5, $0x0  }
0x1f: {  	s9 =	smul.u32 $0xF7A, s1;
	s8 =	simm.s32 @!p0 $0x1BF5;
	p2 =	por !p2, p0  }
0x20: {  	[sflag:s8] =	ssyncset.s32 @!p0 $0xFFFFF086;
	s6 =	sadd.s32 @!p0 s3, s7;
	s7 =	simm.s32 @!p0 $0x108  }
0x21: {  	s3 =	sadd.s32 s3, s9;
	s6 =	sadd.s32 @!p0 $0x88, s6;
	s7 =	simm.s32 @p2 $0x1082  }
0x22: {  	[simem:s7], [sflag:s8] =	dma.local @!p0 [hbm:s6], $0xF7A  }
0x23: {  	s9 =	sor.u32 $0xD0000000, s2;
	s6 =	simm.s32 $0x108;
	_ =	swait.ge @!p0 [sflag:s8], $0x0  }
0x24: {  	s3 =	sadd.s32 $0x88, s3;
	s6 =	simm.s32 @!p1 $0x1082;
	[sflag:s4] =	ssyncset.s32 $0xFFFFF086  }
0x25: {  	[simem:s6], [sflag:s4] =	dma.local [hbm:s3], $0xF7A  }
0x26: {  	[smem:$0x3F93] =	sst s1;
	(tag) =	ssettag s2;
	_ =	strace s9  }
0x27: {  	s1 =	sld [smem:$0x3FA3]  }
0x28: {  	s2 =	sld [smem:$0x3FA4]  }
0x29: {  	s4 =	sld [smem:$0x3FA6]  }
0x2a: {  	p0 =	seq.s32 s5, $0x0;
	s5 =	sld [smem:$0x3FA7]  }
0x2b: {  	s6 =	sld [smem:$0x3FA8]  }
0x2c: {  	s7 =	sld [smem:$0x3FA9]  }
0x2d: {  	s3 =	simm.s32 $0x108;
	s8 =	sld [smem:$0x3FAA]  }
0x2e: {  	s3 =	simm.s32 @!p0 $0x1082;
	s9 =	sld [smem:$0x3FAB]  }
0x2f: {  	lr =	sadd.s32 s0, s3;
	s0 =	sld [smem:$0x3FA2]  }
0x30: {  	s3 =	sld [smem:$0x3FA5]  }
0x31: {  	[smem:$0x3FAE] =	sst s10  }
0x32: {  	s10 =	sld [smem:$0x3FAC];
	_ =	sdelay $0x3  }
0x33: {  	p0 =	seq.s32 s10, $0x1;
	s10 =	sld [smem:$0x3FAE];
	_ =	sdelay $0x3  }
0x34: {  	[smem:$0x3FAE] =	sst s10  }
0x35: {  	s10 =	sld [smem:$0x3FAD];
	_ =	sdelay $0x3  }
0x36: {  	p1 =	seq.s32 s10, $0x1;
	s10 =	sld [smem:$0x3FAE];
	_ =	sdelay $0x3  }
0x37: {  	[smem:$0x3FAE] =	sst s10  }
0x38: {  	s10 =	sld [smem:$0x3FAF]  }
0x39: {  	_ = 	snop;
	(pc) =	sbr.ind lr, $3  }
0x3a: {  	_ = 	snop  }
0x3b: {  	_ = 	snop  }
0x3c: {  	p2 =	seq.s32 s10, $0x1;
	s10 =	sld [smem:$0x3FAE]  }
0x3d: {  	_ =	shalt  }
0x3e: {  	_ =	shalt  }
0x3f: {  	_ =	shalt  }
0x40: {  	_ =	shalt  }
0x41: {  	_ =	shalt  }
0x42: {  	_ =	shalt  }
0x43: {  	_ =	shalt  }
0x44: {  	_ =	shalt  }
0x45: {  	_ =	shalt  }
0x46: {  	_ =	shalt  }
0x47: {  	_ =	shalt  }
0x48: {  	_ =	shalt  }
0x49: {  	_ =	shalt  }
0x4a: {  	_ =	shalt  }
0x4b: {  	_ =	shalt  }
0x4c: {  	_ =	shalt  }
0x4d: {  	_ =	shalt  }
0x4e: {  	_ =	shalt  }
0x4f: {  	_ =	shalt  }
0x50: {  	_ =	shalt  }
0x51: {  	_ =	shalt  }
0x52: {  	_ =	shalt  }
0x53: {  	_ =	shalt  }
0x54: {  	_ =	shalt  }
0x55: {  	_ =	shalt  }
0x56: {  	_ =	shalt  }
0x57: {  	_ =	shalt  }
0x58: {  	_ =	shalt  }
0x59: {  	_ =	shalt  }
0x5a: {  	_ =	shalt  }
0x5b: {  	_ =	shalt  }
0x5c: {  	_ =	shalt  }
0x5d: {  	_ =	shalt  }
0x5e: {  	_ =	shalt  }
0x5f: {  	_ =	shalt  }
0x60: {  	_ =	shalt  }
0x61: {  	_ =	shalt  }
0x62: {  	_ =	shalt  }
0x63: {  	_ =	shalt  }
0x64: {  	_ =	shalt  }
0x65: {  	_ =	shalt  }
0x66: {  	_ =	shalt  }
0x67: {  	_ =	shalt  }
0x68: {  	_ =	shalt  }
0x69: {  	_ =	shalt  }
0x6a: {  	_ =	shalt  }
0x6b: {  	_ =	shalt  }
0x6c: {  	_ =	shalt  }
0x6d: {  	_ =	shalt  }
0x6e: {  	_ =	shalt  }
0x6f: {  	_ =	shalt  }
0x70: {  	_ =	shalt  }
0x71: {  	_ =	shalt  }
0x72: {  	_ =	shalt  }
0x73: {  	_ =	shalt  }
0x74: {  	_ =	shalt  }
0x75: {  	_ =	shalt  }
0x76: {  	_ =	shalt  }
0x77: {  	_ =	shalt  }
0x78: {  	_ =	shalt  }
0x79: {  	_ =	shalt  }
0x7a: {  	_ =	shalt  }
0x7b: {  	_ =	shalt  }
0x7c: {  	_ =	shalt  }
0x7d: {  	_ =	shalt  }
0x7e: {  	_ =	shalt  }
0x7f: {  	_ =	shalt  }
0x80: {  	_ =	shalt  }
0x81: {  	_ =	shalt  }
0x82: {  	_ =	shalt  }
0x83: {  	_ =	shalt  }
0x84: {  	_ =	shalt  }
0x85: {  	_ =	shalt  }
0x86: {  	_ =	shalt  }
0x87: {  	_ =	shalt  }
.Lfunc_end0:
.L_simem_size_0:
called_computation_lowered:
.L_overlay_start_0:
0x88: {  	s2 =	sld [smem:$0x3FD9]  }
0x89: {  	s3 =	sld [smem:$0x3FFE];
	_ =	sdelay $0x1  }
0x8a: {  	s1 =	srdreg.scid  }
0x8b: {  	s0 =	sand.u32 $0x1, s1  }
0x8c: {  	s16 =	sshll.u32 s0, $0xA;
	s2 =	sadd.s32 s3, s2  }
0x8d: {  	s2 =	sadd.s32 s2, s16  }
0x8e: {  	[smem:$0x3FBA] =	sst s2  }
0x8f: {  	_ = 	snop  }
0x90: {  	(tm) =	ssettm $0x1  }
0x91: {  	s17 =	sld [smem:$0x3FFB];
	_ =	sdelay $0x3  }
0x92: {  	_ =	strace s17  }
0x93: {  	s2 =	sld [smem:$0x3FFC];
	_ =	sdelay $0x3  }
0x94: {  	_ =	strace s2  }
0x95: {  	s2 =	sld [smem:$0x3FFD];
	_ =	sdelay $0x3  }
0x96: {  	_ =	strace s2  }
0x97: {  	_ =	strace $0x8FFFFFFF  }
0x98: {  	s18 =	sld [smem:$0x3FDB];
	_ =	sdelay $0x1  }
0x99: {  	s19 =	simm.s32 $_scs_section_size  }
0x9a: {  	s4 =	simm.s32 $_size__tile_overlayer_lowered;
	s5 =	simm.s32 $_tile_overlayer_lowered  }
0x9b: {  	s22 =	simm.s32 $0x1BFF;
	s21 =	sshll.u32 s5, $0x1;
	s2 =	sadd.s32 s19, s18  }
0x9c: {  	s6 =	simm.s32 $0x0;
	s20 =	sshll.u32 s4, $0x1;
	s4 =	sadd.s32 s21, s2  }
0x9d: {  	[timem:s6], [sflag:s22] =	dma.local [hbm:s4], s20  }
0x9e: {  	_ =	swait.ge [sflag:s22], s20  }
0x9f: {  	s3 =	ssub.s32 $0x0, s20;
	[sflag:s22] =	ssyncset.done $0x0  }
0xa0: {  	[sflag:s22] =	ssyncadd.s32 s3;
	_ =	sdelay $0x1  }
0xa1: {  	s23 =	simm.s32 $0x1B8B  }
0xa2: {  	_ =	swait.ge [sflag:s23], $0x1  }
0xa3: {  	[sflag:s23] =	ssyncset.done $0x0  }
0xa4: {  	s25 =	simm.s32 $0x1B8E;
	s24 =	sld [smem:$0x3FFE];
	[sflag:s23] =	ssyncadd.s32 $0xFFFFFFFF  }
0xa5: {  	s26 =	simm.s32 $execute0_lowered;
	[smem:$0x3FD2] =	sst s25  }
0xa6: {  	s4 =	sshll.u32 s26, $0x1;
	_ =	strace $0x80000046;
	[dreg:$0x1] =	wrdreg $0xFFFFFFFF  }
0xa7: {  	s28 =	simm.s32 $_size_execute0_lowered;
	s2 =	sadd.s32 s2, s4;
	[dreg:$0x0] =	wrdreg $0x0  }
0xa8: {  	s4 =	sshll.u32 s28, $0x1;
	[dreg:$0x2] =	wrdreg s2  }
0xa9: {  	[dreg:$0x3] =	wrdreg s4  }
0xaa: {  	[dreg:$0x4] =	wrdreg $0xC0  }
0xab: {  	_ =	task [dreg:s6], $0x5FFFF  }
0xac: {  	[dreg:$0x1] =	wrdreg $0xFFFFFFFF  }
0xad: {  	[dreg:$0x0] =	wrdreg $0x60  }
0xae: {  	[dreg:$0x2] =	wrdreg s24  }
0xaf: {  	[dreg:$0x3] =	wrdreg $0x50A00  }
0xb0: {  	[dreg:$0x4] =	wrdreg $0xF1E00  }
0xb1: {  	[dreg:$0x5] =	wrdreg $0x9  }
0xb2: {  	_ =	task.clear_ibuf [dreg:s6], $0x6FFFF;
	_ =	strace $0x90000046  }
0xb3: {  	s29 =	simm.s32 $0x9;
	_ =	strace $0x80000048  }
0xb4: {  	_ =	swait.ge [sflag:s29], $0x1  }
0xb5: {  	[sflag:s29] =	ssyncadd.s32 $0xFFFFFFFF  }
0xb6: {  	_ =	strace $0x90000048  }
0xb7: {  	_ =	sfence  }
0xb8: {  	s30 =	sld [smem:$0x0];
	_ =	sdelay $0x2  }
0xb9: {  	s31 =	sshll.u32 s1, $0xD;
	s1 =	sshrl.u32 s1, $0x2  }
0xba: {  	s3 =	sand.u32 $0x4000, s31;
	s1 =	sadd.s32 s1, s30  }
0xbb: {  	s0 =	sor.u32 s3, s0;
	s1 =	sshll.u32 s1, $0x11  }
0xbc: {  	s0 =	sor.u32 s1, s0  }
0xbd: {  	s0 =	sadd.s32 $0x8F2B, s0  }
0xbe: {  	[sflag:s0] =	ssyncadd.remote.s32 $0x1  }
0xbf: {  	_ =	sfence.sel $0xFFFF  }
0xc0: {  	[dreg:$0x0] =	wrdreg $0xFFFFFFFF;
	(pc) =	sbr.abs _section_cstart, $3  }
0xc1: {  	[dreg:$0x1] =	wrdreg $0xFFFFFFFF  }
0xc2: {  	_ =	task.clear_ibuf [dreg:s6], $0x2FFFF;
	_ =	strace $0x9FFFFFFF  }
0xc3: {  	(tm) =	ssettm $0x7FFFFFFF  }
tec
execute0_lowered:
.L_overlay_start_1:
0x0: {  	(tag) =	ssettag $0x1  }
0x1: {  	s0 =	rddreg [dreg:$0x0]  }
0x2: {  	s2 =	rddreg [dreg:$0x1]  }
0x3: {  	s1 =	srdreg.scid;
	s3 =	rddreg [dreg:$0x2];
	s4 =	simm.s32 $0x0  }
0x4: {  	s28 =	simm.s32 $0x2710;
	s29 =	simm.s32 $0x50;
	s30 =	simm.s32 $0x28A0  }
0x5: {  	s31 =	simm.s32 $0x3CA0;
	s7 =	sand.u32 $0x1, s1;
	s1 =	stileid.u32  }
0x6: {  	[smem:$0x7FF] =	sst s4;
	s13 =	sadd.s32 $0x2C00, s0;
	s18 =	sadd.s32 $0x29400, s0  }
0x7: {  	s24 =	sadd.s32 $0x69200, s0;
	s5 =	sshll.u32 s7, $0x4;
	s6 =	smul.u32 $0x14000, s1  }
0x8: {  	_ =	strace $0x80000047;
	s8 =	smul.u32 $0x2800, s1;
	s12 =	ssub.s32 $0x2, s7  }
0x9: {  	[dreg:$0x6] =	wrdreg s18;
	p4 =	seq.s32 s7, $0x1;
	s7 =	smul.u32 $0x4E20, s7  }
0xa: {  	s25 =	sadd.s32 $0x73B00, s0;
	s21 =	smul.u32 $0x4E2, s1;
	[dreg:$0xe] =	wrdreg s24  }
0xb: {  	[dreg:$0xf] =	wrdreg s25;
	p0 =	seq.s32 s1, $0xF;
	s18 =	simm.s32 $0x0  }
0xc: {  	s5 =	sor.u32 s1, s5;
	s15 =	sshrl.u32 s12, $0x1;
	p1 =	por !p4, !p0  }
0xd: {  	p2 =	por p4, !p0;
	p3 =	por !p4, p0;
	p4 =	por p4, p0  }
0xe: {  	s9 =	smul.u32 $0x4E2, s5;
	s5 =	sadd.s32 $0x2A200, s0;
	s10 =	sshrl.u32 s6, $0x4  }
0xf: {  	s26 =	sshrl.u32 s8, $0x3;
	s15 =	ssub.s32 s12, s15;
	s6 =	sshrl.u32 s6, $0x1  }
0x10: {  	s8 =	sadd.s32 s8, s3;
	s7 =	sadd.s32 s7, s13;
	s14 =	sadd.s32 s10, s0  }
0x11: {  	s16 =	sadd.s32 s26, s0;
	s6 =	sadd.s32 s6, s2;
	s10 =	sadd.s32 $0x96000, s2  }
0x12: {  	s7 =	sadd.s32 s21, s7;
	s26 =	sadd.s32 $0x55800, s0;
	s24 =	smax.u32 s15, $0x1  }
0x13: {  	s15 =	simm.s32 $0x27B0;
	s11 =	sadd.s32 s9, s0;
	s12 =	sadd.s32 $0x16800, s14  }
0x14: {  	s17 =	sadd.s32 $0x3DC00, s16;
	s9 =	sadd.s32 s13, s9;
	[dreg:$0x10] =	wrdreg s26  }
0x15: {  	s19 =	sadd.s32 $0x56600, s14;
	s20 =	sadd.s32 $0x6F000, s16;
	[dreg:$0x4] =	wrdreg s12  }
0x16: {  	s22 =	sadd.s32 $0x42C00, s14;
	s23 =	sadd.s32 $0x6A000, s16;
	[dreg:$0x5] =	wrdreg s17  }
0x17: {  	s25 =	sadd.s32 $0x32, s7;
	s26 =	simm.s32 $0x5;
	[dreg:$0x9] =	wrdreg s9  }
0x18: {  	s7 =	simm.s32 $0xECE0;
	s13 =	simm.s32 $0x2760;
	[dreg:$0xa] =	wrdreg s19  }
0x19: {  	s14 =	simm.s32 $0x4;
	s16 =	simm.s32 $0x2800;
	[dreg:$0xb] =	wrdreg s20  }
0x1a: {  	s12 =	sadd.s32 $0x25800, s3;
	s17 =	sadd.s32 $0x42700, s0;
	[dreg:$0xc] =	wrdreg s22  }
0x1b: {  	s11 =	sadd.s32 $0xCA00, s11;
	[dreg:$0xd] =	wrdreg s23;
	s23 =	sadd.s32 $0x6EB00, s0  }
0x1c: {  	s0 =	simm.s32 $0x1;
	s9 =	simm.s32 $0x3;
	[dreg:$0x7] =	wrdreg s17  }
0x1d: {  	v0 =	vimm.f32 $1.000000000e+00;
	[dreg:$0x8] =	wrdreg s11;
	s11 =	simm.s32 $0x2;
	s17 =	simm.s32 $0x2850  }
.LBB2_1:
0x1e: {  	s19 =	sshrl.u32 @p0 s10, $0x3;
	s20 =	simm.s32 @p0 $0x1FC5;
	s21 =	rddreg [dreg:$0x6]  }
0x1f: {  	[spmem:s19], [sflag:s20] =	dma.local @p0 [hbm:s21], $0xC80  }
0x20: {  	s19 =	simm.s32 @p0 $0x5  }
0x21: {  	_ =	swait.ge @p0 [sflag:s19], $0xC80  }
0x22: {  	[sflag:s19] =	ssyncset.done @p0 $0x0  }
0x23: {  	s21 =	sshrl.u32 @p0 s12, $0x3;
	s22 =	rddreg [dreg:$0x7];
	[sflag:s19] =	ssyncadd.s32 @p0 $0xFFFFF380  }
0x24: {  	[spmem:s21], [sflag:s20] =	dma.local @p0 [hbm:s22], $0x320  }
0x25: {  	_ =	swait.ge @p0 [sflag:s19], $0x320  }
0x26: {  	s20 =	sshll.u32 @!p0 s1, $0x6;
	[sflag:s19] =	ssyncset.done @p0 $0x0;
	s21 =	rddreg [dreg:$0x4]  }
0x27: {  	[sflag:s19] =	ssyncadd.s32 @p0 $0xFFFFFCE0;
	s19 =	sor.u32 @!p0 $0x1C05, s20;
	s20 =	sshrl.u32 @!p0 s6, $0x3  }
0x28: {  	[spmem:s20], [sflag:s19] =	dma.local @!p0 [hbm:s21], $0x1400  }
0x29: {  	s20 =	simm.s32 @!p0 $0x5  }
0x2a: {  	_ =	swait.ge @!p0 [sflag:s20], $0x1400  }
0x2b: {  	[sflag:s20] =	ssyncset.done @!p0 $0x0  }
0x2c: {  	s21 =	sshrl.u32 @!p0 s8, $0x3;
	s22 =	rddreg [dreg:$0x5];
	[sflag:s20] =	ssyncadd.s32 @!p0 $0xFFFFEC00  }
0x2d: {  	[spmem:s21], [sflag:s19] =	dma.local @!p0 [hbm:s22], $0x500  }
0x2e: {  	_ =	swait.ge @!p0 [sflag:s20], $0x500  }
0x2f: {  	[sflag:s20] =	ssyncset.done @!p0 $0x0  }
0x30: {  	s22 =	rddreg [dreg:$0x8];
	[sflag:s20] =	ssyncadd.s32 @!p0 $0xFFFFFB00  }
0x31: {  	[tilespmem:s4], [sflag:$0x5] =	stream.linear.gather [hbm4b:s22+s4], $0x2710, $0x38;
	[tilespmem:$0x118F0] =	vst v63  }
0x32: {  	_ =	swait.ge [sflag:s26], $0x2710  }
0x33: {  	[sflag:s26] =	ssyncset.done $0x0  }
0x34: {  	[sflag:s26] =	ssyncadd.s32 $0xFFFFD8F0  }
0x35: {  	[tilespmem:$0xECE0] =	vst v0  }
0x36: {  	[tilespmem:$0xECF0] =	vst v0  }
0x37: {  	[tilespmem:$0xED00] =	vst v0  }
0x38: {  	[tilespmem:$0xED10] =	vst v0  }
0x39: {  	[tilespmem:$0xED20] =	vst v0  }
0x3a: {  	[tilespmem:$0xED30] =	vst v0  }
0x3b: {  	[tilespmem:$0xED40] =	vst v0  }
0x3c: {  	[tilespmem:$0xED50] =	vst v0  }
0x3d: {  	[tilespmem:$0xED60] =	vst v0  }
0x3e: {  	[tilespmem:$0xED70] =	vst v0  }
0x3f: {  	[tilespmem:$0xED80] =	vst v0  }
0x40: {  	[tilespmem:$0xED90] =	vst v0  }
0x41: {  	[tilespmem:$0xEDA0] =	vst v0  }
0x42: {  	[tilespmem:$0xEDB0] =	vst v0  }
0x43: {  	[tilespmem:$0xEDC0] =	vst v0  }
0x44: {  	[tilespmem:$0xEDD0] =	vst v0  }
0x45: {  	[tilespmem:$0xEDE0] =	vst v0  }
0x46: {  	[tilespmem:$0xEDF0] =	vst v0  }
0x47: {  	[tilespmem:$0xEE00] =	vst v0  }
0x48: {  	[tilespmem:$0xEE10] =	vst v0  }
0x49: {  	[tilespmem:$0xEE20] =	vst v0  }
0x4a: {  	[tilespmem:$0xEE30] =	vst v0  }
0x4b: {  	[tilespmem:$0xEE40] =	vst v0  }
0x4c: {  	[tilespmem:$0xEE50] =	vst v0  }
0x4d: {  	[tilespmem:$0xEE60] =	vst v0  }
0x4e: {  	[tilespmem:$0xEE70] =	vst v0  }
0x4f: {  	[tilespmem:$0xEE80] =	vst v0  }
0x50: {  	[tilespmem:$0xEE90] =	vst v0  }
0x51: {  	[tilespmem:$0xEEA0] =	vst v0  }
0x52: {  	[tilespmem:$0xEEB0] =	vst v0  }
0x53: {  	[tilespmem:$0xEEC0] =	vst v0  }
0x54: {  	[tilespmem:$0xEED0] =	vst v0  }
0x55: {  	[tilespmem:$0xEEE0] =	vst v0  }
0x56: {  	[tilespmem:$0xEEF0] =	vst v0  }
0x57: {  	[tilespmem:$0xEF00] =	vst v0  }
0x58: {  	[tilespmem:$0xEF10] =	vst v0  }
0x59: {  	[tilespmem:$0xEF20] =	vst v0  }
0x5a: {  	[tilespmem:$0xEF30] =	vst v0  }
0x5b: {  	[tilespmem:$0xEF40] =	vst v0  }
0x5c: {  	[tilespmem:$0xEF50] =	vst v0  }
0x5d: {  	[tilespmem:$0xEF60] =	vst v0  }
0x5e: {  	[tilespmem:$0xEF70] =	vst v0  }
0x5f: {  	[tilespmem:$0xEF80] =	vst v0  }
0x60: {  	[tilespmem:$0xEF90] =	vst v0  }
0x61: {  	[tilespmem:$0xEFA0] =	vst v0  }
0x62: {  	[tilespmem:$0xEFB0] =	vst v0  }
0x63: {  	[tilespmem:$0xEFC0] =	vst v0  }
0x64: {  	[tilespmem:$0xEFD0] =	vst v0  }
0x65: {  	[tilespmem:$0xEFE0] =	vst v0  }
0x66: {  	[tilespmem:$0xEFF0] =	vst v0  }
0x67: {  	[tilespmem:$0xF000] =	vst v0  }
0x68: {  	[tilespmem:$0xF010] =	vst v0  }
0x69: {  	[tilespmem:$0xF020] =	vst v0  }
0x6a: {  	[tilespmem:$0xF030] =	vst v0  }
0x6b: {  	[tilespmem:$0xF040] =	vst v0  }
0x6c: {  	[tilespmem:$0xF050] =	vst v0  }
0x6d: {  	[tilespmem:$0xF060] =	vst v0  }
0x6e: {  	[tilespmem:$0xF070] =	vst v0  }
0x6f: {  	[tilespmem:$0xF080] =	vst v0  }
0x70: {  	[tilespmem:$0xF090] =	vst v0  }
0x71: {  	[tilespmem:$0xF0A0] =	vst v0  }
0x72: {  	[tilespmem:$0xF0B0] =	vst v0  }
0x73: {  	[tilespmem:$0xF0C0] =	vst v0  }
0x74: {  	[tilespmem:$0xF0D0] =	vst v0  }
0x75: {  	[tilespmem:$0xF0E0] =	vst v0  }
0x76: {  	[tilespmem:$0xF0F0] =	vst v0  }
0x77: {  	[tilespmem:$0xF100] =	vst v0  }
0x78: {  	[tilespmem:$0xF110] =	vst v0  }
0x79: {  	[tilespmem:$0xF120] =	vst v0  }
0x7a: {  	[tilespmem:$0xF130] =	vst v0  }
0x7b: {  	[tilespmem:$0xF140] =	vst v0  }
0x7c: {  	[tilespmem:$0xF150] =	vst v0  }
0x7d: {  	[tilespmem:$0xF160] =	vst v0  }
0x7e: {  	[tilespmem:$0xF170] =	vst v0  }
0x7f: {  	[tilespmem:$0xF180] =	vst v0  }
0x80: {  	[tilespmem:$0xF190] =	vst v0  }
0x81: {  	[tilespmem:$0xF1A0] =	vst v0  }
0x82: {  	[tilespmem:$0xF1B0] =	vst v0  }
0x83: {  	[tilespmem:$0xF1C0] =	vst v0  }
0x84: {  	[tilespmem:$0xF1D0] =	vst v0  }
0x85: {  	[bflag:$0x0] =	sbarrier.arrive $0xFFFF  }
0x86: {  	s20 =	rddreg [dreg:$0x9]  }
0x87: {  	[tilespmem:s28], [sflag:$0x5] =	stream.linear.gather [hbm4b:s20+s4], $0x190, $0x38;
	[tilespmem:$0x118F0] =	vst v63  }
0x88: {  	_ =	swait.ge [sflag:s26], $0x190  }
0x89: {  	[sflag:s26] =	ssyncset.done $0x0  }
0x8a: {  	[sflag:s26] =	ssyncadd.s32 $0xFFFFFE70  }
0x8b: {  	[tilespmem:s30], [sflag:$0x1] =	stream.indirect.gather [hbm4b:s5+s29], $0x40, s4, s29, $0xb8;
	[tilespmem:$0x118F0] =	vst v63  }
0x8c: {  	_ = 	snop  }
0x8d: {  	[tilespmem:s31], [sflag:$0x2] =	stream.indirect.gather [hbm4b:s5+s29], $0x40, s29, s29, $0xb8;
	[tilespmem:$0x118F0] =	vst v63  }
0x8e: {  	_ =	swait.ge [sflag:s0], $0x1400  }
0x8f: {  	[sflag:s0] =	ssyncset.done $0x0  }
0x90: {  	[sflag:s0] =	ssyncadd.s32 $0xFFFFEC00  }
0x91: {  	[spmem:s2] =	stream.indirect.scatter.add.bf16 [tilespmem:s30], [sflag:$0x3], $0x40, s28, s29, $0xb8;
	[tilespmem:$0x118F0] =	vst v63  }
0x92: {  	_ = 	snop  }
0x93: {  	[spmem:s3] =	stream.indirect.scatter.add.f32 [tilespmem:s7], [sflag:$0x3], $0x10, s28, s29, $0xb8;
	[tilespmem:$0x118F0] =	vst v63  }
0x94: {  	_ =	swait.ge [sflag:s9], $0x1400  }
0x95: {  	[sflag:s9] =	ssyncset.done $0x0  }
0x96: {  	[sflag:s9] =	ssyncadd.s32 $0xFFFFEC00  }
0x97: {  	_ =	swait.ge [sflag:s9], $0x500  }
0x98: {  	[sflag:s9] =	ssyncset.done $0x0  }
0x99: {  	s21 =	simm.s32 $0xA0;
	[sflag:s9] =	ssyncadd.s32 $0xFFFFFB00  }
0x9a: {  	[tilespmem:s30], [sflag:$0x1] =	stream.indirect.gather [hbm4b:s5+s29], $0x40, s21, s29, $0xb8;
	[tilespmem:$0x118F0] =	vst v63  }
0x9b: {  	_ =	swait.ge [sflag:s11], $0x1400  }
0x9c: {  	[sflag:s11] =	ssyncset.done $0x0  }
0x9d: {  	[sflag:s11] =	ssyncadd.s32 $0xFFFFEC00  }
0x9e: {  	[spmem:s2] =	stream.indirect.scatter.add.bf16 [tilespmem:s31], [sflag:$0x4], $0x40, s13, s29, $0xb8;
	[tilespmem:$0x118F0] =	vst v63  }
0x9f: {  	_ = 	snop  }
0xa0: {  	[spmem:s3] =	stream.indirect.scatter.add.f32 [tilespmem:s7], [sflag:$0x4], $0x10, s13, s29, $0xb8;
	[tilespmem:$0x118F0] =	vst v63  }
0xa1: {  	_ =	swait.ge [sflag:s14], $0x1400  }
0xa2: {  	[sflag:s14] =	ssyncset.done $0x0  }
0xa3: {  	[sflag:s14] =	ssyncadd.s32 $0xFFFFEC00  }
0xa4: {  	_ =	swait.ge [sflag:s14], $0x500  }
0xa5: {  	[sflag:s14] =	ssyncset.done $0x0  }
0xa6: {  	s22 =	simm.s32 $0xF0;
	[sflag:s14] =	ssyncadd.s32 $0xFFFFFB00  }
0xa7: {  	[tilespmem:s31], [sflag:$0x2] =	stream.indirect.gather [hbm4b:s5+s29], $0x40, s22, s29, $0xb8;
	[tilespmem:$0x118F0] =	vst v63  }
0xa8: {  	_ =	swait.ge [sflag:s0], $0x1400  }
0xa9: {  	[sflag:s0] =	ssyncset.done $0x0  }
0xaa: {  	[sflag:s0] =	ssyncadd.s32 $0xFFFFEC00  }
0xab: {  	[spmem:s2] =	stream.indirect.scatter.add.bf16 [tilespmem:s30], [sflag:$0x3], $0x40, s15, s29, $0xb8;
	[tilespmem:$0x118F0] =	vst v63  }
0xac: {  	_ = 	snop  }
0xad: {  	[spmem:s3] =	stream.indirect.scatter.add.f32 [tilespmem:s7], [sflag:$0x3], $0x10, s15, s29, $0xb8;
	[tilespmem:$0x118F0] =	vst v63  }
0xae: {  	_ =	swait.ge [sflag:s9], $0x1400  }
0xaf: {  	[sflag:s9] =	ssyncset.done $0x0  }
0xb0: {  	[sflag:s9] =	ssyncadd.s32 $0xFFFFEC00  }
0xb1: {  	_ =	swait.ge [sflag:s9], $0x500  }
0xb2: {  	[sflag:s9] =	ssyncset.done $0x0  }
0xb3: {  	s20 =	simm.s32 $0x140;
	[sflag:s9] =	ssyncadd.s32 $0xFFFFFB00  }
0xb4: {  	[tilespmem:s30], [sflag:$0x1] =	stream.indirect.gather [hbm4b:s5+s29], $0x40, s20, s29, $0xb8;
	[tilespmem:$0x118F0] =	vst v63  }
0xb5: {  	_ =	swait.ge [sflag:s11], $0x1400  }
0xb6: {  	[sflag:s11] =	ssyncset.done $0x0  }
0xb7: {  	[sflag:s11] =	ssyncadd.s32 $0xFFFFEC00  }
0xb8: {  	[spmem:s2] =	stream.indirect.scatter.add.bf16 [tilespmem:s31], [sflag:$0x4], $0x40, s16, s29, $0xb8;
	[tilespmem:$0x118F0] =	vst v63  }
0xb9: {  	_ = 	snop  }
0xba: {  	[spmem:s3] =	stream.indirect.scatter.add.f32 [tilespmem:s7], [sflag:$0x4], $0x10, s16, s29, $0xb8;
	[tilespmem:$0x118F0] =	vst v63  }
0xbb: {  	_ =	swait.ge [sflag:s0], $0x1400  }
0xbc: {  	[sflag:s0] =	ssyncset.done $0x0  }
0xbd: {  	[sflag:s0] =	ssyncadd.s32 $0xFFFFEC00  }
0xbe: {  	[spmem:s2] =	stream.indirect.scatter.add.bf16 [tilespmem:s30], [sflag:$0x3], $0x40, s17, s29, $0xb8;
	[tilespmem:$0x118F0] =	vst v63  }
0xbf: {  	_ = 	snop  }
0xc0: {  	[spmem:s3] =	stream.indirect.scatter.add.f32 [tilespmem:s7], [sflag:$0x3], $0x10, s17, s29, $0xb8;
	[tilespmem:$0x118F0] =	vst v63  }
0xc1: {  	_ =	swait.ge [sflag:s9], $0x1400  }
0xc2: {  	[sflag:s9] =	ssyncset.done $0x0  }
0xc3: {  	[sflag:s9] =	ssyncadd.s32 $0xFFFFEC00  }
0xc4: {  	_ =	swait.ge [sflag:s9], $0x500  }
0xc5: {  	[sflag:s9] =	ssyncset.done $0x0  }
0xc6: {  	[sflag:s9] =	ssyncadd.s32 $0xFFFFFB00  }
0xc7: {  	_ =	swait.ge [sflag:s14], $0x1400  }
0xc8: {  	[sflag:s14] =	ssyncset.done $0x0  }
0xc9: {  	[sflag:s14] =	ssyncadd.s32 $0xFFFFEC00  }
0xca: {  	_ =	swait.ge [sflag:s14], $0x500  }
0xcb: {  	[sflag:s14] =	ssyncset.done $0x0  }
0xcc: {  	[sflag:s14] =	ssyncadd.s32 $0xFFFFFB00  }
0xcd: {  	[tilespmem:s28], [sflag:$0x5] =	stream.linear.gather [hbm4b:s25+s4], $0x190, $0x38;
	[tilespmem:$0x118F0] =	vst v63  }
0xce: {  	_ =	swait.ge [sflag:s26], $0x190  }
0xcf: {  	[sflag:s26] =	ssyncset.done $0x0  }
0xd0: {  	s21 =	simm.s32 $0x190;
	[sflag:s26] =	ssyncadd.s32 $0xFFFFFE70  }
0xd1: {  	[tilespmem:s30], [sflag:$0x1] =	stream.indirect.gather [hbm4b:s5+s29], $0x40, s21, s29, $0xb8;
	[tilespmem:$0x118F0] =	vst v63  }
0xd2: {  	s22 =	simm.s32 $0x1E0  }
0xd3: {  	[tilespmem:s31], [sflag:$0x2] =	stream.indirect.gather [hbm4b:s5+s29], $0x40, s22, s29, $0xb8;
	[tilespmem:$0x118F0] =	vst v63  }
0xd4: {  	_ =	swait.ge [sflag:s0], $0x1400  }
0xd5: {  	[sflag:s0] =	ssyncset.done $0x0  }
0xd6: {  	[sflag:s0] =	ssyncadd.s32 $0xFFFFEC00  }
0xd7: {  	[spmem:s2] =	stream.indirect.scatter.add.bf16 [tilespmem:s30], [sflag:$0x3], $0x40, s28, s29, $0xb8;
	[tilespmem:$0x118F0] =	vst v63  }
0xd8: {  	_ = 	snop  }
0xd9: {  	[spmem:s3] =	stream.indirect.scatter.add.f32 [tilespmem:s7], [sflag:$0x3], $0x10, s28, s29, $0xb8;
	[tilespmem:$0x118F0] =	vst v63  }
0xda: {  	_ =	swait.ge [sflag:s9], $0x1400  }
0xdb: {  	[sflag:s9] =	ssyncset.done $0x0  }
0xdc: {  	[sflag:s9] =	ssyncadd.s32 $0xFFFFEC00  }
0xdd: {  	_ =	swait.ge [sflag:s9], $0x500  }
0xde: {  	[sflag:s9] =	ssyncset.done $0x0  }
0xdf: {  	s20 =	simm.s32 $0x230;
	[sflag:s9] =	ssyncadd.s32 $0xFFFFFB00  }
0xe0: {  	[tilespmem:s30], [sflag:$0x1] =	stream.indirect.gather [hbm4b:s5+s29], $0x40, s20, s29, $0xb8;
	[tilespmem:$0x118F0] =	vst v63  }
0xe1: {  	_ =	swait.ge [sflag:s11], $0x1400  }
0xe2: {  	[sflag:s11] =	ssyncset.done $0x0  }
0xe3: {  	[sflag:s11] =	ssyncadd.s32 $0xFFFFEC00  }
0xe4: {  	[spmem:s2] =	stream.indirect.scatter.add.bf16 [tilespmem:s31], [sflag:$0x4], $0x40, s13, s29, $0xb8;
	[tilespmem:$0x118F0] =	vst v63  }
0xe5: {  	_ = 	snop  }
0xe6: {  	[spmem:s3] =	stream.indirect.scatter.add.f32 [tilespmem:s7], [sflag:$0x4], $0x10, s13, s29, $0xb8;
	[tilespmem:$0x118F0] =	vst v63  }
0xe7: {  	_ =	swait.ge [sflag:s14], $0x1400  }
0xe8: {  	[sflag:s14] =	ssyncset.done $0x0  }
0xe9: {  	[sflag:s14] =	ssyncadd.s32 $0xFFFFEC00  }
0xea: {  	_ =	swait.ge [sflag:s14], $0x500  }
0xeb: {  	[sflag:s14] =	ssyncset.done $0x0  }
0xec: {  	s21 =	simm.s32 $0x280;
	[sflag:s14] =	ssyncadd.s32 $0xFFFFFB00  }
0xed: {  	[tilespmem:s31], [sflag:$0x2] =	stream.indirect.gather [hbm4b:s5+s29], $0x40, s21, s29, $0xb8;
	[tilespmem:$0x118F0] =	vst v63  }
0xee: {  	_ =	swait.ge [sflag:s0], $0x1400  }
0xef: {  	[sflag:s0] =	ssyncset.done $0x0  }
0xf0: {  	[sflag:s0] =	ssyncadd.s32 $0xFFFFEC00  }
0xf1: {  	[spmem:s2] =	stream.indirect.scatter.add.bf16 [tilespmem:s30], [sflag:$0x3], $0x40, s15, s29, $0xb8;
	[tilespmem:$0x118F0] =	vst v63  }
0xf2: {  	_ = 	snop  }
0xf3: {  	[spmem:s3] =	stream.indirect.scatter.add.f32 [tilespmem:s7], [sflag:$0x3], $0x10, s15, s29, $0xb8;
	[tilespmem:$0x118F0] =	vst v63  }
0xf4: {  	_ =	swait.ge [sflag:s9], $0x1400  }
0xf5: {  	[sflag:s9] =	ssyncset.done $0x0  }
0xf6: {  	[sflag:s9] =	ssyncadd.s32 $0xFFFFEC00  }
0xf7: {  	_ =	swait.ge [sflag:s9], $0x500  }
0xf8: {  	[sflag:s9] =	ssyncset.done $0x0  }
0xf9: {  	s22 =	simm.s32 $0x2D0;
	[sflag:s9] =	ssyncadd.s32 $0xFFFFFB00  }
0xfa: {  	[tilespmem:s30], [sflag:$0x1] =	stream.indirect.gather [hbm4b:s5+s29], $0x40, s22, s29, $0xb8;
	[tilespmem:$0x118F0] =	vst v63  }
0xfb: {  	_ =	swait.ge [sflag:s11], $0x1400  }
0xfc: {  	[sflag:s11] =	ssyncset.done $0x0  }
0xfd: {  	[sflag:s11] =	ssyncadd.s32 $0xFFFFEC00  }
0xfe: {  	[spmem:s2] =	stream.indirect.scatter.add.bf16 [tilespmem:s31], [sflag:$0x4], $0x40, s16, s29, $0xb8;
	[tilespmem:$0x118F0] =	vst v63  }
0xff: {  	_ = 	snop  }
0x100: {  	[spmem:s3] =	stream.indirect.scatter.add.f32 [tilespmem:s7], [sflag:$0x4], $0x10, s16, s29, $0xb8;
	[tilespmem:$0x118F0] =	vst v63  }
0x101: {  	_ =	swait.ge [sflag:s0], $0x1400  }
0x102: {  	[sflag:s0] =	ssyncset.done $0x0  }
0x103: {  	s19 =	simm.s32 $0x640;
	s20 =	sadd.s32 $0x32, s25;
	[sflag:s0] =	ssyncadd.s32 $0xFFFFEC00  }
0x104: {  	[spmem:s2] =	stream.indirect.scatter.add.bf16 [tilespmem:s30], [sflag:$0x3], $0x40, s17, s29, $0xb8;
	[tilespmem:$0x118F0] =	vst v63  }
.LBB2_2:
0x105: {  	[spmem:s3] =	stream.indirect.scatter.add.f32 [tilespmem:s7], [sflag:$0x3], $0x10, s17, s29, $0xb8;
	[tilespmem:$0x118F0] =	vst v63  }
0x106: {  	s21 =	smov.u32 s19  }
0x107: {  	p5 =	sne.s32 s19, $0x8FC0;
	s19 =	sadd.s32 $0x640, s19;
	_ =	swait.ge [sflag:s9], $0x1400  }
0x108: {  	[sflag:s9] =	ssyncset.done $0x0  }
0x109: {  	[sflag:s9] =	ssyncadd.s32 $0xFFFFEC00  }
0x10a: {  	_ =	swait.ge [sflag:s9], $0x500  }
0x10b: {  	[sflag:s9] =	ssyncset.done $0x0  }
0x10c: {  	[sflag:s9] =	ssyncadd.s32 $0xFFFFFB00  }
0x10d: {  	_ =	swait.ge [sflag:s14], $0x1400  }
0x10e: {  	[sflag:s14] =	ssyncset.done $0x0  }
0x10f: {  	[sflag:s14] =	ssyncadd.s32 $0xFFFFEC00  }
0x110: {  	_ =	swait.ge [sflag:s14], $0x500  }
0x111: {  	[sflag:s14] =	ssyncset.done $0x0  }
0x112: {  	[sflag:s14] =	ssyncadd.s32 $0xFFFFFB00  }
0x113: {  	[tilespmem:s28], [sflag:$0x5] =	stream.linear.gather [hbm4b:s20+s4], $0x190, $0x38;
	[tilespmem:$0x118F0] =	vst v63  }
0x114: {  	_ =	swait.ge [sflag:s26], $0x190  }
0x115: {  	s21 =	sshra.s32 s21, $0x2;
	[sflag:s26] =	ssyncset.done $0x0  }
0x116: {  	s22 =	sadd.s32 $0x190, s21;
	[sflag:s26] =	ssyncadd.s32 $0xFFFFFE70  }
0x117: {  	[tilespmem:s30], [sflag:$0x1] =	stream.indirect.gather [hbm4b:s5+s29], $0x40, s22, s29, $0xb8;
	[tilespmem:$0x118F0] =	vst v63  }
0x118: {  	s22 =	sadd.s32 $0x1E0, s21  }
0x119: {  	[tilespmem:s31], [sflag:$0x2] =	stream.indirect.gather [hbm4b:s5+s29], $0x40, s22, s29, $0xb8;
	[tilespmem:$0x118F0] =	vst v63  }
0x11a: {  	_ =	swait.ge [sflag:s0], $0x1400  }
0x11b: {  	[sflag:s0] =	ssyncset.done $0x0  }
0x11c: {  	[sflag:s0] =	ssyncadd.s32 $0xFFFFEC00  }
0x11d: {  	[spmem:s2] =	stream.indirect.scatter.add.bf16 [tilespmem:s30], [sflag:$0x3], $0x40, s28, s29, $0xb8;
	[tilespmem:$0x118F0] =	vst v63  }
0x11e: {  	_ = 	snop  }
0x11f: {  	[spmem:s3] =	stream.indirect.scatter.add.f32 [tilespmem:s7], [sflag:$0x3], $0x10, s28, s29, $0xb8;
	[tilespmem:$0x118F0] =	vst v63  }
0x120: {  	_ =	swait.ge [sflag:s9], $0x1400  }
0x121: {  	[sflag:s9] =	ssyncset.done $0x0  }
0x122: {  	[sflag:s9] =	ssyncadd.s32 $0xFFFFEC00  }
0x123: {  	_ =	swait.ge [sflag:s9], $0x500  }
0x124: {  	[sflag:s9] =	ssyncset.done $0x0  }
0x125: {  	s22 =	sadd.s32 $0x230, s21;
	[sflag:s9] =	ssyncadd.s32 $0xFFFFFB00  }
0x126: {  	[tilespmem:s30], [sflag:$0x1] =	stream.indirect.gather [hbm4b:s5+s29], $0x40, s22, s29, $0xb8;
	[tilespmem:$0x118F0] =	vst v63  }
0x127: {  	_ =	swait.ge [sflag:s11], $0x1400  }
0x128: {  	[sflag:s11] =	ssyncset.done $0x0  }
0x129: {  	[sflag:s11] =	ssyncadd.s32 $0xFFFFEC00  }
0x12a: {  	[spmem:s2] =	stream.indirect.scatter.add.bf16 [tilespmem:s31], [sflag:$0x4], $0x40, s13, s29, $0xb8;
	[tilespmem:$0x118F0] =	vst v63  }
0x12b: {  	_ = 	snop  }
0x12c: {  	[spmem:s3] =	stream.indirect.scatter.add.f32 [tilespmem:s7], [sflag:$0x4], $0x10, s13, s29, $0xb8;
	[tilespmem:$0x118F0] =	vst v63  }
0x12d: {  	_ =	swait.ge [sflag:s14], $0x1400  }
0x12e: {  	[sflag:s14] =	ssyncset.done $0x0  }
0x12f: {  	[sflag:s14] =	ssyncadd.s32 $0xFFFFEC00  }
0x130: {  	_ =	swait.ge [sflag:s14], $0x500  }
0x131: {  	[sflag:s14] =	ssyncset.done $0x0  }
0x132: {  	s22 =	sadd.s32 $0x280, s21;
	[sflag:s14] =	ssyncadd.s32 $0xFFFFFB00  }
0x133: {  	[tilespmem:s31], [sflag:$0x2] =	stream.indirect.gather [hbm4b:s5+s29], $0x40, s22, s29, $0xb8;
	[tilespmem:$0x118F0] =	vst v63  }
0x134: {  	_ =	swait.ge [sflag:s0], $0x1400  }
0x135: {  	[sflag:s0] =	ssyncset.done $0x0  }
0x136: {  	[sflag:s0] =	ssyncadd.s32 $0xFFFFEC00  }
0x137: {  	[spmem:s2] =	stream.indirect.scatter.add.bf16 [tilespmem:s30], [sflag:$0x3], $0x40, s15, s29, $0xb8;
	[tilespmem:$0x118F0] =	vst v63  }
0x138: {  	_ = 	snop  }
0x139: {  	[spmem:s3] =	stream.indirect.scatter.add.f32 [tilespmem:s7], [sflag:$0x3], $0x10, s15, s29, $0xb8;
	[tilespmem:$0x118F0] =	vst v63  }
0x13a: {  	_ =	swait.ge [sflag:s9], $0x1400  }
0x13b: {  	[sflag:s9] =	ssyncset.done $0x0  }
0x13c: {  	[sflag:s9] =	ssyncadd.s32 $0xFFFFEC00  }
0x13d: {  	_ =	swait.ge [sflag:s9], $0x500  }
0x13e: {  	[sflag:s9] =	ssyncset.done $0x0  }
0x13f: {  	s21 =	sadd.s32 $0x2D0, s21;
	[sflag:s9] =	ssyncadd.s32 $0xFFFFFB00  }
0x140: {  	[tilespmem:s30], [sflag:$0x1] =	stream.indirect.gather [hbm4b:s5+s29], $0x40, s21, s29, $0xb8;
	[tilespmem:$0x118F0] =	vst v63  }
0x141: {  	_ =	swait.ge [sflag:s11], $0x1400  }
0x142: {  	[sflag:s11] =	ssyncset.done $0x0  }
0x143: {  	[sflag:s11] =	ssyncadd.s32 $0xFFFFEC00  }
0x144: {  	[spmem:s2] =	stream.indirect.scatter.add.bf16 [tilespmem:s31], [sflag:$0x4], $0x40, s16, s29, $0xb8;
	[tilespmem:$0x118F0] =	vst v63  }
0x145: {  	_ = 	snop  }
0x146: {  	[spmem:s3] =	stream.indirect.scatter.add.f32 [tilespmem:s7], [sflag:$0x4], $0x10, s16, s29, $0xb8;
	[tilespmem:$0x118F0] =	vst v63  }
.Ltmp0:
0x147: {  	_ =	swait.ge [sflag:s0], $0x1400;
	(pc) =	sbr.rel @p5 .LBB2_2-.Ltmp0, $4  }
0x148: {  	[sflag:s0] =	ssyncset.done $0x0  }
0x149: {  	[sflag:s0] =	ssyncadd.s32 $0xFFFFEC00  }
0x14a: {  	[spmem:s2] =	stream.indirect.scatter.add.bf16 [tilespmem:s30], [sflag:$0x3], $0x40, s17, s29, $0xb8;
	[tilespmem:$0x118F0] =	vst v63  }
0x14b: {  	s20 =	sadd.s32 $0x32, s20  }
0x14c: {  	[spmem:s3] =	stream.indirect.scatter.add.f32 [tilespmem:s7], [sflag:$0x3], $0x10, s17, s29, $0xb8;
	[tilespmem:$0x118F0] =	vst v63  }
0x14d: {  	_ =	swait.ge [sflag:s9], $0x1400  }
0x14e: {  	[sflag:s9] =	ssyncset.done $0x0  }
0x14f: {  	[sflag:s9] =	ssyncadd.s32 $0xFFFFEC00  }
0x150: {  	_ =	swait.ge [sflag:s9], $0x500  }
0x151: {  	[sflag:s9] =	ssyncset.done $0x0  }
0x152: {  	[sflag:s9] =	ssyncadd.s32 $0xFFFFFB00  }
0x153: {  	_ =	swait.ge [sflag:s14], $0x1400  }
0x154: {  	[sflag:s14] =	ssyncset.done $0x0  }
0x155: {  	[sflag:s14] =	ssyncadd.s32 $0xFFFFEC00  }
0x156: {  	_ =	swait.ge [sflag:s14], $0x500  }
0x157: {  	[sflag:s14] =	ssyncset.done $0x0  }
0x158: {  	[sflag:s14] =	ssyncadd.s32 $0xFFFFFB00  }
0x159: {  	[bflag:$0x0] =	sbarrier.arrive $0xFFFF  }
0x15a: {  	s19 =	sshrl.u32 @!p1 s10, $0x3;
	s20 =	simm.s32 @!p1 $0x1FC5;
	s21 =	rddreg [dreg:$0x10]  }
0x15b: {  	[hbm:s21], [sflag:s20] =	dma.local @!p1 [spmem:s19], $0xC80  }
0x15c: {  	s19 =	simm.s32 @!p1 $0x5  }
0x15d: {  	_ =	swait.ge @!p1 [sflag:s19], $0xC80  }
0x15e: {  	[sflag:s19] =	ssyncset.done @!p1 $0x0  }
0x15f: {  	s21 =	sshrl.u32 @!p1 s12, $0x3;
	[sflag:s19] =	ssyncadd.s32 @!p1 $0xFFFFF380  }
0x160: {  	[hbm:s23], [sflag:s20] =	dma.local @!p1 [spmem:s21], $0x320  }
0x161: {  	_ =	swait.ge @!p1 [sflag:s19], $0x320  }
0x162: {  	s20 =	simm.s32 @!p2 $0x1FC5;
	[sflag:s19] =	ssyncset.done @!p1 $0x0  }
0x163: {  	s21 =	rddreg [dreg:$0xe];
	[sflag:s19] =	ssyncadd.s32 @!p1 $0xFFFFFCE0;
	s19 =	sshrl.u32 @!p2 s10, $0x3  }
0x164: {  	[hbm:s21], [sflag:s20] =	dma.local @!p2 [spmem:s19], $0xC80  }
0x165: {  	s19 =	simm.s32 @!p2 $0x5  }
0x166: {  	_ =	swait.ge @!p2 [sflag:s19], $0xC80  }
0x167: {  	[sflag:s19] =	ssyncset.done @!p2 $0x0  }
0x168: {  	s21 =	sshrl.u32 @!p2 s12, $0x3;
	s22 =	rddreg [dreg:$0xf];
	[sflag:s19] =	ssyncadd.s32 @!p2 $0xFFFFF380  }
0x169: {  	[hbm:s22], [sflag:s20] =	dma.local @!p2 [spmem:s21], $0x320  }
0x16a: {  	_ =	swait.ge @!p2 [sflag:s19], $0x320  }
0x16b: {  	s20 =	sshll.u32 @!p3 s1, $0x6;
	[sflag:s19] =	ssyncset.done @!p2 $0x0;
	s21 =	rddreg [dreg:$0xc]  }
0x16c: {  	[sflag:s19] =	ssyncadd.s32 @!p2 $0xFFFFFCE0;
	s19 =	sor.u32 @!p3 $0x1C05, s20;
	s20 =	sshrl.u32 @!p3 s6, $0x3  }
0x16d: {  	[hbm:s21], [sflag:s19] =	dma.local @!p3 [spmem:s20], $0x1400  }
0x16e: {  	s20 =	simm.s32 @!p3 $0x5  }
0x16f: {  	_ =	swait.ge @!p3 [sflag:s20], $0x1400  }
0x170: {  	[sflag:s20] =	ssyncset.done @!p3 $0x0  }
0x171: {  	s21 =	sshrl.u32 @!p3 s8, $0x3;
	s22 =	rddreg [dreg:$0xd];
	[sflag:s20] =	ssyncadd.s32 @!p3 $0xFFFFEC00  }
0x172: {  	[hbm:s22], [sflag:s19] =	dma.local @!p3 [spmem:s21], $0x500  }
0x173: {  	s19 =	sshll.u32 @!p4 s1, $0x6;
	_ =	swait.ge @!p3 [sflag:s20], $0x500  }
0x174: {  	s19 =	sor.u32 @!p4 $0x1C05, s19;
	[sflag:s20] =	ssyncset.done @!p3 $0x0  }
0x175: {  	s21 =	rddreg [dreg:$0xa];
	[sflag:s20] =	ssyncadd.s32 @!p3 $0xFFFFFB00;
	s20 =	sshrl.u32 @!p4 s6, $0x3  }
0x176: {  	[hbm:s21], [sflag:s19] =	dma.local @!p4 [spmem:s20], $0x1400  }
0x177: {  	s20 =	simm.s32 @!p4 $0x5  }
0x178: {  	s18 =	sadd.s32 $0x1, s18;
	_ =	swait.ge @!p4 [sflag:s20], $0x1400  }
0x179: {  	p5 =	sne.s32 s18, s24;
	s21 =	sshrl.u32 @!p4 s8, $0x3;
	[sflag:s20] =	ssyncset.done @!p4 $0x0  }
.Ltmp1:
0x17a: {  	s22 =	rddreg [dreg:$0xb];
	[sflag:s20] =	ssyncadd.s32 @!p4 $0xFFFFEC00;
	(pc) =	sbr.rel @p5 .LBB2_1-.Ltmp1, $4  }
0x17b: {  	[hbm:s22], [sflag:s19] =	dma.local @!p4 [spmem:s21], $0x500  }
0x17c: {  	_ =	swait.ge @!p4 [sflag:s20], $0x500  }
0x17d: {  	[sflag:s20] =	ssyncset.done @!p4 $0x0  }
0x17e: {  	[sflag:s20] =	ssyncadd.s32 @!p4 $0xFFFFFB00  }
0x17f: {  	_ =	sfence.sel $0x180000  }
0x180: {  	[bflag:$0x0] =	sbarrier.arrive $0xFFFF  }
0x181: {  	_ =	strace $0x90000047  }
0x182: {  	[bflag:$0x2] =	sbarrier.arrive $0xFFFF  }
0x183: {  	p0 =	sne.s32 s1, $0x0;
	s0 =	rddreg [dreg:$0x3]  }
0x184: {  	s0 =	sadd.s32 @!p0 $0x100000, s0  }
0x185: {  	[sflag:s0] =	ssyncadd.tile.s32 @!p0 $0x1;
	_ =	shalt  }
.Lfunc_end2:
_tile_overlayer_lowered:
.L_overlay_start_2:
0x186: {  	(tag) =	ssettag $0x2  }
0x187: {  	s0 =	rddreg [dreg:$0x0];
	s2 =	stileid.u32  }
0x188: {  	s1 =	rddreg [dreg:$0x1];
	p0 =	sne.s32 s2, $0x0  }
0x189: {  	s3 =	rddreg [dreg:$0x2];
	[bflag:$0x3] =	sbarrier.arrive $0xFFFF;
	s2 =	simm.s32 @!p0 $0x1C05  }
0x18a: {  	[timem:s3], [sflag:s2] =	dma.local @!p0 [hbm:s0], s1  }
0x18b: {  	s0 =	simm.s32 @!p0 $0x5  }
0x18c: {  	_ =	swait.ge @!p0 [sflag:s0], s1  }
0x18d: {  	s1 =	ssub.s32 @!p0 $0x0, s1;
	[sflag:s0] =	ssyncset.done @!p0 $0x0  }
0x18e: {  	[sflag:s0] =	ssyncadd.s32 @!p0 s1  }
0x18f: {  	[bflag:$0x3] =	sbarrier.arrive $0xFFFF  }
0x190: {  	_ =	shalt  }

// kernel: kernel.9.cloned.1.call-start
scs
__scs_entry_jumppad:
0x0: {  	(pc) =	sbr.rel $0x88, $3  }
0x1: {  	(tag) =	ssettag $0x0;
	lr =	simm.s32 $0x1  }
0x2: {  	[smem:$0x3F93] =	sst lr;
	_ =	strace $0xD0000000  }
0x3: {  	_ = 	snop  }
0x4: {  	_ = 	snop  }
0x5: {  	_ = 	snop  }
0x6: {  	_ = 	snop  }
0x7: {  	_ = 	snop  }
__scs_overlays_trampoline_lowered:
0x8: {  	[smem:$0x3FA2] =	sst s0  }
0x9: {  	[smem:$0x3FA3] =	sst s1  }
0xa: {  	[smem:$0x3FA4] =	sst s2  }
0xb: {  	[smem:$0x3FA5] =	sst s3  }
0xc: {  	[smem:$0x3FA6] =	sst s4  }
0xd: {  	[smem:$0x3FA7] =	sst s5  }
0xe: {  	[smem:$0x3FA8] =	sst s6  }
0xf: {  	[smem:$0x3FA9] =	sst s7  }
0x10: {  	[smem:$0x3FAA] =	sst s8  }
0x11: {  	[smem:$0x3FAB] =	sst s9;
	s0 =	simm.s32 @!p0 $0x0  }
0x12: {  	s1 =	sld [smem:$0x3F91];
	s0 =	simm.s32 @p0 $0x1  }
0x13: {  	[smem:$0x3FAC] =	sst s0;
	s0 =	simm.s32 @!p1 $0x0  }
0x14: {  	s2 =	sld [smem:$0x3F90];
	s0 =	simm.s32 @p1 $0x1  }
0x15: {  	[smem:$0x3FAD] =	sst s0;
	s0 =	simm.s32 @!p2 $0x0  }
0x16: {  	s3 =	sld [smem:$0x3FDB];
	s0 =	simm.s32 @p2 $0x1  }
0x17: {  	s4 =	simm.s32 $0x1BF5;
	[smem:$0x3FAF] =	sst s0  }
0x18: {  	s0 =	sld [smem:$0x3F92];
	_ =	swait.ge [sflag:s4], $0x0  }
0x19: {  	s7 =	sld [smem:$0x3F93]  }
0x1a: {  	s8 =	sadd.s32 $0xFFFFE003, lr  }
0x1b: {  	s9 =	sadd.s32 $0xFFFFFEF7, lr;
	s5 =	simm.s32 $0xFFFFFFFF;
	p2 =	slt.u32 s8, $0xFFFFF086  }
0x1c: {  	p1 =	slt.u32 s9, $0xF7A;
	s5 =	simm.s32 @!p2 $0x0  }
0x1d: {  	s5 =	simm.s32 @p1 $0x1;
	p0 =	seq.s32 s7, s2  }
0x1e: {  	s7 =	smul.u32 @!p0 $0xF7A, s2;
	p2 =	seq.s32 @!p0 s5, $0x0  }
0x1f: {  	s9 =	smul.u32 $0xF7A, s1;
	s8 =	simm.s32 @!p0 $0x1BF5;
	p2 =	por !p2, p0  }
0x20: {  	[sflag:s8] =	ssyncset.s32 @!p0 $0xFFFFF086;
	s6 =	sadd.s32 @!p0 s3, s7;
	s7 =	simm.s32 @!p0 $0x108  }
0x21: {  	s3 =	sadd.s32 s3, s9;
	s6 =	sadd.s32 @!p0 $0x88, s6;
	s7 =	simm.s32 @p2 $0x1082  }
0x22: {  	[simem:s7], [sflag:s8] =	dma.local @!p0 [hbm:s6], $0xF7A  }
0x23: {  	s9 =	sor.u32 $0xD0000000, s2;
	s6 =	simm.s32 $0x108;
	_ =	swait.ge @!p0 [sflag:s8], $0x0  }
0x24: {  	s3 =	sadd.s32 $0x88, s3;
	s6 =	simm.s32 @!p1 $0x1082;
	[sflag:s4] =	ssyncset.s32 $0xFFFFF086  }
0x25: {  	[simem:s6], [sflag:s4] =	dma.local [hbm:s3], $0xF7A  }
0x26: {  	[smem:$0x3F93] =	sst s1;
	(tag) =	ssettag s2;
	_ =	strace s9  }
0x27: {  	s1 =	sld [smem:$0x3FA3]  }
0x28: {  	s2 =	sld [smem:$0x3FA4]  }
0x29: {  	s4 =	sld [smem:$0x3FA6]  }
0x2a: {  	p0 =	seq.s32 s5, $0x0;
	s5 =	sld [smem:$0x3FA7]  }
0x2b: {  	s6 =	sld [smem:$0x3FA8]  }
0x2c: {  	s7 =	sld [smem:$0x3FA9]  }
0x2d: {  	s3 =	simm.s32 $0x108;
	s8 =	sld [smem:$0x3FAA]  }
0x2e: {  	s3 =	simm.s32 @!p0 $0x1082;
	s9 =	sld [smem:$0x3FAB]  }
0x2f: {  	lr =	sadd.s32 s0, s3;
	s0 =	sld [smem:$0x3FA2]  }
0x30: {  	s3 =	sld [smem:$0x3FA5]  }
0x31: {  	[smem:$0x3FAE] =	sst s10  }
0x32: {  	s10 =	sld [smem:$0x3FAC];
	_ =	sdelay $0x3  }
0x33: {  	p0 =	seq.s32 s10, $0x1;
	s10 =	sld [smem:$0x3FAE];
	_ =	sdelay $0x3  }
0x34: {  	[smem:$0x3FAE] =	sst s10  }
0x35: {  	s10 =	sld [smem:$0x3FAD];
	_ =	sdelay $0x3  }
0x36: {  	p1 =	seq.s32 s10, $0x1;
	s10 =	sld [smem:$0x3FAE];
	_ =	sdelay $0x3  }
0x37: {  	[smem:$0x3FAE] =	sst s10  }
0x38: {  	s10 =	sld [smem:$0x3FAF]  }
0x39: {  	_ = 	snop;
	(pc) =	sbr.ind lr, $3  }
0x3a: {  	_ = 	snop  }
0x3b: {  	_ = 	snop  }
0x3c: {  	p2 =	seq.s32 s10, $0x1;
	s10 =	sld [smem:$0x3FAE]  }
0x3d: {  	_ =	shalt  }
0x3e: {  	_ =	shalt  }
0x3f: {  	_ =	shalt  }
0x40: {  	_ =	shalt  }
0x41: {  	_ =	shalt  }
0x42: {  	_ =	shalt  }
0x43: {  	_ =	shalt  }
0x44: {  	_ =	shalt  }
0x45: {  	_ =	shalt  }
0x46: {  	_ =	shalt  }
0x47: {  	_ =	shalt  }
0x48: {  	_ =	shalt  }
0x49: {  	_ =	shalt  }
0x4a: {  	_ =	shalt  }
0x4b: {  	_ =	shalt  }
0x4c: {  	_ =	shalt  }
0x4d: {  	_ =	shalt  }
0x4e: {  	_ =	shalt  }
0x4f: {  	_ =	shalt  }
0x50: {  	_ =	shalt  }
0x51: {  	_ =	shalt  }
0x52: {  	_ =	shalt  }
0x53: {  	_ =	shalt  }
0x54: {  	_ =	shalt  }
0x55: {  	_ =	shalt  }
0x56: {  	_ =	shalt  }
0x57: {  	_ =	shalt  }
0x58: {  	_ =	shalt  }
0x59: {  	_ =	shalt  }
0x5a: {  	_ =	shalt  }
0x5b: {  	_ =	shalt  }
0x5c: {  	_ =	shalt  }
0x5d: {  	_ =	shalt  }
0x5e: {  	_ =	shalt  }
0x5f: {  	_ =	shalt  }
0x60: {  	_ =	shalt  }
0x61: {  	_ =	shalt  }
0x62: {  	_ =	shalt  }
0x63: {  	_ =	shalt  }
0x64: {  	_ =	shalt  }
0x65: {  	_ =	shalt  }
0x66: {  	_ =	shalt  }
0x67: {  	_ =	shalt  }
0x68: {  	_ =	shalt  }
0x69: {  	_ =	shalt  }
0x6a: {  	_ =	shalt  }
0x6b: {  	_ =	shalt  }
0x6c: {  	_ =	shalt  }
0x6d: {  	_ =	shalt  }
0x6e: {  	_ =	shalt  }
0x6f: {  	_ =	shalt  }
0x70: {  	_ =	shalt  }
0x71: {  	_ =	shalt  }
0x72: {  	_ =	shalt  }
0x73: {  	_ =	shalt  }
0x74: {  	_ =	shalt  }
0x75: {  	_ =	shalt  }
0x76: {  	_ =	shalt  }
0x77: {  	_ =	shalt  }
0x78: {  	_ =	shalt  }
0x79: {  	_ =	shalt  }
0x7a: {  	_ =	shalt  }
0x7b: {  	_ =	shalt  }
0x7c: {  	_ =	shalt  }
0x7d: {  	_ =	shalt  }
0x7e: {  	_ =	shalt  }
0x7f: {  	_ =	shalt  }
0x80: {  	_ =	shalt  }
0x81: {  	_ =	shalt  }
0x82: {  	_ =	shalt  }
0x83: {  	_ =	shalt  }
0x84: {  	_ =	shalt  }
0x85: {  	_ =	shalt  }
0x86: {  	_ =	shalt  }
0x87: {  	_ =	shalt  }
.Lfunc_end0:
.L_simem_size_0:
called_computation.1_lowered:
.L_overlay_start_0:
0x88: {  	s2 =	sld [smem:$0x3FD9]  }
0x89: {  	s3 =	sld [smem:$0x3FFE];
	_ =	sdelay $0x1  }
0x8a: {  	s1 =	srdreg.scid  }
0x8b: {  	s0 =	sand.u32 $0x1, s1  }
0x8c: {  	s16 =	sshll.u32 s0, $0xA;
	s2 =	sadd.s32 s3, s2  }
0x8d: {  	s2 =	sadd.s32 s2, s16  }
0x8e: {  	[smem:$0x3FBA] =	sst s2  }
0x8f: {  	_ = 	snop  }
0x90: {  	(tm) =	ssettm $0x1  }
0x91: {  	s17 =	sld [smem:$0x3FFB];
	_ =	sdelay $0x3  }
0x92: {  	_ =	strace s17  }
0x93: {  	s2 =	sld [smem:$0x3FFC];
	_ =	sdelay $0x3  }
0x94: {  	_ =	strace s2  }
0x95: {  	s2 =	sld [smem:$0x3FFD];
	_ =	sdelay $0x3  }
0x96: {  	_ =	strace s2  }
0x97: {  	_ =	strace $0x8FFFFFFF  }
0x98: {  	s18 =	sld [smem:$0x3FDB];
	_ =	sdelay $0x1  }
0x99: {  	s19 =	simm.s32 $_scs_section_size  }
0x9a: {  	s4 =	simm.s32 $_size__tile_overlayer_lowered;
	s5 =	simm.s32 $_tile_overlayer_lowered  }
0x9b: {  	s22 =	simm.s32 $0x1BFF;
	s21 =	sshll.u32 s5, $0x1;
	s2 =	sadd.s32 s19, s18  }
0x9c: {  	s6 =	simm.s32 $0x0;
	s20 =	sshll.u32 s4, $0x1;
	s4 =	sadd.s32 s21, s2  }
0x9d: {  	[timem:s6], [sflag:s22] =	dma.local [hbm:s4], s20  }
0x9e: {  	_ =	swait.ge [sflag:s22], s20  }
0x9f: {  	s3 =	ssub.s32 $0x0, s20;
	[sflag:s22] =	ssyncset.done $0x0  }
0xa0: {  	[sflag:s22] =	ssyncadd.s32 s3;
	_ =	sdelay $0x1  }
0xa1: {  	s23 =	simm.s32 $0x1B8B  }
0xa2: {  	_ =	swait.ge [sflag:s23], $0x1  }
0xa3: {  	[sflag:s23] =	ssyncset.done $0x0  }
0xa4: {  	s25 =	simm.s32 $0x1B8E;
	s24 =	sld [smem:$0x3FFE];
	[sflag:s23] =	ssyncadd.s32 $0xFFFFFFFF  }
0xa5: {  	s26 =	simm.s32 $execute0_lowered;
	[smem:$0x3FD2] =	sst s25  }
0xa6: {  	s4 =	sshll.u32 s26, $0x1;
	_ =	strace $0x80000049;
	[dreg:$0x1] =	wrdreg $0xFFFFFFFF  }
0xa7: {  	s28 =	simm.s32 $_size_execute0_lowered;
	s2 =	sadd.s32 s2, s4;
	[dreg:$0x0] =	wrdreg $0x0  }
0xa8: {  	s4 =	sshll.u32 s28, $0x1;
	[dreg:$0x2] =	wrdreg s2  }
0xa9: {  	[dreg:$0x3] =	wrdreg s4  }
0xaa: {  	[dreg:$0x4] =	wrdreg $0xC0  }
0xab: {  	_ =	task [dreg:s6], $0x5FFFF  }
0xac: {  	[dreg:$0x1] =	wrdreg $0xFFFFFFFF  }
0xad: {  	[dreg:$0x0] =	wrdreg $0x60  }
0xae: {  	[dreg:$0x2] =	wrdreg s24  }
0xaf: {  	[dreg:$0x3] =	wrdreg $0x62200  }
0xb0: {  	[dreg:$0x4] =	wrdreg $0x9  }
0xb1: {  	_ =	task.clear_ibuf [dreg:s6], $0x5FFFF;
	_ =	strace $0x90000049  }
0xb2: {  	s29 =	simm.s32 $0x9;
	_ =	strace $0x8000004B  }
0xb3: {  	_ =	swait.ge [sflag:s29], $0x1  }
0xb4: {  	[sflag:s29] =	ssyncadd.s32 $0xFFFFFFFF  }
0xb5: {  	_ =	strace $0x9000004B  }
0xb6: {  	_ =	sfence  }
0xb7: {  	s30 =	sld [smem:$0x0];
	_ =	sdelay $0x2  }
0xb8: {  	s31 =	sshll.u32 s1, $0xD;
	s1 =	sshrl.u32 s1, $0x2  }
0xb9: {  	s3 =	sand.u32 $0x4000, s31;
	s1 =	sadd.s32 s1, s30  }
0xba: {  	s0 =	sor.u32 s3, s0;
	s1 =	sshll.u32 s1, $0x11  }
0xbb: {  	s0 =	sor.u32 s1, s0  }
0xbc: {  	s0 =	sadd.s32 $0x8F2B, s0  }
0xbd: {  	[sflag:s0] =	ssyncadd.remote.s32 $0x1  }
0xbe: {  	_ =	sfence.sel $0xFFFF  }
0xbf: {  	[dreg:$0x0] =	wrdreg $0xFFFFFFFF;
	(pc) =	sbr.abs _section_cstart, $3  }
0xc0: {  	[dreg:$0x1] =	wrdreg $0xFFFFFFFF  }
0xc1: {  	_ =	task.clear_ibuf [dreg:s6], $0x2FFFF;
	_ =	strace $0x9FFFFFFF  }
0xc2: {  	(tm) =	ssettm $0x7FFFFFFF  }
0xc3: {  	_ =	shalt  }
tec
execute0_lowered:
.L_overlay_start_1:
0x0: {  	(tag) =	ssettag $0x1  }
0x1: {  	s14 =	rddreg [dreg:$0x0]  }
0x2: {  	s0 =	srdreg.scid;
	s2 =	rddreg [dreg:$0x1]  }
0x3: {  	s19 =	simm.s32 $0x5;
	s20 =	simm.s32 $0x2710;
	s21 =	simm.s32 $0x50  }
0x4: {  	s22 =	simm.s32 $0x4E20;
	s23 =	simm.s32 $0x5820;
	s24 =	simm.s32 $0x1  }
0x5: {  	s25 =	simm.s32 $0x3;
	s28 =	simm.s32 $0x2;
	s30 =	simm.s32 $0x4  }
0x6: {  	s1 =	sand.u32 $0x1, s0;
	s0 =	stileid.u32;
	s8 =	sadd.s32 $0x7D600, s14  }
0x7: {  	s13 =	sadd.s32 $0x33A00, s14;
	s3 =	sshll.u32 s1, $0x4;
	s6 =	smul.u32 $0xA000, s0  }
0x8: {  	s7 =	ssub.s32 $0x2, s1;
	p4 =	seq.s32 s1, $0x1;
	p0 =	seq.s32 s0, $0xF  }
0x9: {  	s4 =	sor.u32 s0, s3;
	s3 =	simm.s32 $0x0;
	s31 =	sshrl.u32 s7, $0x1  }
0xa: {  	s1 =	sshll.u32 @!p0 s0, $0x6;
	p1 =	por !p4, !p0;
	p2 =	por p4, !p0  }
0xb: {  	p3 =	por !p4, p0;
	p4 =	por p4, p0;
	s5 =	smul.u32 $0x4E2, s4  }
0xc: {  	[smem:$0x7FF] =	sst s3;
	s4 =	sadd.s32 $0x16800, s14;
	s29 =	sshrl.u32 s6, $0x4  }
0xd: {  	s6 =	sshrl.u32 s6, $0x1;
	s15 =	ssub.s32 s7, s31;
	s7 =	sadd.s32 $0x4B000, s2  }
0xe: {  	s17 =	sor.u32 @!p0 $0x1C05, s1;
	s1 =	simm.s32 $0x0;
	_ =	strace $0x8000004A  }
0xf: {  	s12 =	sadd.s32 s29, s14;
	s15 =	smax.u32 s15, $0x1;
	s16 =	sshrl.u32 @p0 s7, $0x3  }
0x10: {  	s10 =	sadd.s32 s5, s14;
	s5 =	sadd.s32 s6, s2;
	s6 =	sadd.s32 $0x74000, s12  }
0x11: {  	s11 =	sadd.s32 $0x2A400, s12;
	s12 =	sadd.s32 $0x20600, s12;
	s14 =	sadd.s32 $0x29C00, s14  }
0x12: {  	s9 =	sadd.s32 $0xCA00, s10;
	s10 =	sadd.s32 $0x2C00, s10;
	s18 =	sshrl.u32 @!p0 s5, $0x3  }
.LBB2_1:
0x13: {  	s26 =	simm.s32 @p0 $0x1FC5  }
0x14: {  	[spmem:s16], [sflag:s26] =	dma.local @p0 [hbm:s8], $0x640  }
0x15: {  	s26 =	simm.s32 @p0 $0x5  }
0x16: {  	_ =	swait.ge @p0 [sflag:s26], $0x640  }
0x17: {  	[sflag:s26] =	ssyncset.done @p0 $0x0  }
0x18: {  	[sflag:s26] =	ssyncadd.s32 @p0 $0xFFFFF9C0;
	s26 =	simm.s32 @!p0 $0x5  }
0x19: {  	[spmem:s18], [sflag:s17] =	dma.local @!p0 [hbm:s6], $0xA00  }
0x1a: {  	_ =	swait.ge @!p0 [sflag:s26], $0xA00  }
0x1b: {  	[sflag:s26] =	ssyncset.done @!p0 $0x0  }
0x1c: {  	[sflag:s26] =	ssyncadd.s32 @!p0 $0xFFFFF600  }
0x1d: {  	[tilespmem:s3], [sflag:$0x5] =	stream.linear.gather [hbm4b:s9+s3], $0x2710, $0x38;
	[tilespmem:$0xB040] =	vst v63  }
0x1e: {  	_ =	swait.ge [sflag:s19], $0x2710  }
0x1f: {  	[sflag:s19] =	ssyncset.done $0x0  }
0x20: {  	[sflag:s19] =	ssyncadd.s32 $0xFFFFD8F0  }
0x21: {  	[tilespmem:s20], [sflag:$0x5] =	stream.linear.gather [hbm4b:s10+s3], $0x2710, $0x38;
	[tilespmem:$0xB040] =	vst v63  }
0x22: {  	_ =	swait.ge [sflag:s19], $0x2710  }
0x23: {  	[sflag:s19] =	ssyncset.done $0x0  }
0x24: {  	[sflag:s19] =	ssyncadd.s32 $0xFFFFD8F0  }
0x25: {  	[bflag:$0x0] =	sbarrier.arrive $0xFFFF  }
0x26: {  	[tilespmem:s22], [sflag:$0x1] =	stream.indirect.gather [hbm4b:s4+s21], $0x20, s3, s21, $0xb8;
	[tilespmem:$0xB040] =	vst v63  }
0x27: {  	_ = 	snop  }
0x28: {  	[tilespmem:s23], [sflag:$0x2] =	stream.indirect.gather [hbm4b:s4+s21], $0x20, s21, s21, $0xb8;
	[tilespmem:$0xB040] =	vst v63  }
0x29: {  	_ =	swait.ge [sflag:s24], $0xA00  }
0x2a: {  	[sflag:s24] =	ssyncset.done $0x0  }
0x2b: {  	[sflag:s24] =	ssyncadd.s32 $0xFFFFF600  }
0x2c: {  	[spmem:s2] =	stream.indirect.scatter.add.bf16 [tilespmem:s22], [sflag:$0x3], $0x20, s20, s21, $0xb8;
	[tilespmem:$0xB040] =	vst v63  }
0x2d: {  	_ =	swait.ge [sflag:s25], $0xA00  }
0x2e: {  	[sflag:s25] =	ssyncset.done $0x0  }
0x2f: {  	s31 =	simm.s32 $0xA0;
	[sflag:s25] =	ssyncadd.s32 $0xFFFFF600  }
0x30: {  	[tilespmem:s22], [sflag:$0x1] =	stream.indirect.gather [hbm4b:s4+s21], $0x20, s31, s21, $0xb8;
	[tilespmem:$0xB040] =	vst v63  }
0x31: {  	_ =	swait.ge [sflag:s28], $0xA00  }
0x32: {  	[sflag:s28] =	ssyncset.done $0x0  }
0x33: {  	s31 =	simm.s32 $0x2760;
	[sflag:s28] =	ssyncadd.s32 $0xFFFFF600  }
0x34: {  	[spmem:s2] =	stream.indirect.scatter.add.bf16 [tilespmem:s23], [sflag:$0x4], $0x20, s31, s21, $0xb8;
	[tilespmem:$0xB040] =	vst v63  }
0x35: {  	_ =	swait.ge [sflag:s30], $0xA00  }
0x36: {  	[sflag:s30] =	ssyncset.done $0x0  }
0x37: {  	s31 =	simm.s32 $0xF0;
	[sflag:s30] =	ssyncadd.s32 $0xFFFFF600  }
0x38: {  	[tilespmem:s23], [sflag:$0x2] =	stream.indirect.gather [hbm4b:s4+s21], $0x20, s31, s21, $0xb8;
	[tilespmem:$0xB040] =	vst v63  }
0x39: {  	_ =	swait.ge [sflag:s24], $0xA00  }
0x3a: {  	[sflag:s24] =	ssyncset.done $0x0  }
0x3b: {  	s31 =	simm.s32 $0x27B0;
	[sflag:s24] =	ssyncadd.s32 $0xFFFFF600  }
0x3c: {  	[spmem:s2] =	stream.indirect.scatter.add.bf16 [tilespmem:s22], [sflag:$0x3], $0x20, s31, s21, $0xb8;
	[tilespmem:$0xB040] =	vst v63  }
0x3d: {  	_ =	swait.ge [sflag:s25], $0xA00  }
0x3e: {  	[sflag:s25] =	ssyncset.done $0x0  }
0x3f: {  	s31 =	simm.s32 $0x140;
	[sflag:s25] =	ssyncadd.s32 $0xFFFFF600  }
0x40: {  	[tilespmem:s22], [sflag:$0x1] =	stream.indirect.gather [hbm4b:s4+s21], $0x20, s31, s21, $0xb8;
	[tilespmem:$0xB040] =	vst v63  }
0x41: {  	_ =	swait.ge [sflag:s28], $0xA00  }
0x42: {  	[sflag:s28] =	ssyncset.done $0x0  }
0x43: {  	s31 =	simm.s32 $0x2800;
	[sflag:s28] =	ssyncadd.s32 $0xFFFFF600  }
0x44: {  	[spmem:s2] =	stream.indirect.scatter.add.bf16 [tilespmem:s23], [sflag:$0x4], $0x20, s31, s21, $0xb8;
	[tilespmem:$0xB040] =	vst v63  }
0x45: {  	_ =	swait.ge [sflag:s24], $0xA00  }
0x46: {  	[sflag:s24] =	ssyncset.done $0x0  }
0x47: {  	s31 =	simm.s32 $0x2850;
	[sflag:s24] =	ssyncadd.s32 $0xFFFFF600  }
0x48: {  	[spmem:s2] =	stream.indirect.scatter.add.bf16 [tilespmem:s22], [sflag:$0x3], $0x20, s31, s21, $0xb8;
	[tilespmem:$0xB040] =	vst v63  }
0x49: {  	_ =	swait.ge [sflag:s25], $0xA00  }
0x4a: {  	[sflag:s25] =	ssyncset.done $0x0  }
0x4b: {  	[sflag:s25] =	ssyncadd.s32 $0xFFFFF600  }
0x4c: {  	_ =	swait.ge [sflag:s30], $0xA00  }
0x4d: {  	[sflag:s30] =	ssyncset.done $0x0  }
0x4e: {  	s31 =	simm.s32 $0x190;
	[sflag:s30] =	ssyncadd.s32 $0xFFFFF600  }
0x4f: {  	[tilespmem:s22], [sflag:$0x1] =	stream.indirect.gather [hbm4b:s4+s21], $0x20, s31, s21, $0xb8;
	[tilespmem:$0xB040] =	vst v63  }
0x50: {  	s31 =	simm.s32 $0x1E0  }
0x51: {  	[tilespmem:s23], [sflag:$0x2] =	stream.indirect.gather [hbm4b:s4+s21], $0x20, s31, s21, $0xb8;
	[tilespmem:$0xB040] =	vst v63  }
0x52: {  	_ =	swait.ge [sflag:s24], $0xA00  }
0x53: {  	[sflag:s24] =	ssyncset.done $0x0  }
0x54: {  	s31 =	simm.s32 $0x28A0;
	[sflag:s24] =	ssyncadd.s32 $0xFFFFF600  }
0x55: {  	[spmem:s2] =	stream.indirect.scatter.add.bf16 [tilespmem:s22], [sflag:$0x3], $0x20, s31, s21, $0xb8;
	[tilespmem:$0xB040] =	vst v63  }
0x56: {  	_ =	swait.ge [sflag:s25], $0xA00  }
0x57: {  	[sflag:s25] =	ssyncset.done $0x0  }
0x58: {  	s31 =	simm.s32 $0x230;
	[sflag:s25] =	ssyncadd.s32 $0xFFFFF600  }
0x59: {  	[tilespmem:s22], [sflag:$0x1] =	stream.indirect.gather [hbm4b:s4+s21], $0x20, s31, s21, $0xb8;
	[tilespmem:$0xB040] =	vst v63  }
0x5a: {  	_ =	swait.ge [sflag:s28], $0xA00  }
0x5b: {  	[sflag:s28] =	ssyncset.done $0x0  }
0x5c: {  	s31 =	simm.s32 $0x28F0;
	[sflag:s28] =	ssyncadd.s32 $0xFFFFF600  }
0x5d: {  	[spmem:s2] =	stream.indirect.scatter.add.bf16 [tilespmem:s23], [sflag:$0x4], $0x20, s31, s21, $0xb8;
	[tilespmem:$0xB040] =	vst v63  }
0x5e: {  	_ =	swait.ge [sflag:s30], $0xA00  }
0x5f: {  	[sflag:s30] =	ssyncset.done $0x0  }
0x60: {  	s31 =	simm.s32 $0x280;
	[sflag:s30] =	ssyncadd.s32 $0xFFFFF600  }
0x61: {  	[tilespmem:s23], [sflag:$0x2] =	stream.indirect.gather [hbm4b:s4+s21], $0x20, s31, s21, $0xb8;
	[tilespmem:$0xB040] =	vst v63  }
0x62: {  	_ =	swait.ge [sflag:s24], $0xA00  }
0x63: {  	[sflag:s24] =	ssyncset.done $0x0  }
0x64: {  	s31 =	simm.s32 $0x2940;
	[sflag:s24] =	ssyncadd.s32 $0xFFFFF600  }
0x65: {  	[spmem:s2] =	stream.indirect.scatter.add.bf16 [tilespmem:s22], [sflag:$0x3], $0x20, s31, s21, $0xb8;
	[tilespmem:$0xB040] =	vst v63  }
0x66: {  	_ =	swait.ge [sflag:s25], $0xA00  }
0x67: {  	[sflag:s25] =	ssyncset.done $0x0  }
0x68: {  	s31 =	simm.s32 $0x2D0;
	[sflag:s25] =	ssyncadd.s32 $0xFFFFF600  }
0x69: {  	[tilespmem:s22], [sflag:$0x1] =	stream.indirect.gather [hbm4b:s4+s21], $0x20, s31, s21, $0xb8;
	[tilespmem:$0xB040] =	vst v63  }
0x6a: {  	_ =	swait.ge [sflag:s28], $0xA00  }
0x6b: {  	[sflag:s28] =	ssyncset.done $0x0  }
0x6c: {  	s31 =	simm.s32 $0x2990;
	[sflag:s28] =	ssyncadd.s32 $0xFFFFF600  }
0x6d: {  	[spmem:s2] =	stream.indirect.scatter.add.bf16 [tilespmem:s23], [sflag:$0x4], $0x20, s31, s21, $0xb8;
	[tilespmem:$0xB040] =	vst v63  }
0x6e: {  	_ =	swait.ge [sflag:s24], $0xA00  }
0x6f: {  	[sflag:s24] =	ssyncset.done $0x0  }
0x70: {  	s29 =	simm.s32 $0x29E0;
	s26 =	simm.s32 $0x640;
	[sflag:s24] =	ssyncadd.s32 $0xFFFFF600  }
.LBB2_2:
0x71: {  	[spmem:s2] =	stream.indirect.scatter.add.bf16 [tilespmem:s22], [sflag:$0x3], $0x20, s29, s21, $0xb8;
	[tilespmem:$0xB040] =	vst v63  }
0x72: {  	s29 =	smov.u32 s26  }
0x73: {  	p5 =	sne.s32 s26, $0x8FC0;
	s26 =	sadd.s32 $0x640, s26;
	_ =	swait.ge [sflag:s25], $0xA00  }
0x74: {  	[sflag:s25] =	ssyncset.done $0x0  }
0x75: {  	[sflag:s25] =	ssyncadd.s32 $0xFFFFF600  }
0x76: {  	_ =	swait.ge [sflag:s30], $0xA00  }
0x77: {  	s29 =	sshra.s32 s29, $0x2;
	[sflag:s30] =	ssyncset.done $0x0  }
0x78: {  	s31 =	sadd.s32 $0x190, s29;
	[sflag:s30] =	ssyncadd.s32 $0xFFFFF600  }
0x79: {  	[tilespmem:s22], [sflag:$0x1] =	stream.indirect.gather [hbm4b:s4+s21], $0x20, s31, s21, $0xb8;
	[tilespmem:$0xB040] =	vst v63  }
0x7a: {  	s31 =	sadd.s32 $0x1E0, s29  }
0x7b: {  	[tilespmem:s23], [sflag:$0x2] =	stream.indirect.gather [hbm4b:s4+s21], $0x20, s31, s21, $0xb8;
	[tilespmem:$0xB040] =	vst v63  }
0x7c: {  	_ =	swait.ge [sflag:s24], $0xA00  }
0x7d: {  	[sflag:s24] =	ssyncset.done $0x0  }
0x7e: {  	s31 =	sadd.s32 $0x28A0, s29;
	[sflag:s24] =	ssyncadd.s32 $0xFFFFF600  }
0x7f: {  	[spmem:s2] =	stream.indirect.scatter.add.bf16 [tilespmem:s22], [sflag:$0x3], $0x20, s31, s21, $0xb8;
	[tilespmem:$0xB040] =	vst v63  }
0x80: {  	_ =	swait.ge [sflag:s25], $0xA00  }
0x81: {  	[sflag:s25] =	ssyncset.done $0x0  }
0x82: {  	s31 =	sadd.s32 $0x230, s29;
	[sflag:s25] =	ssyncadd.s32 $0xFFFFF600  }
0x83: {  	[tilespmem:s22], [sflag:$0x1] =	stream.indirect.gather [hbm4b:s4+s21], $0x20, s31, s21, $0xb8;
	[tilespmem:$0xB040] =	vst v63  }
0x84: {  	_ =	swait.ge [sflag:s28], $0xA00  }
0x85: {  	[sflag:s28] =	ssyncset.done $0x0  }
0x86: {  	s31 =	sadd.s32 $0x28F0, s29;
	[sflag:s28] =	ssyncadd.s32 $0xFFFFF600  }
0x87: {  	[spmem:s2] =	stream.indirect.scatter.add.bf16 [tilespmem:s23], [sflag:$0x4], $0x20, s31, s21, $0xb8;
	[tilespmem:$0xB040] =	vst v63  }
0x88: {  	_ =	swait.ge [sflag:s30], $0xA00  }
0x89: {  	[sflag:s30] =	ssyncset.done $0x0  }
0x8a: {  	s31 =	sadd.s32 $0x280, s29;
	[sflag:s30] =	ssyncadd.s32 $0xFFFFF600  }
0x8b: {  	[tilespmem:s23], [sflag:$0x2] =	stream.indirect.gather [hbm4b:s4+s21], $0x20, s31, s21, $0xb8;
	[tilespmem:$0xB040] =	vst v63  }
0x8c: {  	_ =	swait.ge [sflag:s24], $0xA00  }
0x8d: {  	[sflag:s24] =	ssyncset.done $0x0  }
0x8e: {  	s31 =	sadd.s32 $0x2940, s29;
	[sflag:s24] =	ssyncadd.s32 $0xFFFFF600  }
0x8f: {  	[spmem:s2] =	stream.indirect.scatter.add.bf16 [tilespmem:s22], [sflag:$0x3], $0x20, s31, s21, $0xb8;
	[tilespmem:$0xB040] =	vst v63  }
0x90: {  	_ =	swait.ge [sflag:s25], $0xA00  }
0x91: {  	[sflag:s25] =	ssyncset.done $0x0  }
0x92: {  	s31 =	sadd.s32 $0x2D0, s29;
	[sflag:s25] =	ssyncadd.s32 $0xFFFFF600  }
0x93: {  	[tilespmem:s22], [sflag:$0x1] =	stream.indirect.gather [hbm4b:s4+s21], $0x20, s31, s21, $0xb8;
	[tilespmem:$0xB040] =	vst v63  }
0x94: {  	_ =	swait.ge [sflag:s28], $0xA00  }
0x95: {  	[sflag:s28] =	ssyncset.done $0x0  }
.Ltmp0:
0x96: {  	s31 =	sadd.s32 $0x2990, s29;
	[sflag:s28] =	ssyncadd.s32 $0xFFFFF600;
	(pc) =	sbr.rel @p5 .LBB2_2-.Ltmp0, $4  }
0x97: {  	[spmem:s2] =	stream.indirect.scatter.add.bf16 [tilespmem:s23], [sflag:$0x4], $0x20, s31, s21, $0xb8;
	[tilespmem:$0xB040] =	vst v63  }
0x98: {  	_ =	swait.ge [sflag:s24], $0xA00  }
0x99: {  	[sflag:s24] =	ssyncset.done $0x0  }
0x9a: {  	s29 =	sadd.s32 $0x29E0, s29;
	[sflag:s24] =	ssyncadd.s32 $0xFFFFF600  }
0x9b: {  	[spmem:s2] =	stream.indirect.scatter.add.bf16 [tilespmem:s22], [sflag:$0x3], $0x20, s29, s21, $0xb8;
	[tilespmem:$0xB040] =	vst v63  }
0x9c: {  	_ =	swait.ge [sflag:s25], $0xA00  }
0x9d: {  	[sflag:s25] =	ssyncset.done $0x0  }
0x9e: {  	[sflag:s25] =	ssyncadd.s32 $0xFFFFF600  }
0x9f: {  	_ =	swait.ge [sflag:s30], $0xA00  }
0xa0: {  	[sflag:s30] =	ssyncset.done $0x0  }
0xa1: {  	[sflag:s30] =	ssyncadd.s32 $0xFFFFF600  }
0xa2: {  	s26 =	sshrl.u32 @!p1 s7, $0x3;
	s29 =	simm.s32 @!p1 $0x1FC5;
	[bflag:$0x0] =	sbarrier.arrive $0xFFFF  }
0xa3: {  	[hbm:s14], [sflag:s29] =	dma.local @!p1 [spmem:s26], $0x640  }
0xa4: {  	s26 =	simm.s32 @!p1 $0x5  }
0xa5: {  	_ =	swait.ge @!p1 [sflag:s26], $0x640  }
0xa6: {  	[sflag:s26] =	ssyncset.done @!p1 $0x0  }
0xa7: {  	s29 =	simm.s32 @!p2 $0x1FC5;
	[sflag:s26] =	ssyncadd.s32 @!p1 $0xFFFFF9C0;
	s26 =	sshrl.u32 @!p2 s7, $0x3  }
0xa8: {  	[hbm:s13], [sflag:s29] =	dma.local @!p2 [spmem:s26], $0x640  }
0xa9: {  	s26 =	simm.s32 @!p2 $0x5  }
0xaa: {  	_ =	swait.ge @!p2 [sflag:s26], $0x640  }
0xab: {  	s29 =	sshll.u32 @!p3 s0, $0x6;
	[sflag:s26] =	ssyncset.done @!p2 $0x0  }
0xac: {  	[sflag:s26] =	ssyncadd.s32 @!p2 $0xFFFFF9C0;
	s26 =	sor.u32 @!p3 $0x1C05, s29;
	s29 =	sshrl.u32 @!p3 s5, $0x3  }
0xad: {  	[hbm:s12], [sflag:s26] =	dma.local @!p3 [spmem:s29], $0xA00  }
0xae: {  	s26 =	simm.s32 @!p3 $0x5  }
0xaf: {  	s1 =	sadd.s32 $0x1, s1;
	_ =	swait.ge @!p3 [sflag:s26], $0xA00  }
0xb0: {  	p5 =	sne.s32 s1, s15;
	s29 =	sshll.u32 @!p4 s0, $0x6;
	[sflag:s26] =	ssyncset.done @!p3 $0x0  }
0xb1: {  	[sflag:s26] =	ssyncadd.s32 @!p3 $0xFFFFF600;
	s26 =	sor.u32 @!p4 $0x1C05, s29;
	s29 =	sshrl.u32 @!p4 s5, $0x3  }
0xb2: {  	[hbm:s11], [sflag:s26] =	dma.local @!p4 [spmem:s29], $0xA00  }
.Ltmp1:
0xb3: {  	_ = 	snop;
	(pc) =	sbr.rel @p5 .LBB2_1-.Ltmp1, $4  }
0xb4: {  	s26 =	simm.s32 @!p4 $0x5  }
0xb5: {  	_ =	swait.ge @!p4 [sflag:s26], $0xA00  }
0xb6: {  	[sflag:s26] =	ssyncset.done @!p4 $0x0  }
0xb7: {  	[sflag:s26] =	ssyncadd.s32 @!p4 $0xFFFFF600  }
0xb8: {  	_ =	sfence.sel $0x180000  }
0xb9: {  	[bflag:$0x0] =	sbarrier.arrive $0xFFFF  }
0xba: {  	_ =	strace $0x9000004A  }
0xbb: {  	[bflag:$0x2] =	sbarrier.arrive $0xFFFF  }
0xbc: {  	p0 =	sne.s32 s0, $0x0;
	s0 =	rddreg [dreg:$0x2]  }
0xbd: {  	s0 =	sadd.s32 @!p0 $0x100000, s0  }
0xbe: {  	[sflag:s0] =	ssyncadd.tile.s32 @!p0 $0x1;
	_ =	shalt  }
.Lfunc_end2:
_tile_overlayer_lowered:
.L_overlay_start_2:
0xbf: {  	(tag) =	ssettag $0x2  }
0xc0: {  	s0 =	rddreg [dreg:$0x0];
	s2 =	stileid.u32  }
0xc1: {  	s1 =	rddreg [dreg:$0x1];
	p0 =	sne.s32 s2, $0x0  }
0xc2: {  	s3 =	rddreg [dreg:$0x2];
	[bflag:$0x3] =	sbarrier.arrive $0xFFFF;
	s2 =	simm.s32 @!p0 $0x1C05  }
0xc3: {  	[timem:s3], [sflag:s2] =	dma.local @!p0 [hbm:s0], s1  }
0xc4: {  	s0 =	simm.s32 @!p0 $0x5  }
0xc5: {  	_ =	swait.ge @!p0 [sflag:s0], s1  }
0xc6: {  	s1 =	ssub.s32 @!p0 $0x0, s1;
	[sflag:s0] =	ssyncset.done @!p0 $0x0  }
0xc7: {  	[sflag:s0] =	ssyncadd.s32 @!p0 s1  }
0xc8: {  	[bflag:$0x3] =	sbarrier.arrive $0xFFFF  }
0xc9: {  	_ =	shalt  }

</sc_bundles>
